<compile_context>
chip_gen: v7x
topology: tpu7x:2x2x1
jax: 0.10.2.dev20260603
libtpu: 0.0.44.dev20260713+nightly
codegen_flags: <defaults>
</compile_context>

<pallas_src>
import functools

import jax
import jax.numpy as jnp
from jax import lax
from jax.experimental import pallas as pl
from jax.experimental.pallas import tpu as pltpu
from jax.experimental.pallas import tpu_sc as plsc

_NUM_TABLES = 4
_EMB = 32
_NW = 32
_CHUNK = 128
_LANES = 16


@functools.partial(jax.jit, static_argnames=("batch",))
def _gather_concat(idx2d, t0, t1, t2, t3, *, batch):
    b_per_w = batch // _NW
    n_chunks = b_per_w // _CHUNK

    mesh = plsc.VectorSubcoreMesh(core_axis_name="c", subcore_axis_name="s")

    @functools.partial(
        pl.kernel,
        out_type=jax.ShapeDtypeStruct((batch * _NUM_TABLES, _EMB),
                                      jnp.float32),
        mesh=mesh,
        scratch_types=[
            pltpu.VMEM((n_chunks, _CHUNK), jnp.int32),
            pltpu.VMEM((_NUM_TABLES * n_chunks, _CHUNK), jnp.int32),
            pltpu.VMEM((b_per_w, _EMB), jnp.float32),
            pltpu.VMEM((b_per_w, _EMB), jnp.float32),
            pltpu.VMEM((b_per_w, _EMB), jnp.float32),
            pltpu.VMEM((b_per_w, _EMB), jnp.float32),
            pltpu.SemaphoreType.DMA,
        ],
        compiler_params=pltpu.CompilerParams(use_tc_tiling_on_sc=False),
    )
    def k(idx_hbm, t0_hbm, t1_hbm, t2_hbm, t3_hbm, out_hbm,
          idx_v, sidx_v, r0, r1, r2, r3, sem):
        wid = lax.axis_index("s") * 2 + lax.axis_index("c")
        base = wid * b_per_w
        pltpu.sync_copy(idx_hbm.at[pl.ds(wid * n_chunks, n_chunks)], idx_v)
        gathers = []
        for t, r in ((t0_hbm, r0), (t1_hbm, r1), (t2_hbm, r2), (t3_hbm, r3)):
            for j in range(n_chunks):
                gathers.append(
                    pltpu.async_copy(
                        t.at[idx_v.at[j]],
                        r.at[pl.ds(j * _CHUNK, _CHUNK)],
                        sem,
                    ))
        lanes = lax.broadcasted_iota(jnp.int32, (_LANES,), 0)
        for j in range(n_chunks):
            for c in range(_CHUNK // _LANES):
                gv4 = (base + j * _CHUNK + c * _LANES) * _NUM_TABLES \
                    + lanes * _NUM_TABLES
                for m in range(_NUM_TABLES):
                    sidx_v[m * n_chunks + j, pl.ds(c * _LANES, _LANES)] = \
                        gv4 + m
        for g in gathers:
            g.wait()
        scatters = []
        for m, r in enumerate((r0, r1, r2, r3)):
            for j in range(n_chunks):
                scatters.append(
                    pltpu.async_copy(
                        r.at[pl.ds(j * _CHUNK, _CHUNK)],
                        out_hbm.at[sidx_v.at[m * n_chunks + j]],
                        sem,
                    ))
        for s in scatters:
            s.wait()

    return k(idx2d, t0, t1, t2, t3)


def kernel(indexes, table0, table1, table2, table3):
    batch = indexes.shape[0]
    idx2d = indexes.astype(jnp.int32).reshape(batch // _CHUNK, _CHUNK)
    out = _gather_concat(idx2d, table0, table1, table2, table3, batch=batch)
    return out.reshape(batch, _NUM_TABLES * _EMB)

# --- scband reference (transcript-rebuilt; emitter-appended) ---
"""Pipeline reference for scband-concatenation-24850680775088 (READ-ONLY COPY).

The authoritative reference and input builder live on the scoring server;
editing this copy changes nothing except your own understanding.
"""

import jax, jax.numpy as jnp
import numpy as np

NUM_MODELS = 4
VOCAB = 100000
EMB_DIM = 32
BATCH = 16384

def setup_inputs(seed: int = 0) -> dict:
    key = jax.random.key(seed)
    k_idx, k0, k1, k2, k3 = jax.random.split(key, 5)
    indexes = jax.random.randint(k_idx, (BATCH,), 0, VOCAB, dtype=jnp.int64 if jax.config.jax_enable_x64 else jnp.int32)
    table0 = jax.random.normal(k0, (VOCAB, EMB_DIM), dtype=jnp.float32)
    table1 = jax.random.normal(k1, (VOCAB, EMB_DIM), dtype=jnp.float32)
    table2 = jax.random.normal(k2, (VOCAB, EMB_DIM), dtype=jnp.float32)
    table3 = jax.random.normal(k3, (VOCAB, EMB_DIM), dtype=jnp.float32)
    return {"indexes": indexes, "table0": table0, "table1": table1, "table2": table2, "table3": table3}

def reference(indexes, table0, table1, table2, table3):
    # fetch_model_embeddings: per-model embedding lookup (gather rows by index)
    embeds = [jnp.take(t, indexes, axis=0) for t in (table0, table1, table2, table3)]
    # concat_embeds: concatenate along feature dim (dim=1)
    out = jnp.concatenate(embeds, axis=1)
    return out

if __name__ == "__main__":
    import jax
    _d = setup_inputs()
    print(jax.jit(kernel)(*tuple(_d.values())))

</pallas_src>

<mosaic_0001>
#map = affine_map<(d0, d1) -> (0, 0)>
module attributes {stable_mosaic.version = 14 : i64} {
  func.func @k(%arg0: i32, %arg1: i32, %arg2: memref<128x128xi32, #tpu.memory_space<hbm>>, %arg3: memref<100000x32xf32, #tpu.memory_space<hbm>>, %arg4: memref<100000x32xf32, #tpu.memory_space<hbm>>, %arg5: memref<100000x32xf32, #tpu.memory_space<hbm>>, %arg6: memref<100000x32xf32, #tpu.memory_space<hbm>>, %arg7: memref<65536x32xf32, #tpu.memory_space<hbm>>, %arg8: memref<4x128xi32, #tpu.memory_space<vmem>>, %arg9: memref<16x128xi32, #tpu.memory_space<vmem>>, %arg10: memref<512x32xf32, #tpu.memory_space<vmem>>, %arg11: memref<512x32xf32, #tpu.memory_space<vmem>>, %arg12: memref<512x32xf32, #tpu.memory_space<vmem>>, %arg13: memref<512x32xf32, #tpu.memory_space<vmem>>, %arg14: memref<!tpu.dma_semaphore, #tpu.memory_space<semaphore_mem>>) attributes {dimension_semantics = [#tpu.dimension_semantics<core_parallel>, #tpu.dimension_semantics<subcore_parallel>], iteration_bounds = array<i64: 2, 16>, scalar_prefetch = 0 : i64, scratch_operands = 7 : i64, tpu.core_type = #tpu.core_type<sc_vector_subcore>, window_params = [{transform_indices = #map}, {transform_indices = #map}, {transform_indices = #map}, {transform_indices = #map}, {transform_indices = #map}, {transform_indices = #map}]} {
    %mul3A = arith.constant 2 : i32
    %mul3A_0 = arith.muli %arg1, %mul3A : i32
    %add3A = arith.addi %mul3A_0, %arg0 : i32
    %mul3A_1 = arith.constant 512 : i32
    %mul3A_2 = arith.muli %add3A, %mul3A_1 : i32
    %mul3A_3 = arith.constant 4 : i32
    %mul3A_4 = arith.muli %add3A, %mul3A_3 : i32
    "tpu.region"() ({
      %run_scoped3A = tpu.sem_alloc : memref<!tpu.dma_semaphore, #tpu.memory_space<semaphore_mem>>
      %dma_start3A_2146 = arith.constant 0 : i32
      %dma_start3A_2147 = tpu.memref_slice %arg2[%mul3A_4, %dma_start3A_2146] : memref<128x128xi32, #tpu.memory_space<hbm>> -> memref<4x128xi32, #tpu.memory_space<hbm>>
      %dma_start3A_2148 = arith.constant 0 : i32
      %dma_start3A_2149 = tpu.memref_slice %arg2[%mul3A_4, %dma_start3A_2148] : memref<128x128xi32, #tpu.memory_space<hbm>> -> memref<4x128xi32, #tpu.memory_space<hbm>>
      tpu.enqueue_dma source(%dma_start3A_2149 : memref<4x128xi32, #tpu.memory_space<hbm>>) target(%arg8 : memref<4x128xi32, #tpu.memory_space<vmem>>) target_semaphore(%run_scoped3A : memref<!tpu.dma_semaphore, #tpu.memory_space<semaphore_mem>>)
      %dma_wait3A_2150 = arith.constant 0 : i32
      %dma_wait3A_2151 = tpu.memref_slice %arg2[%mul3A_4, %dma_wait3A_2150] : memref<128x128xi32, #tpu.memory_space<hbm>> -> memref<4x128xi32, #tpu.memory_space<hbm>>
      %dma_wait3A_2152 = arith.constant 0 : i32
      %dma_wait3A_2153 = tpu.memref_slice %arg2[%mul3A_4, %dma_wait3A_2152] : memref<128x128xi32, #tpu.memory_space<hbm>> -> memref<4x128xi32, #tpu.memory_space<hbm>>
      tpu.wait_dma2 semaphore(%run_scoped3A : memref<!tpu.dma_semaphore, #tpu.memory_space<semaphore_mem>>) src(%dma_wait3A_2153 : memref<4x128xi32, #tpu.memory_space<hbm>>) dst(%arg8 : memref<4x128xi32, #tpu.memory_space<vmem>>)
      tpu.yield
    }) : () -> ()
    %dma_start3A = arith.constant 0 : i32
    %dma_start3A_5 = arith.constant 0 : i32
    %dma_start3A_6 = arith.constant 0 : i32
    %dma_start3A_7 = tpu.memref_slice %arg10[%dma_start3A_5, %dma_start3A_6] : memref<512x32xf32, #tpu.memory_space<vmem>> -> memref<128x32xf32, #tpu.memory_space<vmem>>
    %dma_start3A_8 = arith.constant 0 : i32
    %dma_start3A_9 = tpu.memref_slice %arg8[%dma_start3A, %dma_start3A_8] : memref<4x128xi32, #tpu.memory_space<vmem>> -> memref<1x128xi32, #tpu.memory_space<vmem>>
    %dma_start3A_10 = tpu.memref_squeeze %dma_start3A_9 : memref<1x128xi32, #tpu.memory_space<vmem>> -> memref<128xi32, #tpu.memory_space<vmem>>
    %dma_start3A_11 = arith.constant 0 : i32
    %dma_start3A_12 = arith.constant 0 : i32
    %dma_start3A_13 = tpu.memref_slice %arg3[%dma_start3A_11, %dma_start3A_12] : memref<100000x32xf32, #tpu.memory_space<hbm>> -> memref<100000x32xf32, #tpu.memory_space<hbm>>
    tpu.enqueue_indirect_dma source(%dma_start3A_13 : memref<100000x32xf32, #tpu.memory_space<hbm>>) target(%dma_start3A_7 : memref<128x32xf32, #tpu.memory_space<vmem>>) offsets(%dma_start3A_10 : memref<128xi32, #tpu.memory_space<vmem>>) semaphore(%arg14 : memref<!tpu.dma_semaphore, #tpu.memory_space<semaphore_mem>>)
    %dma_start3A_14 = arith.constant 1 : i32
    %dma_start3A_15 = arith.constant 128 : i32
    %dma_start3A_16 = arith.constant 0 : i32
    %dma_start3A_17 = tpu.memref_slice %arg10[%dma_start3A_15, %dma_start3A_16] : memref<512x32xf32, #tpu.memory_space<vmem>> -> memref<128x32xf32, #tpu.memory_space<vmem>>
    %dma_start3A_18 = arith.constant 0 : i32
    %dma_start3A_19 = tpu.memref_slice %arg8[%dma_start3A_14, %dma_start3A_18] : memref<4x128xi32, #tpu.memory_space<vmem>> -> memref<1x128xi32, #tpu.memory_space<vmem>>
    %dma_start3A_20 = tpu.memref_squeeze %dma_start3A_19 : memref<1x128xi32, #tpu.memory_space<vmem>> -> memref<128xi32, #tpu.memory_space<vmem>>
    %dma_start3A_21 = arith.constant 0 : i32
    %dma_start3A_22 = arith.constant 0 : i32
    %dma_start3A_23 = tpu.memref_slice %arg3[%dma_start3A_21, %dma_start3A_22] : memref<100000x32xf32, #tpu.memory_space<hbm>> -> memref<100000x32xf32, #tpu.memory_space<hbm>>
    tpu.enqueue_indirect_dma source(%dma_start3A_23 : memref<100000x32xf32, #tpu.memory_space<hbm>>) target(%dma_start3A_17 : memref<128x32xf32, #tpu.memory_space<vmem>>) offsets(%dma_start3A_20 : memref<128xi32, #tpu.memory_space<vmem>>) semaphore(%arg14 : memref<!tpu.dma_semaphore, #tpu.memory_space<semaphore_mem>>)
    %dma_start3A_24 = arith.constant 2 : i32
    %dma_start3A_25 = arith.constant 256 : i32
    %dma_start3A_26 = arith.constant 0 : i32
    %dma_start3A_27 = tpu.memref_slice %arg10[%dma_start3A_25, %dma_start3A_26] : memref<512x32xf32, #tpu.memory_space<vmem>> -> memref<128x32xf32, #tpu.memory_space<vmem>>
    %dma_start3A_28 = arith.constant 0 : i32
    %dma_start3A_29 = tpu.memref_slice %arg8[%dma_start3A_24, %dma_start3A_28] : memref<4x128xi32, #tpu.memory_space<vmem>> -> memref<1x128xi32, #tpu.memory_space<vmem>>
    %dma_start3A_30 = tpu.memref_squeeze %dma_start3A_29 : memref<1x128xi32, #tpu.memory_space<vmem>> -> memref<128xi32, #tpu.memory_space<vmem>>
    %dma_start3A_31 = arith.constant 0 : i32
    %dma_start3A_32 = arith.constant 0 : i32
    %dma_start3A_33 = tpu.memref_slice %arg3[%dma_start3A_31, %dma_start3A_32] : memref<100000x32xf32, #tpu.memory_space<hbm>> -> memref<100000x32xf32, #tpu.memory_space<hbm>>
    tpu.enqueue_indirect_dma source(%dma_start3A_33 : memref<100000x32xf32, #tpu.memory_space<hbm>>) target(%dma_start3A_27 : memref<128x32xf32, #tpu.memory_space<vmem>>) offsets(%dma_start3A_30 : memref<128xi32, #tpu.memory_space<vmem>>) semaphore(%arg14 : memref<!tpu.dma_semaphore, #tpu.memory_space<semaphore_mem>>)
    %dma_start3A_34 = arith.constant 3 : i32
    %dma_start3A_35 = arith.constant 384 : i32
    %dma_start3A_36 = arith.constant 0 : i32
    %dma_start3A_37 = tpu.memref_slice %arg10[%dma_start3A_35, %dma_start3A_36] : memref<512x32xf32, #tpu.memory_space<vmem>> -> memref<128x32xf32, #tpu.memory_space<vmem>>
    %dma_start3A_38 = arith.constant 0 : i32
    %dma_start3A_39 = tpu.memref_slice %arg8[%dma_start3A_34, %dma_start3A_38] : memref<4x128xi32, #tpu.memory_space<vmem>> -> memref<1x128xi32, #tpu.memory_space<vmem>>
    %dma_start3A_40 = tpu.memref_squeeze %dma_start3A_39 : memref<1x128xi32, #tpu.memory_space<vmem>> -> memref<128xi32, #tpu.memory_space<vmem>>
    %dma_start3A_41 = arith.constant 0 : i32
    %dma_start3A_42 = arith.constant 0 : i32
    %dma_start3A_43 = tpu.memref_slice %arg3[%dma_start3A_41, %dma_start3A_42] : memref<100000x32xf32, #tpu.memory_space<hbm>> -> memref<100000x32xf32, #tpu.memory_space<hbm>>
    tpu.enqueue_indirect_dma source(%dma_start3A_43 : memref<100000x32xf32, #tpu.memory_space<hbm>>) target(%dma_start3A_37 : memref<128x32xf32, #tpu.memory_space<vmem>>) offsets(%dma_start3A_40 : memref<128xi32, #tpu.memory_space<vmem>>) semaphore(%arg14 : memref<!tpu.dma_semaphore, #tpu.memory_space<semaphore_mem>>)
    %dma_start3A_44 = arith.constant 0 : i32
    %dma_start3A_45 = arith.constant 0 : i32
    %dma_start3A_46 = arith.constant 0 : i32
    %dma_start3A_47 = tpu.memref_slice %arg11[%dma_start3A_45, %dma_start3A_46] : memref<512x32xf32, #tpu.memory_space<vmem>> -> memref<128x32xf32, #tpu.memory_space<vmem>>
    %dma_start3A_48 = arith.constant 0 : i32
    %dma_start3A_49 = tpu.memref_slice %arg8[%dma_start3A_44, %dma_start3A_48] : memref<4x128xi32, #tpu.memory_space<vmem>> -> memref<1x128xi32, #tpu.memory_space<vmem>>
    %dma_start3A_50 = tpu.memref_squeeze %dma_start3A_49 : memref<1x128xi32, #tpu.memory_space<vmem>> -> memref<128xi32, #tpu.memory_space<vmem>>
    %dma_start3A_51 = arith.constant 0 : i32
    %dma_start3A_52 = arith.constant 0 : i32
    %dma_start3A_53 = tpu.memref_slice %arg4[%dma_start3A_51, %dma_start3A_52] : memref<100000x32xf32, #tpu.memory_space<hbm>> -> memref<100000x32xf32, #tpu.memory_space<hbm>>
    tpu.enqueue_indirect_dma source(%dma_start3A_53 : memref<100000x32xf32, #tpu.memory_space<hbm>>) target(%dma_start3A_47 : memref<128x32xf32, #tpu.memory_space<vmem>>) offsets(%dma_start3A_50 : memref<128xi32, #tpu.memory_space<vmem>>) semaphore(%arg14 : memref<!tpu.dma_semaphore, #tpu.memory_space<semaphore_mem>>)
    %dma_start3A_54 = arith.constant 1 : i32
    %dma_start3A_55 = arith.constant 128 : i32
    %dma_start3A_56 = arith.constant 0 : i32
    %dma_start3A_57 = tpu.memref_slice %arg11[%dma_start3A_55, %dma_start3A_56] : memref<512x32xf32, #tpu.memory_space<vmem>> -> memref<128x32xf32, #tpu.memory_space<vmem>>
    %dma_start3A_58 = arith.constant 0 : i32
    %dma_start3A_59 = tpu.memref_slice %arg8[%dma_start3A_54, %dma_start3A_58] : memref<4x128xi32, #tpu.memory_space<vmem>> -> memref<1x128xi32, #tpu.memory_space<vmem>>
    %dma_start3A_60 = tpu.memref_squeeze %dma_start3A_59 : memref<1x128xi32, #tpu.memory_space<vmem>> -> memref<128xi32, #tpu.memory_space<vmem>>
    %dma_start3A_61 = arith.constant 0 : i32
    %dma_start3A_62 = arith.constant 0 : i32
    %dma_start3A_63 = tpu.memref_slice %arg4[%dma_start3A_61, %dma_start3A_62] : memref<100000x32xf32, #tpu.memory_space<hbm>> -> memref<100000x32xf32, #tpu.memory_space<hbm>>
    tpu.enqueue_indirect_dma source(%dma_start3A_63 : memref<100000x32xf32, #tpu.memory_space<hbm>>) target(%dma_start3A_57 : memref<128x32xf32, #tpu.memory_space<vmem>>) offsets(%dma_start3A_60 : memref<128xi32, #tpu.memory_space<vmem>>) semaphore(%arg14 : memref<!tpu.dma_semaphore, #tpu.memory_space<semaphore_mem>>)
    %dma_start3A_64 = arith.constant 2 : i32
    %dma_start3A_65 = arith.constant 256 : i32
    %dma_start3A_66 = arith.constant 0 : i32
    %dma_start3A_67 = tpu.memref_slice %arg11[%dma_start3A_65, %dma_start3A_66] : memref<512x32xf32, #tpu.memory_space<vmem>> -> memref<128x32xf32, #tpu.memory_space<vmem>>
    %dma_start3A_68 = arith.constant 0 : i32
    %dma_start3A_69 = tpu.memref_slice %arg8[%dma_start3A_64, %dma_start3A_68] : memref<4x128xi32, #tpu.memory_space<vmem>> -> memref<1x128xi32, #tpu.memory_space<vmem>>
    %dma_start3A_70 = tpu.memref_squeeze %dma_start3A_69 : memref<1x128xi32, #tpu.memory_space<vmem>> -> memref<128xi32, #tpu.memory_space<vmem>>
    %dma_start3A_71 = arith.constant 0 : i32
    %dma_start3A_72 = arith.constant 0 : i32
    %dma_start3A_73 = tpu.memref_slice %arg4[%dma_start3A_71, %dma_start3A_72] : memref<100000x32xf32, #tpu.memory_space<hbm>> -> memref<100000x32xf32, #tpu.memory_space<hbm>>
    tpu.enqueue_indirect_dma source(%dma_start3A_73 : memref<100000x32xf32, #tpu.memory_space<hbm>>) target(%dma_start3A_67 : memref<128x32xf32, #tpu.memory_space<vmem>>) offsets(%dma_start3A_70 : memref<128xi32, #tpu.memory_space<vmem>>) semaphore(%arg14 : memref<!tpu.dma_semaphore, #tpu.memory_space<semaphore_mem>>)
    %dma_start3A_74 = arith.constant 3 : i32
    %dma_start3A_75 = arith.constant 384 : i32
    %dma_start3A_76 = arith.constant 0 : i32
    %dma_start3A_77 = tpu.memref_slice %arg11[%dma_start3A_75, %dma_start3A_76] : memref<512x32xf32, #tpu.memory_space<vmem>> -> memref<128x32xf32, #tpu.memory_space<vmem>>
    %dma_start3A_78 = arith.constant 0 : i32
    %dma_start3A_79 = tpu.memref_slice %arg8[%dma_start3A_74, %dma_start3A_78] : memref<4x128xi32, #tpu.memory_space<vmem>> -> memref<1x128xi32, #tpu.memory_space<vmem>>
    %dma_start3A_80 = tpu.memref_squeeze %dma_start3A_79 : memref<1x128xi32, #tpu.memory_space<vmem>> -> memref<128xi32, #tpu.memory_space<vmem>>
    %dma_start3A_81 = arith.constant 0 : i32
    %dma_start3A_82 = arith.constant 0 : i32
    %dma_start3A_83 = tpu.memref_slice %arg4[%dma_start3A_81, %dma_start3A_82] : memref<100000x32xf32, #tpu.memory_space<hbm>> -> memref<100000x32xf32, #tpu.memory_space<hbm>>
    tpu.enqueue_indirect_dma source(%dma_start3A_83 : memref<100000x32xf32, #tpu.memory_space<hbm>>) target(%dma_start3A_77 : memref<128x32xf32, #tpu.memory_space<vmem>>) offsets(%dma_start3A_80 : memref<128xi32, #tpu.memory_space<vmem>>) semaphore(%arg14 : memref<!tpu.dma_semaphore, #tpu.memory_space<semaphore_mem>>)
    %dma_start3A_84 = arith.constant 0 : i32
    %dma_start3A_85 = arith.constant 0 : i32
    %dma_start3A_86 = arith.constant 0 : i32
    %dma_start3A_87 = tpu.memref_slice %arg12[%dma_start3A_85, %dma_start3A_86] : memref<512x32xf32, #tpu.memory_space<vmem>> -> memref<128x32xf32, #tpu.memory_space<vmem>>
    %dma_start3A_88 = arith.constant 0 : i32
    %dma_start3A_89 = tpu.memref_slice %arg8[%dma_start3A_84, %dma_start3A_88] : memref<4x128xi32, #tpu.memory_space<vmem>> -> memref<1x128xi32, #tpu.memory_space<vmem>>
    %dma_start3A_90 = tpu.memref_squeeze %dma_start3A_89 : memref<1x128xi32, #tpu.memory_space<vmem>> -> memref<128xi32, #tpu.memory_space<vmem>>
    %dma_start3A_91 = arith.constant 0 : i32
    %dma_start3A_92 = arith.constant 0 : i32
    %dma_start3A_93 = tpu.memref_slice %arg5[%dma_start3A_91, %dma_start3A_92] : memref<100000x32xf32, #tpu.memory_space<hbm>> -> memref<100000x32xf32, #tpu.memory_space<hbm>>
    tpu.enqueue_indirect_dma source(%dma_start3A_93 : memref<100000x32xf32, #tpu.memory_space<hbm>>) target(%dma_start3A_87 : memref<128x32xf32, #tpu.memory_space<vmem>>) offsets(%dma_start3A_90 : memref<128xi32, #tpu.memory_space<vmem>>) semaphore(%arg14 : memref<!tpu.dma_semaphore, #tpu.memory_space<semaphore_mem>>)
    %dma_start3A_94 = arith.constant 1 : i32
    %dma_start3A_95 = arith.constant 128 : i32
    %dma_start3A_96 = arith.constant 0 : i32
    %dma_start3A_97 = tpu.memref_slice %arg12[%dma_start3A_95, %dma_start3A_96] : memref<512x32xf32, #tpu.memory_space<vmem>> -> memref<128x32xf32, #tpu.memory_space<vmem>>
    %dma_start3A_98 = arith.constant 0 : i32
    %dma_start3A_99 = tpu.memref_slice %arg8[%dma_start3A_94, %dma_start3A_98] : memref<4x128xi32, #tpu.memory_space<vmem>> -> memref<1x128xi32, #tpu.memory_space<vmem>>
    %dma_start3A_100 = tpu.memref_squeeze %dma_start3A_99 : memref<1x128xi32, #tpu.memory_space<vmem>> -> memref<128xi32, #tpu.memory_space<vmem>>
    %dma_start3A_101 = arith.constant 0 : i32
    %dma_start3A_102 = arith.constant 0 : i32
    %dma_start3A_103 = tpu.memref_slice %arg5[%dma_start3A_101, %dma_start3A_102] : memref<100000x32xf32, #tpu.memory_space<hbm>> -> memref<100000x32xf32, #tpu.memory_space<hbm>>
    tpu.enqueue_indirect_dma source(%dma_start3A_103 : memref<100000x32xf32, #tpu.memory_space<hbm>>) target(%dma_start3A_97 : memref<128x32xf32, #tpu.memory_space<vmem>>) offsets(%dma_start3A_100 : memref<128xi32, #tpu.memory_space<vmem>>) semaphore(%arg14 : memref<!tpu.dma_semaphore, #tpu.memory_space<semaphore_mem>>)
    %dma_start3A_104 = arith.constant 2 : i32
    %dma_start3A_105 = arith.constant 256 : i32
    %dma_start3A_106 = arith.constant 0 : i32
    %dma_start3A_107 = tpu.memref_slice %arg12[%dma_start3A_105, %dma_start3A_106] : memref<512x32xf32, #tpu.memory_space<vmem>> -> memref<128x32xf32, #tpu.memory_space<vmem>>
    %dma_start3A_108 = arith.constant 0 : i32
    %dma_start3A_109 = tpu.memref_slice %arg8[%dma_start3A_104, %dma_start3A_108] : memref<4x128xi32, #tpu.memory_space<vmem>> -> memref<1x128xi32, #tpu.memory_space<vmem>>
    %dma_start3A_110 = tpu.memref_squeeze %dma_start3A_109 : memref<1x128xi32, #tpu.memory_space<vmem>> -> memref<128xi32, #tpu.memory_space<vmem>>
    %dma_start3A_111 = arith.constant 0 : i32
    %dma_start3A_112 = arith.constant 0 : i32
    %dma_start3A_113 = tpu.memref_slice %arg5[%dma_start3A_111, %dma_start3A_112] : memref<100000x32xf32, #tpu.memory_space<hbm>> -> memref<100000x32xf32, #tpu.memory_space<hbm>>
    tpu.enqueue_indirect_dma source(%dma_start3A_113 : memref<100000x32xf32, #tpu.memory_space<hbm>>) target(%dma_start3A_107 : memref<128x32xf32, #tpu.memory_space<vmem>>) offsets(%dma_start3A_110 : memref<128xi32, #tpu.memory_space<vmem>>) semaphore(%arg14 : memref<!tpu.dma_semaphore, #tpu.memory_space<semaphore_mem>>)
    %dma_start3A_114 = arith.constant 3 : i32
    %dma_start3A_115 = arith.constant 384 : i32
    %dma_start3A_116 = arith.constant 0 : i32
    %dma_start3A_117 = tpu.memref_slice %arg12[%dma_start3A_115, %dma_start3A_116] : memref<512x32xf32, #tpu.memory_space<vmem>> -> memref<128x32xf32, #tpu.memory_space<vmem>>
    %dma_start3A_118 = arith.constant 0 : i32
    %dma_start3A_119 = tpu.memref_slice %arg8[%dma_start3A_114, %dma_start3A_118] : memref<4x128xi32, #tpu.memory_space<vmem>> -> memref<1x128xi32, #tpu.memory_space<vmem>>
    %dma_start3A_120 = tpu.memref_squeeze %dma_start3A_119 : memref<1x128xi32, #tpu.memory_space<vmem>> -> memref<128xi32, #tpu.memory_space<vmem>>
    %dma_start3A_121 = arith.constant 0 : i32
    %dma_start3A_122 = arith.constant 0 : i32
    %dma_start3A_123 = tpu.memref_slice %arg5[%dma_start3A_121, %dma_start3A_122] : memref<100000x32xf32, #tpu.memory_space<hbm>> -> memref<100000x32xf32, #tpu.memory_space<hbm>>
    tpu.enqueue_indirect_dma source(%dma_start3A_123 : memref<100000x32xf32, #tpu.memory_space<hbm>>) target(%dma_start3A_117 : memref<128x32xf32, #tpu.memory_space<vmem>>) offsets(%dma_start3A_120 : memref<128xi32, #tpu.memory_space<vmem>>) semaphore(%arg14 : memref<!tpu.dma_semaphore, #tpu.memory_space<semaphore_mem>>)
    %dma_start3A_124 = arith.constant 0 : i32
    %dma_start3A_125 = arith.constant 0 : i32
    %dma_start3A_126 = arith.constant 0 : i32
    %dma_start3A_127 = tpu.memref_slice %arg13[%dma_start3A_125, %dma_start3A_126] : memref<512x32xf32, #tpu.memory_space<vmem>> -> memref<128x32xf32, #tpu.memory_space<vmem>>
    %dma_start3A_128 = arith.constant 0 : i32
    %dma_start3A_129 = tpu.memref_slice %arg8[%dma_start3A_124, %dma_start3A_128] : memref<4x128xi32, #tpu.memory_space<vmem>> -> memref<1x128xi32, #tpu.memory_space<vmem>>
    %dma_start3A_130 = tpu.memref_squeeze %dma_start3A_129 : memref<1x128xi32, #tpu.memory_space<vmem>> -> memref<128xi32, #tpu.memory_space<vmem>>
    %dma_start3A_131 = arith.constant 0 : i32
    %dma_start3A_132 = arith.constant 0 : i32
    %dma_start3A_133 = tpu.memref_slice %arg6[%dma_start3A_131, %dma_start3A_132] : memref<100000x32xf32, #tpu.memory_space<hbm>> -> memref<100000x32xf32, #tpu.memory_space<hbm>>
    tpu.enqueue_indirect_dma source(%dma_start3A_133 : memref<100000x32xf32, #tpu.memory_space<hbm>>) target(%dma_start3A_127 : memref<128x32xf32, #tpu.memory_space<vmem>>) offsets(%dma_start3A_130 : memref<128xi32, #tpu.memory_space<vmem>>) semaphore(%arg14 : memref<!tpu.dma_semaphore, #tpu.memory_space<semaphore_mem>>)
    %dma_start3A_134 = arith.constant 1 : i32
    %dma_start3A_135 = arith.constant 128 : i32
    %dma_start3A_136 = arith.constant 0 : i32
    %dma_start3A_137 = tpu.memref_slice %arg13[%dma_start3A_135, %dma_start3A_136] : memref<512x32xf32, #tpu.memory_space<vmem>> -> memref<128x32xf32, #tpu.memory_space<vmem>>
    %dma_start3A_138 = arith.constant 0 : i32
    %dma_start3A_139 = tpu.memref_slice %arg8[%dma_start3A_134, %dma_start3A_138] : memref<4x128xi32, #tpu.memory_space<vmem>> -> memref<1x128xi32, #tpu.memory_space<vmem>>
    %dma_start3A_140 = tpu.memref_squeeze %dma_start3A_139 : memref<1x128xi32, #tpu.memory_space<vmem>> -> memref<128xi32, #tpu.memory_space<vmem>>
    %dma_start3A_141 = arith.constant 0 : i32
    %dma_start3A_142 = arith.constant 0 : i32
    %dma_start3A_143 = tpu.memref_slice %arg6[%dma_start3A_141, %dma_start3A_142] : memref<100000x32xf32, #tpu.memory_space<hbm>> -> memref<100000x32xf32, #tpu.memory_space<hbm>>
    tpu.enqueue_indirect_dma source(%dma_start3A_143 : memref<100000x32xf32, #tpu.memory_space<hbm>>) target(%dma_start3A_137 : memref<128x32xf32, #tpu.memory_space<vmem>>) offsets(%dma_start3A_140 : memref<128xi32, #tpu.memory_space<vmem>>) semaphore(%arg14 : memref<!tpu.dma_semaphore, #tpu.memory_space<semaphore_mem>>)
    %dma_start3A_144 = arith.constant 2 : i32
    %dma_start3A_145 = arith.constant 256 : i32
    %dma_start3A_146 = arith.constant 0 : i32
    %dma_start3A_147 = tpu.memref_slice %arg13[%dma_start3A_145, %dma_start3A_146] : memref<512x32xf32, #tpu.memory_space<vmem>> -> memref<128x32xf32, #tpu.memory_space<vmem>>
    %dma_start3A_148 = arith.constant 0 : i32
    %dma_start3A_149 = tpu.memref_slice %arg8[%dma_start3A_144, %dma_start3A_148] : memref<4x128xi32, #tpu.memory_space<vmem>> -> memref<1x128xi32, #tpu.memory_space<vmem>>
    %dma_start3A_150 = tpu.memref_squeeze %dma_start3A_149 : memref<1x128xi32, #tpu.memory_space<vmem>> -> memref<128xi32, #tpu.memory_space<vmem>>
    %dma_start3A_151 = arith.constant 0 : i32
    %dma_start3A_152 = arith.constant 0 : i32
    %dma_start3A_153 = tpu.memref_slice %arg6[%dma_start3A_151, %dma_start3A_152] : memref<100000x32xf32, #tpu.memory_space<hbm>> -> memref<100000x32xf32, #tpu.memory_space<hbm>>
    tpu.enqueue_indirect_dma source(%dma_start3A_153 : memref<100000x32xf32, #tpu.memory_space<hbm>>) target(%dma_start3A_147 : memref<128x32xf32, #tpu.memory_space<vmem>>) offsets(%dma_start3A_150 : memref<128xi32, #tpu.memory_space<vmem>>) semaphore(%arg14 : memref<!tpu.dma_semaphore, #tpu.memory_space<semaphore_mem>>)
    %dma_start3A_154 = arith.constant 3 : i32
    %dma_start3A_155 = arith.constant 384 : i32
    %dma_start3A_156 = arith.constant 0 : i32
    %dma_start3A_157 = tpu.memref_slice %arg13[%dma_start3A_155, %dma_start3A_156] : memref<512x32xf32, #tpu.memory_space<vmem>> -> memref<128x32xf32, #tpu.memory_space<vmem>>
    %dma_start3A_158 = arith.constant 0 : i32
    %dma_start3A_159 = tpu.memref_slice %arg8[%dma_start3A_154, %dma_start3A_158] : memref<4x128xi32, #tpu.memory_space<vmem>> -> memref<1x128xi32, #tpu.memory_space<vmem>>
    %dma_start3A_160 = tpu.memref_squeeze %dma_start3A_159 : memref<1x128xi32, #tpu.memory_space<vmem>> -> memref<128xi32, #tpu.memory_space<vmem>>
    %dma_start3A_161 = arith.constant 0 : i32
    %dma_start3A_162 = arith.constant 0 : i32
    %dma_start3A_163 = tpu.memref_slice %arg6[%dma_start3A_161, %dma_start3A_162] : memref<100000x32xf32, #tpu.memory_space<hbm>> -> memref<100000x32xf32, #tpu.memory_space<hbm>>
    tpu.enqueue_indirect_dma source(%dma_start3A_163 : memref<100000x32xf32, #tpu.memory_space<hbm>>) target(%dma_start3A_157 : memref<128x32xf32, #tpu.memory_space<vmem>>) offsets(%dma_start3A_160 : memref<128xi32, #tpu.memory_space<vmem>>) semaphore(%arg14 : memref<!tpu.dma_semaphore, #tpu.memory_space<semaphore_mem>>)
    %iota3A = tpu.iota {dimensions = array<i32: 0>} : vector<16xi32>
    %add3A_164 = arith.constant 0 : i32
    %add3A_165 = arith.addi %mul3A_2, %add3A_164 : i32
    %add3A_166 = arith.constant 0 : i32
    %add3A_167 = arith.addi %add3A_165, %add3A_166 : i32
    %mul3A_168 = arith.constant 4 : i32
    %mul3A_169 = arith.muli %add3A_167, %mul3A_168 : i32
    %mul3A_170 = arith.constant 4 : i32
    %mul3A_171 = vector.broadcast %mul3A_170 : i32 to vector<16xi32>
    %mul3A_172 = arith.muli %iota3A, %mul3A_171 : vector<16xi32>
    %add3A_173 = vector.broadcast %mul3A_169 : i32 to vector<16xi32>
    %add3A_174 = arith.addi %add3A_173, %mul3A_172 : vector<16xi32>
    %add3A_175 = arith.constant 0 : i32
    %add3A_176 = vector.broadcast %add3A_175 : i32 to vector<16xi32>
    %add3A_177 = arith.addi %add3A_174, %add3A_176 : vector<16xi32>
    %swap3A = arith.constant 0 : i32
    %swap3A_178 = arith.index_cast %swap3A : i32 to index
    %swap3A_179 = arith.constant 0 : index
    %swap3A_180 = tpu.vector_load %arg9[%swap3A_178, %swap3A_179] {strides = array<i32>} : memref<16x128xi32, #tpu.memory_space<vmem>>, vector<1x16xi32>,
    %swap3A_181 = vector.shape_cast %swap3A_180 : vector<1x16xi32> to vector<16xi32>
    %swap3A_182 = vector.shape_cast %add3A_177 : vector<16xi32> to vector<1x16xi32>
    tpu.vector_store %arg9[%swap3A_178, %swap3A_179], %swap3A_182 {strides = array<i32>} : memref<16x128xi32, #tpu.memory_space<vmem>>, vector<1x16xi32>,
    %add3A_183 = arith.constant 1 : i32
    %add3A_184 = vector.broadcast %add3A_183 : i32 to vector<16xi32>
    %add3A_185 = arith.addi %add3A_174, %add3A_184 : vector<16xi32>
    %swap3A_186 = arith.constant 4 : i32
    %swap3A_187 = arith.index_cast %swap3A_186 : i32 to index
    %swap3A_188 = arith.constant 0 : index
    %swap3A_189 = tpu.vector_load %arg9[%swap3A_187, %swap3A_188] {strides = array<i32>} : memref<16x128xi32, #tpu.memory_space<vmem>>, vector<1x16xi32>,
    %swap3A_190 = vector.shape_cast %swap3A_189 : vector<1x16xi32> to vector<16xi32>
    %swap3A_191 = vector.shape_cast %add3A_185 : vector<16xi32> to vector<1x16xi32>
    tpu.vector_store %arg9[%swap3A_187, %swap3A_188], %swap3A_191 {strides = array<i32>} : memref<16x128xi32, #tpu.memory_space<vmem>>, vector<1x16xi32>,
    %add3A_192 = arith.constant 2 : i32
    %add3A_193 = vector.broadcast %add3A_192 : i32 to vector<16xi32>
    %add3A_194 = arith.addi %add3A_174, %add3A_193 : vector<16xi32>
    %swap3A_195 = arith.constant 8 : i32
    %swap3A_196 = arith.index_cast %swap3A_195 : i32 to index
    %swap3A_197 = arith.constant 0 : index
    %swap3A_198 = tpu.vector_load %arg9[%swap3A_196, %swap3A_197] {strides = array<i32>} : memref<16x128xi32, #tpu.memory_space<vmem>>, vector<1x16xi32>,
    %swap3A_199 = vector.shape_cast %swap3A_198 : vector<1x16xi32> to vector<16xi32>
    %swap3A_200 = vector.shape_cast %add3A_194 : vector<16xi32> to vector<1x16xi32>
    tpu.vector_store %arg9[%swap3A_196, %swap3A_197], %swap3A_200 {strides = array<i32>} : memref<16x128xi32, #tpu.memory_space<vmem>>, vector<1x16xi32>,
    %add3A_201 = arith.constant 3 : i32
    %add3A_202 = vector.broadcast %add3A_201 : i32 to vector<16xi32>
    %add3A_203 = arith.addi %add3A_174, %add3A_202 : vector<16xi32>
    %swap3A_204 = arith.constant 12 : i32
    %swap3A_205 = arith.index_cast %swap3A_204 : i32 to index
    %swap3A_206 = arith.constant 0 : index
    %swap3A_207 = tpu.vector_load %arg9[%swap3A_205, %swap3A_206] {strides = array<i32>} : memref<16x128xi32, #tpu.memory_space<vmem>>, vector<1x16xi32>,
    %swap3A_208 = vector.shape_cast %swap3A_207 : vector<1x16xi32> to vector<16xi32>
    %swap3A_209 = vector.shape_cast %add3A_203 : vector<16xi32> to vector<1x16xi32>
    tpu.vector_store %arg9[%swap3A_205, %swap3A_206], %swap3A_209 {strides = array<i32>} : memref<16x128xi32, #tpu.memory_space<vmem>>, vector<1x16xi32>,
    %add3A_210 = arith.constant 0 : i32
    %add3A_211 = arith.addi %mul3A_2, %add3A_210 : i32
    %add3A_212 = arith.constant 16 : i32
    %add3A_213 = arith.addi %add3A_211, %add3A_212 : i32
    %mul3A_214 = arith.constant 4 : i32
    %mul3A_215 = arith.muli %add3A_213, %mul3A_214 : i32
    %mul3A_216 = arith.constant 4 : i32
    %mul3A_217 = vector.broadcast %mul3A_216 : i32 to vector<16xi32>
    %mul3A_218 = arith.muli %iota3A, %mul3A_217 : vector<16xi32>
    %add3A_219 = vector.broadcast %mul3A_215 : i32 to vector<16xi32>
    %add3A_220 = arith.addi %add3A_219, %mul3A_218 : vector<16xi32>
    %add3A_221 = arith.constant 0 : i32
    %add3A_222 = vector.broadcast %add3A_221 : i32 to vector<16xi32>
    %add3A_223 = arith.addi %add3A_220, %add3A_222 : vector<16xi32>
    %swap3A_224 = arith.constant 0 : i32
    %swap3A_225 = arith.index_cast %swap3A_224 : i32 to index
    %swap3A_226 = arith.constant 16 : index
    %swap3A_227 = tpu.vector_load %arg9[%swap3A_225, %swap3A_226] {strides = array<i32>} : memref<16x128xi32, #tpu.memory_space<vmem>>, vector<1x16xi32>,
    %swap3A_228 = vector.shape_cast %swap3A_227 : vector<1x16xi32> to vector<16xi32>
    %swap3A_229 = vector.shape_cast %add3A_223 : vector<16xi32> to vector<1x16xi32>
    tpu.vector_store %arg9[%swap3A_225, %swap3A_226], %swap3A_229 {strides = array<i32>} : memref<16x128xi32, #tpu.memory_space<vmem>>, vector<1x16xi32>,
    %add3A_230 = arith.constant 1 : i32
    %add3A_231 = vector.broadcast %add3A_230 : i32 to vector<16xi32>
    %add3A_232 = arith.addi %add3A_220, %add3A_231 : vector<16xi32>
    %swap3A_233 = arith.constant 4 : i32
    %swap3A_234 = arith.index_cast %swap3A_233 : i32 to index
    %swap3A_235 = arith.constant 16 : index
    %swap3A_236 = tpu.vector_load %arg9[%swap3A_234, %swap3A_235] {strides = array<i32>} : memref<16x128xi32, #tpu.memory_space<vmem>>, vector<1x16xi32>,
    %swap3A_237 = vector.shape_cast %swap3A_236 : vector<1x16xi32> to vector<16xi32>
    %swap3A_238 = vector.shape_cast %add3A_232 : vector<16xi32> to vector<1x16xi32>
    tpu.vector_store %arg9[%swap3A_234, %swap3A_235], %swap3A_238 {strides = array<i32>} : memref<16x128xi32, #tpu.memory_space<vmem>>, vector<1x16xi32>,
    %add3A_239 = arith.constant 2 : i32
    %add3A_240 = vector.broadcast %add3A_239 : i32 to vector<16xi32>
    %add3A_241 = arith.addi %add3A_220, %add3A_240 : vector<16xi32>
    %swap3A_242 = arith.constant 8 : i32
    %swap3A_243 = arith.index_cast %swap3A_242 : i32 to index
    %swap3A_244 = arith.constant 16 : index
    %swap3A_245 = tpu.vector_load %arg9[%swap3A_243, %swap3A_244] {strides = array<i32>} : memref<16x128xi32, #tpu.memory_space<vmem>>, vector<1x16xi32>,
    %swap3A_246 = vector.shape_cast %swap3A_245 : vector<1x16xi32> to vector<16xi32>
    %swap3A_247 = vector.shape_cast %add3A_241 : vector<16xi32> to vector<1x16xi32>
    tpu.vector_store %arg9[%swap3A_243, %swap3A_244], %swap3A_247 {strides = array<i32>} : memref<16x128xi32, #tpu.memory_space<vmem>>, vector<1x16xi32>,
    %add3A_248 = arith.constant 3 : i32
    %add3A_249 = vector.broadcast %add3A_248 : i32 to vector<16xi32>
    %add3A_250 = arith.addi %add3A_220, %add3A_249 : vector<16xi32>
    %swap3A_251 = arith.constant 12 : i32
    %swap3A_252 = arith.index_cast %swap3A_251 : i32 to index
    %swap3A_253 = arith.constant 16 : index
    %swap3A_254 = tpu.vector_load %arg9[%swap3A_252, %swap3A_253] {strides = array<i32>} : memref<16x128xi32, #tpu.memory_space<vmem>>, vector<1x16xi32>,
    %swap3A_255 = vector.shape_cast %swap3A_254 : vector<1x16xi32> to vector<16xi32>
    %swap3A_256 = vector.shape_cast %add3A_250 : vector<16xi32> to vector<1x16xi32>
    tpu.vector_store %arg9[%swap3A_252, %swap3A_253], %swap3A_256 {strides = array<i32>} : memref<16x128xi32, #tpu.memory_space<vmem>>, vector<1x16xi32>,
    %add3A_257 = arith.constant 0 : i32
    %add3A_258 = arith.addi %mul3A_2, %add3A_257 : i32
    %add3A_259 = arith.constant 32 : i32
    %add3A_260 = arith.addi %add3A_258, %add3A_259 : i32
    %mul3A_261 = arith.constant 4 : i32
    %mul3A_262 = arith.muli %add3A_260, %mul3A_261 : i32
    %mul3A_263 = arith.constant 4 : i32
    %mul3A_264 = vector.broadcast %mul3A_263 : i32 to vector<16xi32>
    %mul3A_265 = arith.muli %iota3A, %mul3A_264 : vector<16xi32>
    %add3A_266 = vector.broadcast %mul3A_262 : i32 to vector<16xi32>
    %add3A_267 = arith.addi %add3A_266, %mul3A_265 : vector<16xi32>
    %add3A_268 = arith.constant 0 : i32
    %add3A_269 = vector.broadcast %add3A_268 : i32 to vector<16xi32>
    %add3A_270 = arith.addi %add3A_267, %add3A_269 : vector<16xi32>
    %swap3A_271 = arith.constant 0 : i32
    %swap3A_272 = arith.index_cast %swap3A_271 : i32 to index
    %swap3A_273 = arith.constant 32 : index
    %swap3A_274 = tpu.vector_load %arg9[%swap3A_272, %swap3A_273] {strides = array<i32>} : memref<16x128xi32, #tpu.memory_space<vmem>>, vector<1x16xi32>,
    %swap3A_275 = vector.shape_cast %swap3A_274 : vector<1x16xi32> to vector<16xi32>
    %swap3A_276 = vector.shape_cast %add3A_270 : vector<16xi32> to vector<1x16xi32>
    tpu.vector_store %arg9[%swap3A_272, %swap3A_273], %swap3A_276 {strides = array<i32>} : memref<16x128xi32, #tpu.memory_space<vmem>>, vector<1x16xi32>,
    %add3A_277 = arith.constant 1 : i32
    %add3A_278 = vector.broadcast %add3A_277 : i32 to vector<16xi32>
    %add3A_279 = arith.addi %add3A_267, %add3A_278 : vector<16xi32>
    %swap3A_280 = arith.constant 4 : i32
    %swap3A_281 = arith.index_cast %swap3A_280 : i32 to index
    %swap3A_282 = arith.constant 32 : index
    %swap3A_283 = tpu.vector_load %arg9[%swap3A_281, %swap3A_282] {strides = array<i32>} : memref<16x128xi32, #tpu.memory_space<vmem>>, vector<1x16xi32>,
    %swap3A_284 = vector.shape_cast %swap3A_283 : vector<1x16xi32> to vector<16xi32>
    %swap3A_285 = vector.shape_cast %add3A_279 : vector<16xi32> to vector<1x16xi32>
    tpu.vector_store %arg9[%swap3A_281, %swap3A_282], %swap3A_285 {strides = array<i32>} : memref<16x128xi32, #tpu.memory_space<vmem>>, vector<1x16xi32>,
    %add3A_286 = arith.constant 2 : i32
    %add3A_287 = vector.broadcast %add3A_286 : i32 to vector<16xi32>
    %add3A_288 = arith.addi %add3A_267, %add3A_287 : vector<16xi32>
    %swap3A_289 = arith.constant 8 : i32
    %swap3A_290 = arith.index_cast %swap3A_289 : i32 to index
    %swap3A_291 = arith.constant 32 : index
    %swap3A_292 = tpu.vector_load %arg9[%swap3A_290, %swap3A_291] {strides = array<i32>} : memref<16x128xi32, #tpu.memory_space<vmem>>, vector<1x16xi32>,
    %swap3A_293 = vector.shape_cast %swap3A_292 : vector<1x16xi32> to vector<16xi32>
    %swap3A_294 = vector.shape_cast %add3A_288 : vector<16xi32> to vector<1x16xi32>
    tpu.vector_store %arg9[%swap3A_290, %swap3A_291], %swap3A_294 {strides = array<i32>} : memref<16x128xi32, #tpu.memory_space<vmem>>, vector<1x16xi32>,
    %add3A_295 = arith.constant 3 : i32
    %add3A_296 = vector.broadcast %add3A_295 : i32 to vector<16xi32>
    %add3A_297 = arith.addi %add3A_267, %add3A_296 : vector<16xi32>
    %swap3A_298 = arith.constant 12 : i32
    %swap3A_299 = arith.index_cast %swap3A_298 : i32 to index
    %swap3A_300 = arith.constant 32 : index
    %swap3A_301 = tpu.vector_load %arg9[%swap3A_299, %swap3A_300] {strides = array<i32>} : memref<16x128xi32, #tpu.memory_space<vmem>>, vector<1x16xi32>,
    %swap3A_302 = vector.shape_cast %swap3A_301 : vector<1x16xi32> to vector<16xi32>
    %swap3A_303 = vector.shape_cast %add3A_297 : vector<16xi32> to vector<1x16xi32>
    tpu.vector_store %arg9[%swap3A_299, %swap3A_300], %swap3A_303 {strides = array<i32>} : memref<16x128xi32, #tpu.memory_space<vmem>>, vector<1x16xi32>,
    %add3A_304 = arith.constant 0 : i32
    %add3A_305 = arith.addi %mul3A_2, %add3A_304 : i32
    %add3A_306 = arith.constant 48 : i32
    %add3A_307 = arith.addi %add3A_305, %add3A_306 : i32
    %mul3A_308 = arith.constant 4 : i32
    %mul3A_309 = arith.muli %add3A_307, %mul3A_308 : i32
    %mul3A_310 = arith.constant 4 : i32
    %mul3A_311 = vector.broadcast %mul3A_310 : i32 to vector<16xi32>
    %mul3A_312 = arith.muli %iota3A, %mul3A_311 : vector<16xi32>
    %add3A_313 = vector.broadcast %mul3A_309 : i32 to vector<16xi32>
    %add3A_314 = arith.addi %add3A_313, %mul3A_312 : vector<16xi32>
    %add3A_315 = arith.constant 0 : i32
    %add3A_316 = vector.broadcast %add3A_315 : i32 to vector<16xi32>
    %add3A_317 = arith.addi %add3A_314, %add3A_316 : vector<16xi32>
    %swap3A_318 = arith.constant 0 : i32
    %swap3A_319 = arith.index_cast %swap3A_318 : i32 to index
    %swap3A_320 = arith.constant 48 : index
    %swap3A_321 = tpu.vector_load %arg9[%swap3A_319, %swap3A_320] {strides = array<i32>} : memref<16x128xi32, #tpu.memory_space<vmem>>, vector<1x16xi32>,
    %swap3A_322 = vector.shape_cast %swap3A_321 : vector<1x16xi32> to vector<16xi32>
    %swap3A_323 = vector.shape_cast %add3A_317 : vector<16xi32> to vector<1x16xi32>
    tpu.vector_store %arg9[%swap3A_319, %swap3A_320], %swap3A_323 {strides = array<i32>} : memref<16x128xi32, #tpu.memory_space<vmem>>, vector<1x16xi32>,
    %add3A_324 = arith.constant 1 : i32
    %add3A_325 = vector.broadcast %add3A_324 : i32 to vector<16xi32>
    %add3A_326 = arith.addi %add3A_314, %add3A_325 : vector<16xi32>
    %swap3A_327 = arith.constant 4 : i32
    %swap3A_328 = arith.index_cast %swap3A_327 : i32 to index
    %swap3A_329 = arith.constant 48 : index
    %swap3A_330 = tpu.vector_load %arg9[%swap3A_328, %swap3A_329] {strides = array<i32>} : memref<16x128xi32, #tpu.memory_space<vmem>>, vector<1x16xi32>,
    %swap3A_331 = vector.shape_cast %swap3A_330 : vector<1x16xi32> to vector<16xi32>
    %swap3A_332 = vector.shape_cast %add3A_326 : vector<16xi32> to vector<1x16xi32>
    tpu.vector_store %arg9[%swap3A_328, %swap3A_329], %swap3A_332 {strides = array<i32>} : memref<16x128xi32, #tpu.memory_space<vmem>>, vector<1x16xi32>,
    %add3A_333 = arith.constant 2 : i32
    %add3A_334 = vector.broadcast %add3A_333 : i32 to vector<16xi32>
    %add3A_335 = arith.addi %add3A_314, %add3A_334 : vector<16xi32>
    %swap3A_336 = arith.constant 8 : i32
    %swap3A_337 = arith.index_cast %swap3A_336 : i32 to index
    %swap3A_338 = arith.constant 48 : index
    %swap3A_339 = tpu.vector_load %arg9[%swap3A_337, %swap3A_338] {strides = array<i32>} : memref<16x128xi32, #tpu.memory_space<vmem>>, vector<1x16xi32>,
    %swap3A_340 = vector.shape_cast %swap3A_339 : vector<1x16xi32> to vector<16xi32>
    %swap3A_341 = vector.shape_cast %add3A_335 : vector<16xi32> to vector<1x16xi32>
    tpu.vector_store %arg9[%swap3A_337, %swap3A_338], %swap3A_341 {strides = array<i32>} : memref<16x128xi32, #tpu.memory_space<vmem>>, vector<1x16xi32>,
    %add3A_342 = arith.constant 3 : i32
    %add3A_343 = vector.broadcast %add3A_342 : i32 to vector<16xi32>
    %add3A_344 = arith.addi %add3A_314, %add3A_343 : vector<16xi32>
    %swap3A_345 = arith.constant 12 : i32
    %swap3A_346 = arith.index_cast %swap3A_345 : i32 to index
    %swap3A_347 = arith.constant 48 : index
    %swap3A_348 = tpu.vector_load %arg9[%swap3A_346, %swap3A_347] {strides = array<i32>} : memref<16x128xi32, #tpu.memory_space<vmem>>, vector<1x16xi32>,
    %swap3A_349 = vector.shape_cast %swap3A_348 : vector<1x16xi32> to vector<16xi32>
    %swap3A_350 = vector.shape_cast %add3A_344 : vector<16xi32> to vector<1x16xi32>
    tpu.vector_store %arg9[%swap3A_346, %swap3A_347], %swap3A_350 {strides = array<i32>} : memref<16x128xi32, #tpu.memory_space<vmem>>, vector<1x16xi32>,
    %add3A_351 = arith.constant 0 : i32
    %add3A_352 = arith.addi %mul3A_2, %add3A_351 : i32
    %add3A_353 = arith.constant 64 : i32
    %add3A_354 = arith.addi %add3A_352, %add3A_353 : i32
    %mul3A_355 = arith.constant 4 : i32
    %mul3A_356 = arith.muli %add3A_354, %mul3A_355 : i32
    %mul3A_357 = arith.constant 4 : i32
    %mul3A_358 = vector.broadcast %mul3A_357 : i32 to vector<16xi32>
    %mul3A_359 = arith.muli %iota3A, %mul3A_358 : vector<16xi32>
    %add3A_360 = vector.broadcast %mul3A_356 : i32 to vector<16xi32>
    %add3A_361 = arith.addi %add3A_360, %mul3A_359 : vector<16xi32>
    %add3A_362 = arith.constant 0 : i32
    %add3A_363 = vector.broadcast %add3A_362 : i32 to vector<16xi32>
    %add3A_364 = arith.addi %add3A_361, %add3A_363 : vector<16xi32>
    %swap3A_365 = arith.constant 0 : i32
    %swap3A_366 = arith.index_cast %swap3A_365 : i32 to index
    %swap3A_367 = arith.constant 64 : index
    %swap3A_368 = tpu.vector_load %arg9[%swap3A_366, %swap3A_367] {strides = array<i32>} : memref<16x128xi32, #tpu.memory_space<vmem>>, vector<1x16xi32>,
    %swap3A_369 = vector.shape_cast %swap3A_368 : vector<1x16xi32> to vector<16xi32>
    %swap3A_370 = vector.shape_cast %add3A_364 : vector<16xi32> to vector<1x16xi32>
    tpu.vector_store %arg9[%swap3A_366, %swap3A_367], %swap3A_370 {strides = array<i32>} : memref<16x128xi32, #tpu.memory_space<vmem>>, vector<1x16xi32>,
    %add3A_371 = arith.constant 1 : i32
    %add3A_372 = vector.broadcast %add3A_371 : i32 to vector<16xi32>
    %add3A_373 = arith.addi %add3A_361, %add3A_372 : vector<16xi32>
    %swap3A_374 = arith.constant 4 : i32
    %swap3A_375 = arith.index_cast %swap3A_374 : i32 to index
    %swap3A_376 = arith.constant 64 : index
    %swap3A_377 = tpu.vector_load %arg9[%swap3A_375, %swap3A_376] {strides = array<i32>} : memref<16x128xi32, #tpu.memory_space<vmem>>, vector<1x16xi32>,
    %swap3A_378 = vector.shape_cast %swap3A_377 : vector<1x16xi32> to vector<16xi32>
    %swap3A_379 = vector.shape_cast %add3A_373 : vector<16xi32> to vector<1x16xi32>
    tpu.vector_store %arg9[%swap3A_375, %swap3A_376], %swap3A_379 {strides = array<i32>} : memref<16x128xi32, #tpu.memory_space<vmem>>, vector<1x16xi32>,
    %add3A_380 = arith.constant 2 : i32
    %add3A_381 = vector.broadcast %add3A_380 : i32 to vector<16xi32>
    %add3A_382 = arith.addi %add3A_361, %add3A_381 : vector<16xi32>
    %swap3A_383 = arith.constant 8 : i32
    %swap3A_384 = arith.index_cast %swap3A_383 : i32 to index
    %swap3A_385 = arith.constant 64 : index
    %swap3A_386 = tpu.vector_load %arg9[%swap3A_384, %swap3A_385] {strides = array<i32>} : memref<16x128xi32, #tpu.memory_space<vmem>>, vector<1x16xi32>,
    %swap3A_387 = vector.shape_cast %swap3A_386 : vector<1x16xi32> to vector<16xi32>
    %swap3A_388 = vector.shape_cast %add3A_382 : vector<16xi32> to vector<1x16xi32>
    tpu.vector_store %arg9[%swap3A_384, %swap3A_385], %swap3A_388 {strides = array<i32>} : memref<16x128xi32, #tpu.memory_space<vmem>>, vector<1x16xi32>,
    %add3A_389 = arith.constant 3 : i32
    %add3A_390 = vector.broadcast %add3A_389 : i32 to vector<16xi32>
    %add3A_391 = arith.addi %add3A_361, %add3A_390 : vector<16xi32>
    %swap3A_392 = arith.constant 12 : i32
    %swap3A_393 = arith.index_cast %swap3A_392 : i32 to index
    %swap3A_394 = arith.constant 64 : index
    %swap3A_395 = tpu.vector_load %arg9[%swap3A_393, %swap3A_394] {strides = array<i32>} : memref<16x128xi32, #tpu.memory_space<vmem>>, vector<1x16xi32>,
    %swap3A_396 = vector.shape_cast %swap3A_395 : vector<1x16xi32> to vector<16xi32>
    %swap3A_397 = vector.shape_cast %add3A_391 : vector<16xi32> to vector<1x16xi32>
    tpu.vector_store %arg9[%swap3A_393, %swap3A_394], %swap3A_397 {strides = array<i32>} : memref<16x128xi32, #tpu.memory_space<vmem>>, vector<1x16xi32>,
    %add3A_398 = arith.constant 0 : i32
    %add3A_399 = arith.addi %mul3A_2, %add3A_398 : i32
    %add3A_400 = arith.constant 80 : i32
    %add3A_401 = arith.addi %add3A_399, %add3A_400 : i32
    %mul3A_402 = arith.constant 4 : i32
    %mul3A_403 = arith.muli %add3A_401, %mul3A_402 : i32
    %mul3A_404 = arith.constant 4 : i32
    %mul3A_405 = vector.broadcast %mul3A_404 : i32 to vector<16xi32>
    %mul3A_406 = arith.muli %iota3A, %mul3A_405 : vector<16xi32>
    %add3A_407 = vector.broadcast %mul3A_403 : i32 to vector<16xi32>
    %add3A_408 = arith.addi %add3A_407, %mul3A_406 : vector<16xi32>
    %add3A_409 = arith.constant 0 : i32
    %add3A_410 = vector.broadcast %add3A_409 : i32 to vector<16xi32>
    %add3A_411 = arith.addi %add3A_408, %add3A_410 : vector<16xi32>
    %swap3A_412 = arith.constant 0 : i32
    %swap3A_413 = arith.index_cast %swap3A_412 : i32 to index
    %swap3A_414 = arith.constant 80 : index
    %swap3A_415 = tpu.vector_load %arg9[%swap3A_413, %swap3A_414] {strides = array<i32>} : memref<16x128xi32, #tpu.memory_space<vmem>>, vector<1x16xi32>,
    %swap3A_416 = vector.shape_cast %swap3A_415 : vector<1x16xi32> to vector<16xi32>
    %swap3A_417 = vector.shape_cast %add3A_411 : vector<16xi32> to vector<1x16xi32>
    tpu.vector_store %arg9[%swap3A_413, %swap3A_414], %swap3A_417 {strides = array<i32>} : memref<16x128xi32, #tpu.memory_space<vmem>>, vector<1x16xi32>,
    %add3A_418 = arith.constant 1 : i32
    %add3A_419 = vector.broadcast %add3A_418 : i32 to vector<16xi32>
    %add3A_420 = arith.addi %add3A_408, %add3A_419 : vector<16xi32>
    %swap3A_421 = arith.constant 4 : i32
    %swap3A_422 = arith.index_cast %swap3A_421 : i32 to index
    %swap3A_423 = arith.constant 80 : index
    %swap3A_424 = tpu.vector_load %arg9[%swap3A_422, %swap3A_423] {strides = array<i32>} : memref<16x128xi32, #tpu.memory_space<vmem>>, vector<1x16xi32>,
    %swap3A_425 = vector.shape_cast %swap3A_424 : vector<1x16xi32> to vector<16xi32>
    %swap3A_426 = vector.shape_cast %add3A_420 : vector<16xi32> to vector<1x16xi32>
    tpu.vector_store %arg9[%swap3A_422, %swap3A_423], %swap3A_426 {strides = array<i32>} : memref<16x128xi32, #tpu.memory_space<vmem>>, vector<1x16xi32>,
    %add3A_427 = arith.constant 2 : i32
    %add3A_428 = vector.broadcast %add3A_427 : i32 to vector<16xi32>
    %add3A_429 = arith.addi %add3A_408, %add3A_428 : vector<16xi32>
    %swap3A_430 = arith.constant 8 : i32
    %swap3A_431 = arith.index_cast %swap3A_430 : i32 to index
    %swap3A_432 = arith.constant 80 : index
    %swap3A_433 = tpu.vector_load %arg9[%swap3A_431, %swap3A_432] {strides = array<i32>} : memref<16x128xi32, #tpu.memory_space<vmem>>, vector<1x16xi32>,
    %swap3A_434 = vector.shape_cast %swap3A_433 : vector<1x16xi32> to vector<16xi32>
    %swap3A_435 = vector.shape_cast %add3A_429 : vector<16xi32> to vector<1x16xi32>
    tpu.vector_store %arg9[%swap3A_431, %swap3A_432], %swap3A_435 {strides = array<i32>} : memref<16x128xi32, #tpu.memory_space<vmem>>, vector<1x16xi32>,
    %add3A_436 = arith.constant 3 : i32
    %add3A_437 = vector.broadcast %add3A_436 : i32 to vector<16xi32>
    %add3A_438 = arith.addi %add3A_408, %add3A_437 : vector<16xi32>
    %swap3A_439 = arith.constant 12 : i32
    %swap3A_440 = arith.index_cast %swap3A_439 : i32 to index
    %swap3A_441 = arith.constant 80 : index
    %swap3A_442 = tpu.vector_load %arg9[%swap3A_440, %swap3A_441] {strides = array<i32>} : memref<16x128xi32, #tpu.memory_space<vmem>>, vector<1x16xi32>,
    %swap3A_443 = vector.shape_cast %swap3A_442 : vector<1x16xi32> to vector<16xi32>
    %swap3A_444 = vector.shape_cast %add3A_438 : vector<16xi32> to vector<1x16xi32>
    tpu.vector_store %arg9[%swap3A_440, %swap3A_441], %swap3A_444 {strides = array<i32>} : memref<16x128xi32, #tpu.memory_space<vmem>>, vector<1x16xi32>,
    %add3A_445 = arith.constant 0 : i32
    %add3A_446 = arith.addi %mul3A_2, %add3A_445 : i32
    %add3A_447 = arith.constant 96 : i32
    %add3A_448 = arith.addi %add3A_446, %add3A_447 : i32
    %mul3A_449 = arith.constant 4 : i32
    %mul3A_450 = arith.muli %add3A_448, %mul3A_449 : i32
    %mul3A_451 = arith.constant 4 : i32
    %mul3A_452 = vector.broadcast %mul3A_451 : i32 to vector<16xi32>
    %mul3A_453 = arith.muli %iota3A, %mul3A_452 : vector<16xi32>
    %add3A_454 = vector.broadcast %mul3A_450 : i32 to vector<16xi32>
    %add3A_455 = arith.addi %add3A_454, %mul3A_453 : vector<16xi32>
    %add3A_456 = arith.constant 0 : i32
    %add3A_457 = vector.broadcast %add3A_456 : i32 to vector<16xi32>
    %add3A_458 = arith.addi %add3A_455, %add3A_457 : vector<16xi32>
    %swap3A_459 = arith.constant 0 : i32
    %swap3A_460 = arith.index_cast %swap3A_459 : i32 to index
    %swap3A_461 = arith.constant 96 : index
    %swap3A_462 = tpu.vector_load %arg9[%swap3A_460, %swap3A_461] {strides = array<i32>} : memref<16x128xi32, #tpu.memory_space<vmem>>, vector<1x16xi32>,
    %swap3A_463 = vector.shape_cast %swap3A_462 : vector<1x16xi32> to vector<16xi32>
    %swap3A_464 = vector.shape_cast %add3A_458 : vector<16xi32> to vector<1x16xi32>
    tpu.vector_store %arg9[%swap3A_460, %swap3A_461], %swap3A_464 {strides = array<i32>} : memref<16x128xi32, #tpu.memory_space<vmem>>, vector<1x16xi32>,
    %add3A_465 = arith.constant 1 : i32
    %add3A_466 = vector.broadcast %add3A_465 : i32 to vector<16xi32>
    %add3A_467 = arith.addi %add3A_455, %add3A_466 : vector<16xi32>
    %swap3A_468 = arith.constant 4 : i32
    %swap3A_469 = arith.index_cast %swap3A_468 : i32 to index
    %swap3A_470 = arith.constant 96 : index
    %swap3A_471 = tpu.vector_load %arg9[%swap3A_469, %swap3A_470] {strides = array<i32>} : memref<16x128xi32, #tpu.memory_space<vmem>>, vector<1x16xi32>,
    %swap3A_472 = vector.shape_cast %swap3A_471 : vector<1x16xi32> to vector<16xi32>
    %swap3A_473 = vector.shape_cast %add3A_467 : vector<16xi32> to vector<1x16xi32>
    tpu.vector_store %arg9[%swap3A_469, %swap3A_470], %swap3A_473 {strides = array<i32>} : memref<16x128xi32, #tpu.memory_space<vmem>>, vector<1x16xi32>,
    %add3A_474 = arith.constant 2 : i32
    %add3A_475 = vector.broadcast %add3A_474 : i32 to vector<16xi32>
    %add3A_476 = arith.addi %add3A_455, %add3A_475 : vector<16xi32>
    %swap3A_477 = arith.constant 8 : i32
    %swap3A_478 = arith.index_cast %swap3A_477 : i32 to index
    %swap3A_479 = arith.constant 96 : index
    %swap3A_480 = tpu.vector_load %arg9[%swap3A_478, %swap3A_479] {strides = array<i32>} : memref<16x128xi32, #tpu.memory_space<vmem>>, vector<1x16xi32>,
    %swap3A_481 = vector.shape_cast %swap3A_480 : vector<1x16xi32> to vector<16xi32>
    %swap3A_482 = vector.shape_cast %add3A_476 : vector<16xi32> to vector<1x16xi32>
    tpu.vector_store %arg9[%swap3A_478, %swap3A_479], %swap3A_482 {strides = array<i32>} : memref<16x128xi32, #tpu.memory_space<vmem>>, vector<1x16xi32>,
    %add3A_483 = arith.constant 3 : i32
    %add3A_484 = vector.broadcast %add3A_483 : i32 to vector<16xi32>
    %add3A_485 = arith.addi %add3A_455, %add3A_484 : vector<16xi32>
    %swap3A_486 = arith.constant 12 : i32
    %swap3A_487 = arith.index_cast %swap3A_486 : i32 to index
    %swap3A_488 = arith.constant 96 : index
    %swap3A_489 = tpu.vector_load %arg9[%swap3A_487, %swap3A_488] {strides = array<i32>} : memref<16x128xi32, #tpu.memory_space<vmem>>, vector<1x16xi32>,
    %swap3A_490 = vector.shape_cast %swap3A_489 : vector<1x16xi32> to vector<16xi32>
    %swap3A_491 = vector.shape_cast %add3A_485 : vector<16xi32> to vector<1x16xi32>
    tpu.vector_store %arg9[%swap3A_487, %swap3A_488], %swap3A_491 {strides = array<i32>} : memref<16x128xi32, #tpu.memory_space<vmem>>, vector<1x16xi32>,
    %add3A_492 = arith.constant 0 : i32
    %add3A_493 = arith.addi %mul3A_2, %add3A_492 : i32
    %add3A_494 = arith.constant 112 : i32
    %add3A_495 = arith.addi %add3A_493, %add3A_494 : i32
    %mul3A_496 = arith.constant 4 : i32
    %mul3A_497 = arith.muli %add3A_495, %mul3A_496 : i32
    %mul3A_498 = arith.constant 4 : i32
    %mul3A_499 = vector.broadcast %mul3A_498 : i32 to vector<16xi32>
    %mul3A_500 = arith.muli %iota3A, %mul3A_499 : vector<16xi32>
    %add3A_501 = vector.broadcast %mul3A_497 : i32 to vector<16xi32>
    %add3A_502 = arith.addi %add3A_501, %mul3A_500 : vector<16xi32>
    %add3A_503 = arith.constant 0 : i32
    %add3A_504 = vector.broadcast %add3A_503 : i32 to vector<16xi32>
    %add3A_505 = arith.addi %add3A_502, %add3A_504 : vector<16xi32>
    %swap3A_506 = arith.constant 0 : i32
    %swap3A_507 = arith.index_cast %swap3A_506 : i32 to index
    %swap3A_508 = arith.constant 112 : index
    %swap3A_509 = tpu.vector_load %arg9[%swap3A_507, %swap3A_508] {strides = array<i32>} : memref<16x128xi32, #tpu.memory_space<vmem>>, vector<1x16xi32>,
    %swap3A_510 = vector.shape_cast %swap3A_509 : vector<1x16xi32> to vector<16xi32>
    %swap3A_511 = vector.shape_cast %add3A_505 : vector<16xi32> to vector<1x16xi32>
    tpu.vector_store %arg9[%swap3A_507, %swap3A_508], %swap3A_511 {strides = array<i32>} : memref<16x128xi32, #tpu.memory_space<vmem>>, vector<1x16xi32>,
    %add3A_512 = arith.constant 1 : i32
    %add3A_513 = vector.broadcast %add3A_512 : i32 to vector<16xi32>
    %add3A_514 = arith.addi %add3A_502, %add3A_513 : vector<16xi32>
    %swap3A_515 = arith.constant 4 : i32
    %swap3A_516 = arith.index_cast %swap3A_515 : i32 to index
    %swap3A_517 = arith.constant 112 : index
    %swap3A_518 = tpu.vector_load %arg9[%swap3A_516, %swap3A_517] {strides = array<i32>} : memref<16x128xi32, #tpu.memory_space<vmem>>, vector<1x16xi32>,
    %swap3A_519 = vector.shape_cast %swap3A_518 : vector<1x16xi32> to vector<16xi32>
    %swap3A_520 = vector.shape_cast %add3A_514 : vector<16xi32> to vector<1x16xi32>
    tpu.vector_store %arg9[%swap3A_516, %swap3A_517], %swap3A_520 {strides = array<i32>} : memref<16x128xi32, #tpu.memory_space<vmem>>, vector<1x16xi32>,
    %add3A_521 = arith.constant 2 : i32
    %add3A_522 = vector.broadcast %add3A_521 : i32 to vector<16xi32>
    %add3A_523 = arith.addi %add3A_502, %add3A_522 : vector<16xi32>
    %swap3A_524 = arith.constant 8 : i32
    %swap3A_525 = arith.index_cast %swap3A_524 : i32 to index
    %swap3A_526 = arith.constant 112 : index
    %swap3A_527 = tpu.vector_load %arg9[%swap3A_525, %swap3A_526] {strides = array<i32>} : memref<16x128xi32, #tpu.memory_space<vmem>>, vector<1x16xi32>,
    %swap3A_528 = vector.shape_cast %swap3A_527 : vector<1x16xi32> to vector<16xi32>
    %swap3A_529 = vector.shape_cast %add3A_523 : vector<16xi32> to vector<1x16xi32>
    tpu.vector_store %arg9[%swap3A_525, %swap3A_526], %swap3A_529 {strides = array<i32>} : memref<16x128xi32, #tpu.memory_space<vmem>>, vector<1x16xi32>,
    %add3A_530 = arith.constant 3 : i32
    %add3A_531 = vector.broadcast %add3A_530 : i32 to vector<16xi32>
    %add3A_532 = arith.addi %add3A_502, %add3A_531 : vector<16xi32>
    %swap3A_533 = arith.constant 12 : i32
    %swap3A_534 = arith.index_cast %swap3A_533 : i32 to index
    %swap3A_535 = arith.constant 112 : index
    %swap3A_536 = tpu.vector_load %arg9[%swap3A_534, %swap3A_535] {strides = array<i32>} : memref<16x128xi32, #tpu.memory_space<vmem>>, vector<1x16xi32>,
    %swap3A_537 = vector.shape_cast %swap3A_536 : vector<1x16xi32> to vector<16xi32>
    %swap3A_538 = vector.shape_cast %add3A_532 : vector<16xi32> to vector<1x16xi32>
    tpu.vector_store %arg9[%swap3A_534, %swap3A_535], %swap3A_538 {strides = array<i32>} : memref<16x128xi32, #tpu.memory_space<vmem>>, vector<1x16xi32>,
    %add3A_539 = arith.constant 128 : i32
    %add3A_540 = arith.addi %mul3A_2, %add3A_539 : i32
    %add3A_541 = arith.constant 0 : i32
    %add3A_542 = arith.addi %add3A_540, %add3A_541 : i32
    %mul3A_543 = arith.constant 4 : i32
    %mul3A_544 = arith.muli %add3A_542, %mul3A_543 : i32
    %mul3A_545 = arith.constant 4 : i32
    %mul3A_546 = vector.broadcast %mul3A_545 : i32 to vector<16xi32>
    %mul3A_547 = arith.muli %iota3A, %mul3A_546 : vector<16xi32>
    %add3A_548 = vector.broadcast %mul3A_544 : i32 to vector<16xi32>
    %add3A_549 = arith.addi %add3A_548, %mul3A_547 : vector<16xi32>
    %add3A_550 = arith.constant 0 : i32
    %add3A_551 = vector.broadcast %add3A_550 : i32 to vector<16xi32>
    %add3A_552 = arith.addi %add3A_549, %add3A_551 : vector<16xi32>
    %swap3A_553 = arith.constant 1 : i32
    %swap3A_554 = arith.index_cast %swap3A_553 : i32 to index
    %swap3A_555 = arith.constant 0 : index
    %swap3A_556 = tpu.vector_load %arg9[%swap3A_554, %swap3A_555] {strides = array<i32>} : memref<16x128xi32, #tpu.memory_space<vmem>>, vector<1x16xi32>,
    %swap3A_557 = vector.shape_cast %swap3A_556 : vector<1x16xi32> to vector<16xi32>
    %swap3A_558 = vector.shape_cast %add3A_552 : vector<16xi32> to vector<1x16xi32>
    tpu.vector_store %arg9[%swap3A_554, %swap3A_555], %swap3A_558 {strides = array<i32>} : memref<16x128xi32, #tpu.memory_space<vmem>>, vector<1x16xi32>,
    %add3A_559 = arith.constant 1 : i32
    %add3A_560 = vector.broadcast %add3A_559 : i32 to vector<16xi32>
    %add3A_561 = arith.addi %add3A_549, %add3A_560 : vector<16xi32>
    %swap3A_562 = arith.constant 5 : i32
    %swap3A_563 = arith.index_cast %swap3A_562 : i32 to index
    %swap3A_564 = arith.constant 0 : index
    %swap3A_565 = tpu.vector_load %arg9[%swap3A_563, %swap3A_564] {strides = array<i32>} : memref<16x128xi32, #tpu.memory_space<vmem>>, vector<1x16xi32>,
    %swap3A_566 = vector.shape_cast %swap3A_565 : vector<1x16xi32> to vector<16xi32>
    %swap3A_567 = vector.shape_cast %add3A_561 : vector<16xi32> to vector<1x16xi32>
    tpu.vector_store %arg9[%swap3A_563, %swap3A_564], %swap3A_567 {strides = array<i32>} : memref<16x128xi32, #tpu.memory_space<vmem>>, vector<1x16xi32>,
    %add3A_568 = arith.constant 2 : i32
    %add3A_569 = vector.broadcast %add3A_568 : i32 to vector<16xi32>
    %add3A_570 = arith.addi %add3A_549, %add3A_569 : vector<16xi32>
    %swap3A_571 = arith.constant 9 : i32
    %swap3A_572 = arith.index_cast %swap3A_571 : i32 to index
    %swap3A_573 = arith.constant 0 : index
    %swap3A_574 = tpu.vector_load %arg9[%swap3A_572, %swap3A_573] {strides = array<i32>} : memref<16x128xi32, #tpu.memory_space<vmem>>, vector<1x16xi32>,
    %swap3A_575 = vector.shape_cast %swap3A_574 : vector<1x16xi32> to vector<16xi32>
    %swap3A_576 = vector.shape_cast %add3A_570 : vector<16xi32> to vector<1x16xi32>
    tpu.vector_store %arg9[%swap3A_572, %swap3A_573], %swap3A_576 {strides = array<i32>} : memref<16x128xi32, #tpu.memory_space<vmem>>, vector<1x16xi32>,
    %add3A_577 = arith.constant 3 : i32
    %add3A_578 = vector.broadcast %add3A_577 : i32 to vector<16xi32>
    %add3A_579 = arith.addi %add3A_549, %add3A_578 : vector<16xi32>
    %swap3A_580 = arith.constant 13 : i32
    %swap3A_581 = arith.index_cast %swap3A_580 : i32 to index
    %swap3A_582 = arith.constant 0 : index
    %swap3A_583 = tpu.vector_load %arg9[%swap3A_581, %swap3A_582] {strides = array<i32>} : memref<16x128xi32, #tpu.memory_space<vmem>>, vector<1x16xi32>,
    %swap3A_584 = vector.shape_cast %swap3A_583 : vector<1x16xi32> to vector<16xi32>
    %swap3A_585 = vector.shape_cast %add3A_579 : vector<16xi32> to vector<1x16xi32>
    tpu.vector_store %arg9[%swap3A_581, %swap3A_582], %swap3A_585 {strides = array<i32>} : memref<16x128xi32, #tpu.memory_space<vmem>>, vector<1x16xi32>,
    %add3A_586 = arith.constant 128 : i32
    %add3A_587 = arith.addi %mul3A_2, %add3A_586 : i32
    %add3A_588 = arith.constant 16 : i32
    %add3A_589 = arith.addi %add3A_587, %add3A_588 : i32
    %mul3A_590 = arith.constant 4 : i32
    %mul3A_591 = arith.muli %add3A_589, %mul3A_590 : i32
    %mul3A_592 = arith.constant 4 : i32
    %mul3A_593 = vector.broadcast %mul3A_592 : i32 to vector<16xi32>
    %mul3A_594 = arith.muli %iota3A, %mul3A_593 : vector<16xi32>
    %add3A_595 = vector.broadcast %mul3A_591 : i32 to vector<16xi32>
    %add3A_596 = arith.addi %add3A_595, %mul3A_594 : vector<16xi32>
    %add3A_597 = arith.constant 0 : i32
    %add3A_598 = vector.broadcast %add3A_597 : i32 to vector<16xi32>
    %add3A_599 = arith.addi %add3A_596, %add3A_598 : vector<16xi32>
    %swap3A_600 = arith.constant 1 : i32
    %swap3A_601 = arith.index_cast %swap3A_600 : i32 to index
    %swap3A_602 = arith.constant 16 : index
    %swap3A_603 = tpu.vector_load %arg9[%swap3A_601, %swap3A_602] {strides = array<i32>} : memref<16x128xi32, #tpu.memory_space<vmem>>, vector<1x16xi32>,
    %swap3A_604 = vector.shape_cast %swap3A_603 : vector<1x16xi32> to vector<16xi32>
    %swap3A_605 = vector.shape_cast %add3A_599 : vector<16xi32> to vector<1x16xi32>
    tpu.vector_store %arg9[%swap3A_601, %swap3A_602], %swap3A_605 {strides = array<i32>} : memref<16x128xi32, #tpu.memory_space<vmem>>, vector<1x16xi32>,
    %add3A_606 = arith.constant 1 : i32
    %add3A_607 = vector.broadcast %add3A_606 : i32 to vector<16xi32>
    %add3A_608 = arith.addi %add3A_596, %add3A_607 : vector<16xi32>
    %swap3A_609 = arith.constant 5 : i32
    %swap3A_610 = arith.index_cast %swap3A_609 : i32 to index
    %swap3A_611 = arith.constant 16 : index
    %swap3A_612 = tpu.vector_load %arg9[%swap3A_610, %swap3A_611] {strides = array<i32>} : memref<16x128xi32, #tpu.memory_space<vmem>>, vector<1x16xi32>,
    %swap3A_613 = vector.shape_cast %swap3A_612 : vector<1x16xi32> to vector<16xi32>
    %swap3A_614 = vector.shape_cast %add3A_608 : vector<16xi32> to vector<1x16xi32>
    tpu.vector_store %arg9[%swap3A_610, %swap3A_611], %swap3A_614 {strides = array<i32>} : memref<16x128xi32, #tpu.memory_space<vmem>>, vector<1x16xi32>,
    %add3A_615 = arith.constant 2 : i32
    %add3A_616 = vector.broadcast %add3A_615 : i32 to vector<16xi32>
    %add3A_617 = arith.addi %add3A_596, %add3A_616 : vector<16xi32>
    %swap3A_618 = arith.constant 9 : i32
    %swap3A_619 = arith.index_cast %swap3A_618 : i32 to index
    %swap3A_620 = arith.constant 16 : index
    %swap3A_621 = tpu.vector_load %arg9[%swap3A_619, %swap3A_620] {strides = array<i32>} : memref<16x128xi32, #tpu.memory_space<vmem>>, vector<1x16xi32>,
    %swap3A_622 = vector.shape_cast %swap3A_621 : vector<1x16xi32> to vector<16xi32>
    %swap3A_623 = vector.shape_cast %add3A_617 : vector<16xi32> to vector<1x16xi32>
    tpu.vector_store %arg9[%swap3A_619, %swap3A_620], %swap3A_623 {strides = array<i32>} : memref<16x128xi32, #tpu.memory_space<vmem>>, vector<1x16xi32>,
    %add3A_624 = arith.constant 3 : i32
    %add3A_625 = vector.broadcast %add3A_624 : i32 to vector<16xi32>
    %add3A_626 = arith.addi %add3A_596, %add3A_625 : vector<16xi32>
    %swap3A_627 = arith.constant 13 : i32
    %swap3A_628 = arith.index_cast %swap3A_627 : i32 to index
    %swap3A_629 = arith.constant 16 : index
    %swap3A_630 = tpu.vector_load %arg9[%swap3A_628, %swap3A_629] {strides = array<i32>} : memref<16x128xi32, #tpu.memory_space<vmem>>, vector<1x16xi32>,
    %swap3A_631 = vector.shape_cast %swap3A_630 : vector<1x16xi32> to vector<16xi32>
    %swap3A_632 = vector.shape_cast %add3A_626 : vector<16xi32> to vector<1x16xi32>
    tpu.vector_store %arg9[%swap3A_628, %swap3A_629], %swap3A_632 {strides = array<i32>} : memref<16x128xi32, #tpu.memory_space<vmem>>, vector<1x16xi32>,
    %add3A_633 = arith.constant 128 : i32
    %add3A_634 = arith.addi %mul3A_2, %add3A_633 : i32
    %add3A_635 = arith.constant 32 : i32
    %add3A_636 = arith.addi %add3A_634, %add3A_635 : i32
    %mul3A_637 = arith.constant 4 : i32
    %mul3A_638 = arith.muli %add3A_636, %mul3A_637 : i32
    %mul3A_639 = arith.constant 4 : i32
    %mul3A_640 = vector.broadcast %mul3A_639 : i32 to vector<16xi32>
    %mul3A_641 = arith.muli %iota3A, %mul3A_640 : vector<16xi32>
    %add3A_642 = vector.broadcast %mul3A_638 : i32 to vector<16xi32>
    %add3A_643 = arith.addi %add3A_642, %mul3A_641 : vector<16xi32>
    %add3A_644 = arith.constant 0 : i32
    %add3A_645 = vector.broadcast %add3A_644 : i32 to vector<16xi32>
    %add3A_646 = arith.addi %add3A_643, %add3A_645 : vector<16xi32>
    %swap3A_647 = arith.constant 1 : i32
    %swap3A_648 = arith.index_cast %swap3A_647 : i32 to index
    %swap3A_649 = arith.constant 32 : index
    %swap3A_650 = tpu.vector_load %arg9[%swap3A_648, %swap3A_649] {strides = array<i32>} : memref<16x128xi32, #tpu.memory_space<vmem>>, vector<1x16xi32>,
    %swap3A_651 = vector.shape_cast %swap3A_650 : vector<1x16xi32> to vector<16xi32>
    %swap3A_652 = vector.shape_cast %add3A_646 : vector<16xi32> to vector<1x16xi32>
    tpu.vector_store %arg9[%swap3A_648, %swap3A_649], %swap3A_652 {strides = array<i32>} : memref<16x128xi32, #tpu.memory_space<vmem>>, vector<1x16xi32>,
    %add3A_653 = arith.constant 1 : i32
    %add3A_654 = vector.broadcast %add3A_653 : i32 to vector<16xi32>
    %add3A_655 = arith.addi %add3A_643, %add3A_654 : vector<16xi32>
    %swap3A_656 = arith.constant 5 : i32
    %swap3A_657 = arith.index_cast %swap3A_656 : i32 to index
    %swap3A_658 = arith.constant 32 : index
    %swap3A_659 = tpu.vector_load %arg9[%swap3A_657, %swap3A_658] {strides = array<i32>} : memref<16x128xi32, #tpu.memory_space<vmem>>, vector<1x16xi32>,
    %swap3A_660 = vector.shape_cast %swap3A_659 : vector<1x16xi32> to vector<16xi32>
    %swap3A_661 = vector.shape_cast %add3A_655 : vector<16xi32> to vector<1x16xi32>
    tpu.vector_store %arg9[%swap3A_657, %swap3A_658], %swap3A_661 {strides = array<i32>} : memref<16x128xi32, #tpu.memory_space<vmem>>, vector<1x16xi32>,
    %add3A_662 = arith.constant 2 : i32
    %add3A_663 = vector.broadcast %add3A_662 : i32 to vector<16xi32>
    %add3A_664 = arith.addi %add3A_643, %add3A_663 : vector<16xi32>
    %swap3A_665 = arith.constant 9 : i32
    %swap3A_666 = arith.index_cast %swap3A_665 : i32 to index
    %swap3A_667 = arith.constant 32 : index
    %swap3A_668 = tpu.vector_load %arg9[%swap3A_666, %swap3A_667] {strides = array<i32>} : memref<16x128xi32, #tpu.memory_space<vmem>>, vector<1x16xi32>,
    %swap3A_669 = vector.shape_cast %swap3A_668 : vector<1x16xi32> to vector<16xi32>
    %swap3A_670 = vector.shape_cast %add3A_664 : vector<16xi32> to vector<1x16xi32>
    tpu.vector_store %arg9[%swap3A_666, %swap3A_667], %swap3A_670 {strides = array<i32>} : memref<16x128xi32, #tpu.memory_space<vmem>>, vector<1x16xi32>,
    %add3A_671 = arith.constant 3 : i32
    %add3A_672 = vector.broadcast %add3A_671 : i32 to vector<16xi32>
    %add3A_673 = arith.addi %add3A_643, %add3A_672 : vector<16xi32>
    %swap3A_674 = arith.constant 13 : i32
    %swap3A_675 = arith.index_cast %swap3A_674 : i32 to index
    %swap3A_676 = arith.constant 32 : index
    %swap3A_677 = tpu.vector_load %arg9[%swap3A_675, %swap3A_676] {strides = array<i32>} : memref<16x128xi32, #tpu.memory_space<vmem>>, vector<1x16xi32>,
    %swap3A_678 = vector.shape_cast %swap3A_677 : vector<1x16xi32> to vector<16xi32>
    %swap3A_679 = vector.shape_cast %add3A_673 : vector<16xi32> to vector<1x16xi32>
    tpu.vector_store %arg9[%swap3A_675, %swap3A_676], %swap3A_679 {strides = array<i32>} : memref<16x128xi32, #tpu.memory_space<vmem>>, vector<1x16xi32>,
    %add3A_680 = arith.constant 128 : i32
    %add3A_681 = arith.addi %mul3A_2, %add3A_680 : i32
    %add3A_682 = arith.constant 48 : i32
    %add3A_683 = arith.addi %add3A_681, %add3A_682 : i32
    %mul3A_684 = arith.constant 4 : i32
    %mul3A_685 = arith.muli %add3A_683, %mul3A_684 : i32
    %mul3A_686 = arith.constant 4 : i32
    %mul3A_687 = vector.broadcast %mul3A_686 : i32 to vector<16xi32>
    %mul3A_688 = arith.muli %iota3A, %mul3A_687 : vector<16xi32>
    %add3A_689 = vector.broadcast %mul3A_685 : i32 to vector<16xi32>
    %add3A_690 = arith.addi %add3A_689, %mul3A_688 : vector<16xi32>
    %add3A_691 = arith.constant 0 : i32
    %add3A_692 = vector.broadcast %add3A_691 : i32 to vector<16xi32>
    %add3A_693 = arith.addi %add3A_690, %add3A_692 : vector<16xi32>
    %swap3A_694 = arith.constant 1 : i32
    %swap3A_695 = arith.index_cast %swap3A_694 : i32 to index
    %swap3A_696 = arith.constant 48 : index
    %swap3A_697 = tpu.vector_load %arg9[%swap3A_695, %swap3A_696] {strides = array<i32>} : memref<16x128xi32, #tpu.memory_space<vmem>>, vector<1x16xi32>,
    %swap3A_698 = vector.shape_cast %swap3A_697 : vector<1x16xi32> to vector<16xi32>
    %swap3A_699 = vector.shape_cast %add3A_693 : vector<16xi32> to vector<1x16xi32>
    tpu.vector_store %arg9[%swap3A_695, %swap3A_696], %swap3A_699 {strides = array<i32>} : memref<16x128xi32, #tpu.memory_space<vmem>>, vector<1x16xi32>,
    %add3A_700 = arith.constant 1 : i32
    %add3A_701 = vector.broadcast %add3A_700 : i32 to vector<16xi32>
    %add3A_702 = arith.addi %add3A_690, %add3A_701 : vector<16xi32>
    %swap3A_703 = arith.constant 5 : i32
    %swap3A_704 = arith.index_cast %swap3A_703 : i32 to index
    %swap3A_705 = arith.constant 48 : index
    %swap3A_706 = tpu.vector_load %arg9[%swap3A_704, %swap3A_705] {strides = array<i32>} : memref<16x128xi32, #tpu.memory_space<vmem>>, vector<1x16xi32>,
    %swap3A_707 = vector.shape_cast %swap3A_706 : vector<1x16xi32> to vector<16xi32>
    %swap3A_708 = vector.shape_cast %add3A_702 : vector<16xi32> to vector<1x16xi32>
    tpu.vector_store %arg9[%swap3A_704, %swap3A_705], %swap3A_708 {strides = array<i32>} : memref<16x128xi32, #tpu.memory_space<vmem>>, vector<1x16xi32>,
    %add3A_709 = arith.constant 2 : i32
    %add3A_710 = vector.broadcast %add3A_709 : i32 to vector<16xi32>
    %add3A_711 = arith.addi %add3A_690, %add3A_710 : vector<16xi32>
    %swap3A_712 = arith.constant 9 : i32
    %swap3A_713 = arith.index_cast %swap3A_712 : i32 to index
    %swap3A_714 = arith.constant 48 : index
    %swap3A_715 = tpu.vector_load %arg9[%swap3A_713, %swap3A_714] {strides = array<i32>} : memref<16x128xi32, #tpu.memory_space<vmem>>, vector<1x16xi32>,
    %swap3A_716 = vector.shape_cast %swap3A_715 : vector<1x16xi32> to vector<16xi32>
    %swap3A_717 = vector.shape_cast %add3A_711 : vector<16xi32> to vector<1x16xi32>
    tpu.vector_store %arg9[%swap3A_713, %swap3A_714], %swap3A_717 {strides = array<i32>} : memref<16x128xi32, #tpu.memory_space<vmem>>, vector<1x16xi32>,
    %add3A_718 = arith.constant 3 : i32
    %add3A_719 = vector.broadcast %add3A_718 : i32 to vector<16xi32>
    %add3A_720 = arith.addi %add3A_690, %add3A_719 : vector<16xi32>
    %swap3A_721 = arith.constant 13 : i32
    %swap3A_722 = arith.index_cast %swap3A_721 : i32 to index
    %swap3A_723 = arith.constant 48 : index
    %swap3A_724 = tpu.vector_load %arg9[%swap3A_722, %swap3A_723] {strides = array<i32>} : memref<16x128xi32, #tpu.memory_space<vmem>>, vector<1x16xi32>,
    %swap3A_725 = vector.shape_cast %swap3A_724 : vector<1x16xi32> to vector<16xi32>
    %swap3A_726 = vector.shape_cast %add3A_720 : vector<16xi32> to vector<1x16xi32>
    tpu.vector_store %arg9[%swap3A_722, %swap3A_723], %swap3A_726 {strides = array<i32>} : memref<16x128xi32, #tpu.memory_space<vmem>>, vector<1x16xi32>,
    %add3A_727 = arith.constant 128 : i32
    %add3A_728 = arith.addi %mul3A_2, %add3A_727 : i32
    %add3A_729 = arith.constant 64 : i32
    %add3A_730 = arith.addi %add3A_728, %add3A_729 : i32
    %mul3A_731 = arith.constant 4 : i32
    %mul3A_732 = arith.muli %add3A_730, %mul3A_731 : i32
    %mul3A_733 = arith.constant 4 : i32
    %mul3A_734 = vector.broadcast %mul3A_733 : i32 to vector<16xi32>
    %mul3A_735 = arith.muli %iota3A, %mul3A_734 : vector<16xi32>
    %add3A_736 = vector.broadcast %mul3A_732 : i32 to vector<16xi32>
    %add3A_737 = arith.addi %add3A_736, %mul3A_735 : vector<16xi32>
    %add3A_738 = arith.constant 0 : i32
    %add3A_739 = vector.broadcast %add3A_738 : i32 to vector<16xi32>
    %add3A_740 = arith.addi %add3A_737, %add3A_739 : vector<16xi32>
    %swap3A_741 = arith.constant 1 : i32
    %swap3A_742 = arith.index_cast %swap3A_741 : i32 to index
    %swap3A_743 = arith.constant 64 : index
    %swap3A_744 = tpu.vector_load %arg9[%swap3A_742, %swap3A_743] {strides = array<i32>} : memref<16x128xi32, #tpu.memory_space<vmem>>, vector<1x16xi32>,
    %swap3A_745 = vector.shape_cast %swap3A_744 : vector<1x16xi32> to vector<16xi32>
    %swap3A_746 = vector.shape_cast %add3A_740 : vector<16xi32> to vector<1x16xi32>
    tpu.vector_store %arg9[%swap3A_742, %swap3A_743], %swap3A_746 {strides = array<i32>} : memref<16x128xi32, #tpu.memory_space<vmem>>, vector<1x16xi32>,
    %add3A_747 = arith.constant 1 : i32
    %add3A_748 = vector.broadcast %add3A_747 : i32 to vector<16xi32>
    %add3A_749 = arith.addi %add3A_737, %add3A_748 : vector<16xi32>
    %swap3A_750 = arith.constant 5 : i32
    %swap3A_751 = arith.index_cast %swap3A_750 : i32 to index
    %swap3A_752 = arith.constant 64 : index
    %swap3A_753 = tpu.vector_load %arg9[%swap3A_751, %swap3A_752] {strides = array<i32>} : memref<16x128xi32, #tpu.memory_space<vmem>>, vector<1x16xi32>,
    %swap3A_754 = vector.shape_cast %swap3A_753 : vector<1x16xi32> to vector<16xi32>
    %swap3A_755 = vector.shape_cast %add3A_749 : vector<16xi32> to vector<1x16xi32>
    tpu.vector_store %arg9[%swap3A_751, %swap3A_752], %swap3A_755 {strides = array<i32>} : memref<16x128xi32, #tpu.memory_space<vmem>>, vector<1x16xi32>,
    %add3A_756 = arith.constant 2 : i32
    %add3A_757 = vector.broadcast %add3A_756 : i32 to vector<16xi32>
    %add3A_758 = arith.addi %add3A_737, %add3A_757 : vector<16xi32>
    %swap3A_759 = arith.constant 9 : i32
    %swap3A_760 = arith.index_cast %swap3A_759 : i32 to index
    %swap3A_761 = arith.constant 64 : index
    %swap3A_762 = tpu.vector_load %arg9[%swap3A_760, %swap3A_761] {strides = array<i32>} : memref<16x128xi32, #tpu.memory_space<vmem>>, vector<1x16xi32>,
    %swap3A_763 = vector.shape_cast %swap3A_762 : vector<1x16xi32> to vector<16xi32>
    %swap3A_764 = vector.shape_cast %add3A_758 : vector<16xi32> to vector<1x16xi32>
    tpu.vector_store %arg9[%swap3A_760, %swap3A_761], %swap3A_764 {strides = array<i32>} : memref<16x128xi32, #tpu.memory_space<vmem>>, vector<1x16xi32>,
    %add3A_765 = arith.constant 3 : i32
    %add3A_766 = vector.broadcast %add3A_765 : i32 to vector<16xi32>
    %add3A_767 = arith.addi %add3A_737, %add3A_766 : vector<16xi32>
    %swap3A_768 = arith.constant 13 : i32
    %swap3A_769 = arith.index_cast %swap3A_768 : i32 to index
    %swap3A_770 = arith.constant 64 : index
    %swap3A_771 = tpu.vector_load %arg9[%swap3A_769, %swap3A_770] {strides = array<i32>} : memref<16x128xi32, #tpu.memory_space<vmem>>, vector<1x16xi32>,
    %swap3A_772 = vector.shape_cast %swap3A_771 : vector<1x16xi32> to vector<16xi32>
    %swap3A_773 = vector.shape_cast %add3A_767 : vector<16xi32> to vector<1x16xi32>
    tpu.vector_store %arg9[%swap3A_769, %swap3A_770], %swap3A_773 {strides = array<i32>} : memref<16x128xi32, #tpu.memory_space<vmem>>, vector<1x16xi32>,
    %add3A_774 = arith.constant 128 : i32
    %add3A_775 = arith.addi %mul3A_2, %add3A_774 : i32
    %add3A_776 = arith.constant 80 : i32
    %add3A_777 = arith.addi %add3A_775, %add3A_776 : i32
    %mul3A_778 = arith.constant 4 : i32
    %mul3A_779 = arith.muli %add3A_777, %mul3A_778 : i32
    %mul3A_780 = arith.constant 4 : i32
    %mul3A_781 = vector.broadcast %mul3A_780 : i32 to vector<16xi32>
    %mul3A_782 = arith.muli %iota3A, %mul3A_781 : vector<16xi32>
    %add3A_783 = vector.broadcast %mul3A_779 : i32 to vector<16xi32>
    %add3A_784 = arith.addi %add3A_783, %mul3A_782 : vector<16xi32>
    %add3A_785 = arith.constant 0 : i32
    %add3A_786 = vector.broadcast %add3A_785 : i32 to vector<16xi32>
    %add3A_787 = arith.addi %add3A_784, %add3A_786 : vector<16xi32>
    %swap3A_788 = arith.constant 1 : i32
    %swap3A_789 = arith.index_cast %swap3A_788 : i32 to index
    %swap3A_790 = arith.constant 80 : index
    %swap3A_791 = tpu.vector_load %arg9[%swap3A_789, %swap3A_790] {strides = array<i32>} : memref<16x128xi32, #tpu.memory_space<vmem>>, vector<1x16xi32>,
    %swap3A_792 = vector.shape_cast %swap3A_791 : vector<1x16xi32> to vector<16xi32>
    %swap3A_793 = vector.shape_cast %add3A_787 : vector<16xi32> to vector<1x16xi32>
    tpu.vector_store %arg9[%swap3A_789, %swap3A_790], %swap3A_793 {strides = array<i32>} : memref<16x128xi32, #tpu.memory_space<vmem>>, vector<1x16xi32>,
    %add3A_794 = arith.constant 1 : i32
    %add3A_795 = vector.broadcast %add3A_794 : i32 to vector<16xi32>
    %add3A_796 = arith.addi %add3A_784, %add3A_795 : vector<16xi32>
    %swap3A_797 = arith.constant 5 : i32
    %swap3A_798 = arith.index_cast %swap3A_797 : i32 to index
    %swap3A_799 = arith.constant 80 : index
    %swap3A_800 = tpu.vector_load %arg9[%swap3A_798, %swap3A_799] {strides = array<i32>} : memref<16x128xi32, #tpu.memory_space<vmem>>, vector<1x16xi32>,
    %swap3A_801 = vector.shape_cast %swap3A_800 : vector<1x16xi32> to vector<16xi32>
    %swap3A_802 = vector.shape_cast %add3A_796 : vector<16xi32> to vector<1x16xi32>
    tpu.vector_store %arg9[%swap3A_798, %swap3A_799], %swap3A_802 {strides = array<i32>} : memref<16x128xi32, #tpu.memory_space<vmem>>, vector<1x16xi32>,
    %add3A_803 = arith.constant 2 : i32
    %add3A_804 = vector.broadcast %add3A_803 : i32 to vector<16xi32>
    %add3A_805 = arith.addi %add3A_784, %add3A_804 : vector<16xi32>
    %swap3A_806 = arith.constant 9 : i32
    %swap3A_807 = arith.index_cast %swap3A_806 : i32 to index
    %swap3A_808 = arith.constant 80 : index
    %swap3A_809 = tpu.vector_load %arg9[%swap3A_807, %swap3A_808] {strides = array<i32>} : memref<16x128xi32, #tpu.memory_space<vmem>>, vector<1x16xi32>,
    %swap3A_810 = vector.shape_cast %swap3A_809 : vector<1x16xi32> to vector<16xi32>
    %swap3A_811 = vector.shape_cast %add3A_805 : vector<16xi32> to vector<1x16xi32>
    tpu.vector_store %arg9[%swap3A_807, %swap3A_808], %swap3A_811 {strides = array<i32>} : memref<16x128xi32, #tpu.memory_space<vmem>>, vector<1x16xi32>,
    %add3A_812 = arith.constant 3 : i32
    %add3A_813 = vector.broadcast %add3A_812 : i32 to vector<16xi32>
    %add3A_814 = arith.addi %add3A_784, %add3A_813 : vector<16xi32>
    %swap3A_815 = arith.constant 13 : i32
    %swap3A_816 = arith.index_cast %swap3A_815 : i32 to index
    %swap3A_817 = arith.constant 80 : index
    %swap3A_818 = tpu.vector_load %arg9[%swap3A_816, %swap3A_817] {strides = array<i32>} : memref<16x128xi32, #tpu.memory_space<vmem>>, vector<1x16xi32>,
    %swap3A_819 = vector.shape_cast %swap3A_818 : vector<1x16xi32> to vector<16xi32>
    %swap3A_820 = vector.shape_cast %add3A_814 : vector<16xi32> to vector<1x16xi32>
    tpu.vector_store %arg9[%swap3A_816, %swap3A_817], %swap3A_820 {strides = array<i32>} : memref<16x128xi32, #tpu.memory_space<vmem>>, vector<1x16xi32>,
    %add3A_821 = arith.constant 128 : i32
    %add3A_822 = arith.addi %mul3A_2, %add3A_821 : i32
    %add3A_823 = arith.constant 96 : i32
    %add3A_824 = arith.addi %add3A_822, %add3A_823 : i32
    %mul3A_825 = arith.constant 4 : i32
    %mul3A_826 = arith.muli %add3A_824, %mul3A_825 : i32
    %mul3A_827 = arith.constant 4 : i32
    %mul3A_828 = vector.broadcast %mul3A_827 : i32 to vector<16xi32>
    %mul3A_829 = arith.muli %iota3A, %mul3A_828 : vector<16xi32>
    %add3A_830 = vector.broadcast %mul3A_826 : i32 to vector<16xi32>
    %add3A_831 = arith.addi %add3A_830, %mul3A_829 : vector<16xi32>
    %add3A_832 = arith.constant 0 : i32
    %add3A_833 = vector.broadcast %add3A_832 : i32 to vector<16xi32>
    %add3A_834 = arith.addi %add3A_831, %add3A_833 : vector<16xi32>
    %swap3A_835 = arith.constant 1 : i32
    %swap3A_836 = arith.index_cast %swap3A_835 : i32 to index
    %swap3A_837 = arith.constant 96 : index
    %swap3A_838 = tpu.vector_load %arg9[%swap3A_836, %swap3A_837] {strides = array<i32>} : memref<16x128xi32, #tpu.memory_space<vmem>>, vector<1x16xi32>,
    %swap3A_839 = vector.shape_cast %swap3A_838 : vector<1x16xi32> to vector<16xi32>
    %swap3A_840 = vector.shape_cast %add3A_834 : vector<16xi32> to vector<1x16xi32>
    tpu.vector_store %arg9[%swap3A_836, %swap3A_837], %swap3A_840 {strides = array<i32>} : memref<16x128xi32, #tpu.memory_space<vmem>>, vector<1x16xi32>,
    %add3A_841 = arith.constant 1 : i32
    %add3A_842 = vector.broadcast %add3A_841 : i32 to vector<16xi32>
    %add3A_843 = arith.addi %add3A_831, %add3A_842 : vector<16xi32>
    %swap3A_844 = arith.constant 5 : i32
    %swap3A_845 = arith.index_cast %swap3A_844 : i32 to index
    %swap3A_846 = arith.constant 96 : index
    %swap3A_847 = tpu.vector_load %arg9[%swap3A_845, %swap3A_846] {strides = array<i32>} : memref<16x128xi32, #tpu.memory_space<vmem>>, vector<1x16xi32>,
    %swap3A_848 = vector.shape_cast %swap3A_847 : vector<1x16xi32> to vector<16xi32>
    %swap3A_849 = vector.shape_cast %add3A_843 : vector<16xi32> to vector<1x16xi32>
    tpu.vector_store %arg9[%swap3A_845, %swap3A_846], %swap3A_849 {strides = array<i32>} : memref<16x128xi32, #tpu.memory_space<vmem>>, vector<1x16xi32>,
    %add3A_850 = arith.constant 2 : i32
    %add3A_851 = vector.broadcast %add3A_850 : i32 to vector<16xi32>
    %add3A_852 = arith.addi %add3A_831, %add3A_851 : vector<16xi32>
    %swap3A_853 = arith.constant 9 : i32
    %swap3A_854 = arith.index_cast %swap3A_853 : i32 to index
    %swap3A_855 = arith.constant 96 : index
    %swap3A_856 = tpu.vector_load %arg9[%swap3A_854, %swap3A_855] {strides = array<i32>} : memref<16x128xi32, #tpu.memory_space<vmem>>, vector<1x16xi32>,
    %swap3A_857 = vector.shape_cast %swap3A_856 : vector<1x16xi32> to vector<16xi32>
    %swap3A_858 = vector.shape_cast %add3A_852 : vector<16xi32> to vector<1x16xi32>
    tpu.vector_store %arg9[%swap3A_854, %swap3A_855], %swap3A_858 {strides = array<i32>} : memref<16x128xi32, #tpu.memory_space<vmem>>, vector<1x16xi32>,
    %add3A_859 = arith.constant 3 : i32
    %add3A_860 = vector.broadcast %add3A_859 : i32 to vector<16xi32>
    %add3A_861 = arith.addi %add3A_831, %add3A_860 : vector<16xi32>
    %swap3A_862 = arith.constant 13 : i32
    %swap3A_863 = arith.index_cast %swap3A_862 : i32 to index
    %swap3A_864 = arith.constant 96 : index
    %swap3A_865 = tpu.vector_load %arg9[%swap3A_863, %swap3A_864] {strides = array<i32>} : memref<16x128xi32, #tpu.memory_space<vmem>>, vector<1x16xi32>,
    %swap3A_866 = vector.shape_cast %swap3A_865 : vector<1x16xi32> to vector<16xi32>
    %swap3A_867 = vector.shape_cast %add3A_861 : vector<16xi32> to vector<1x16xi32>
    tpu.vector_store %arg9[%swap3A_863, %swap3A_864], %swap3A_867 {strides = array<i32>} : memref<16x128xi32, #tpu.memory_space<vmem>>, vector<1x16xi32>,
    %add3A_868 = arith.constant 128 : i32
    %add3A_869 = arith.addi %mul3A_2, %add3A_868 : i32
    %add3A_870 = arith.constant 112 : i32
    %add3A_871 = arith.addi %add3A_869, %add3A_870 : i32
    %mul3A_872 = arith.constant 4 : i32
    %mul3A_873 = arith.muli %add3A_871, %mul3A_872 : i32
    %mul3A_874 = arith.constant 4 : i32
    %mul3A_875 = vector.broadcast %mul3A_874 : i32 to vector<16xi32>
    %mul3A_876 = arith.muli %iota3A, %mul3A_875 : vector<16xi32>
    %add3A_877 = vector.broadcast %mul3A_873 : i32 to vector<16xi32>
    %add3A_878 = arith.addi %add3A_877, %mul3A_876 : vector<16xi32>
    %add3A_879 = arith.constant 0 : i32
    %add3A_880 = vector.broadcast %add3A_879 : i32 to vector<16xi32>
    %add3A_881 = arith.addi %add3A_878, %add3A_880 : vector<16xi32>
    %swap3A_882 = arith.constant 1 : i32
    %swap3A_883 = arith.index_cast %swap3A_882 : i32 to index
    %swap3A_884 = arith.constant 112 : index
    %swap3A_885 = tpu.vector_load %arg9[%swap3A_883, %swap3A_884] {strides = array<i32>} : memref<16x128xi32, #tpu.memory_space<vmem>>, vector<1x16xi32>,
    %swap3A_886 = vector.shape_cast %swap3A_885 : vector<1x16xi32> to vector<16xi32>
    %swap3A_887 = vector.shape_cast %add3A_881 : vector<16xi32> to vector<1x16xi32>
    tpu.vector_store %arg9[%swap3A_883, %swap3A_884], %swap3A_887 {strides = array<i32>} : memref<16x128xi32, #tpu.memory_space<vmem>>, vector<1x16xi32>,
    %add3A_888 = arith.constant 1 : i32
    %add3A_889 = vector.broadcast %add3A_888 : i32 to vector<16xi32>
    %add3A_890 = arith.addi %add3A_878, %add3A_889 : vector<16xi32>
    %swap3A_891 = arith.constant 5 : i32
    %swap3A_892 = arith.index_cast %swap3A_891 : i32 to index
    %swap3A_893 = arith.constant 112 : index
    %swap3A_894 = tpu.vector_load %arg9[%swap3A_892, %swap3A_893] {strides = array<i32>} : memref<16x128xi32, #tpu.memory_space<vmem>>, vector<1x16xi32>,
    %swap3A_895 = vector.shape_cast %swap3A_894 : vector<1x16xi32> to vector<16xi32>
    %swap3A_896 = vector.shape_cast %add3A_890 : vector<16xi32> to vector<1x16xi32>
    tpu.vector_store %arg9[%swap3A_892, %swap3A_893], %swap3A_896 {strides = array<i32>} : memref<16x128xi32, #tpu.memory_space<vmem>>, vector<1x16xi32>,
    %add3A_897 = arith.constant 2 : i32
    %add3A_898 = vector.broadcast %add3A_897 : i32 to vector<16xi32>
    %add3A_899 = arith.addi %add3A_878, %add3A_898 : vector<16xi32>
    %swap3A_900 = arith.constant 9 : i32
    %swap3A_901 = arith.index_cast %swap3A_900 : i32 to index
    %swap3A_902 = arith.constant 112 : index
    %swap3A_903 = tpu.vector_load %arg9[%swap3A_901, %swap3A_902] {strides = array<i32>} : memref<16x128xi32, #tpu.memory_space<vmem>>, vector<1x16xi32>,
    %swap3A_904 = vector.shape_cast %swap3A_903 : vector<1x16xi32> to vector<16xi32>
    %swap3A_905 = vector.shape_cast %add3A_899 : vector<16xi32> to vector<1x16xi32>
    tpu.vector_store %arg9[%swap3A_901, %swap3A_902], %swap3A_905 {strides = array<i32>} : memref<16x128xi32, #tpu.memory_space<vmem>>, vector<1x16xi32>,
    %add3A_906 = arith.constant 3 : i32
    %add3A_907 = vector.broadcast %add3A_906 : i32 to vector<16xi32>
    %add3A_908 = arith.addi %add3A_878, %add3A_907 : vector<16xi32>
    %swap3A_909 = arith.constant 13 : i32
    %swap3A_910 = arith.index_cast %swap3A_909 : i32 to index
    %swap3A_911 = arith.constant 112 : index
    %swap3A_912 = tpu.vector_load %arg9[%swap3A_910, %swap3A_911] {strides = array<i32>} : memref<16x128xi32, #tpu.memory_space<vmem>>, vector<1x16xi32>,
    %swap3A_913 = vector.shape_cast %swap3A_912 : vector<1x16xi32> to vector<16xi32>
    %swap3A_914 = vector.shape_cast %add3A_908 : vector<16xi32> to vector<1x16xi32>
    tpu.vector_store %arg9[%swap3A_910, %swap3A_911], %swap3A_914 {strides = array<i32>} : memref<16x128xi32, #tpu.memory_space<vmem>>, vector<1x16xi32>,
    %add3A_915 = arith.constant 256 : i32
    %add3A_916 = arith.addi %mul3A_2, %add3A_915 : i32
    %add3A_917 = arith.constant 0 : i32
    %add3A_918 = arith.addi %add3A_916, %add3A_917 : i32
    %mul3A_919 = arith.constant 4 : i32
    %mul3A_920 = arith.muli %add3A_918, %mul3A_919 : i32
    %mul3A_921 = arith.constant 4 : i32
    %mul3A_922 = vector.broadcast %mul3A_921 : i32 to vector<16xi32>
    %mul3A_923 = arith.muli %iota3A, %mul3A_922 : vector<16xi32>
    %add3A_924 = vector.broadcast %mul3A_920 : i32 to vector<16xi32>
    %add3A_925 = arith.addi %add3A_924, %mul3A_923 : vector<16xi32>
    %add3A_926 = arith.constant 0 : i32
    %add3A_927 = vector.broadcast %add3A_926 : i32 to vector<16xi32>
    %add3A_928 = arith.addi %add3A_925, %add3A_927 : vector<16xi32>
    %swap3A_929 = arith.constant 2 : i32
    %swap3A_930 = arith.index_cast %swap3A_929 : i32 to index
    %swap3A_931 = arith.constant 0 : index
    %swap3A_932 = tpu.vector_load %arg9[%swap3A_930, %swap3A_931] {strides = array<i32>} : memref<16x128xi32, #tpu.memory_space<vmem>>, vector<1x16xi32>,
    %swap3A_933 = vector.shape_cast %swap3A_932 : vector<1x16xi32> to vector<16xi32>
    %swap3A_934 = vector.shape_cast %add3A_928 : vector<16xi32> to vector<1x16xi32>
    tpu.vector_store %arg9[%swap3A_930, %swap3A_931], %swap3A_934 {strides = array<i32>} : memref<16x128xi32, #tpu.memory_space<vmem>>, vector<1x16xi32>,
    %add3A_935 = arith.constant 1 : i32
    %add3A_936 = vector.broadcast %add3A_935 : i32 to vector<16xi32>
    %add3A_937 = arith.addi %add3A_925, %add3A_936 : vector<16xi32>
    %swap3A_938 = arith.constant 6 : i32
    %swap3A_939 = arith.index_cast %swap3A_938 : i32 to index
    %swap3A_940 = arith.constant 0 : index
    %swap3A_941 = tpu.vector_load %arg9[%swap3A_939, %swap3A_940] {strides = array<i32>} : memref<16x128xi32, #tpu.memory_space<vmem>>, vector<1x16xi32>,
    %swap3A_942 = vector.shape_cast %swap3A_941 : vector<1x16xi32> to vector<16xi32>
    %swap3A_943 = vector.shape_cast %add3A_937 : vector<16xi32> to vector<1x16xi32>
    tpu.vector_store %arg9[%swap3A_939, %swap3A_940], %swap3A_943 {strides = array<i32>} : memref<16x128xi32, #tpu.memory_space<vmem>>, vector<1x16xi32>,
    %add3A_944 = arith.constant 2 : i32
    %add3A_945 = vector.broadcast %add3A_944 : i32 to vector<16xi32>
    %add3A_946 = arith.addi %add3A_925, %add3A_945 : vector<16xi32>
    %swap3A_947 = arith.constant 10 : i32
    %swap3A_948 = arith.index_cast %swap3A_947 : i32 to index
    %swap3A_949 = arith.constant 0 : index
    %swap3A_950 = tpu.vector_load %arg9[%swap3A_948, %swap3A_949] {strides = array<i32>} : memref<16x128xi32, #tpu.memory_space<vmem>>, vector<1x16xi32>,
    %swap3A_951 = vector.shape_cast %swap3A_950 : vector<1x16xi32> to vector<16xi32>
    %swap3A_952 = vector.shape_cast %add3A_946 : vector<16xi32> to vector<1x16xi32>
    tpu.vector_store %arg9[%swap3A_948, %swap3A_949], %swap3A_952 {strides = array<i32>} : memref<16x128xi32, #tpu.memory_space<vmem>>, vector<1x16xi32>,
    %add3A_953 = arith.constant 3 : i32
    %add3A_954 = vector.broadcast %add3A_953 : i32 to vector<16xi32>
    %add3A_955 = arith.addi %add3A_925, %add3A_954 : vector<16xi32>
    %swap3A_956 = arith.constant 14 : i32
    %swap3A_957 = arith.index_cast %swap3A_956 : i32 to index
    %swap3A_958 = arith.constant 0 : index
    %swap3A_959 = tpu.vector_load %arg9[%swap3A_957, %swap3A_958] {strides = array<i32>} : memref<16x128xi32, #tpu.memory_space<vmem>>, vector<1x16xi32>,
    %swap3A_960 = vector.shape_cast %swap3A_959 : vector<1x16xi32> to vector<16xi32>
    %swap3A_961 = vector.shape_cast %add3A_955 : vector<16xi32> to vector<1x16xi32>
    tpu.vector_store %arg9[%swap3A_957, %swap3A_958], %swap3A_961 {strides = array<i32>} : memref<16x128xi32, #tpu.memory_space<vmem>>, vector<1x16xi32>,
    %add3A_962 = arith.constant 256 : i32
    %add3A_963 = arith.addi %mul3A_2, %add3A_962 : i32
    %add3A_964 = arith.constant 16 : i32
    %add3A_965 = arith.addi %add3A_963, %add3A_964 : i32
    %mul3A_966 = arith.constant 4 : i32
    %mul3A_967 = arith.muli %add3A_965, %mul3A_966 : i32
    %mul3A_968 = arith.constant 4 : i32
    %mul3A_969 = vector.broadcast %mul3A_968 : i32 to vector<16xi32>
    %mul3A_970 = arith.muli %iota3A, %mul3A_969 : vector<16xi32>
    %add3A_971 = vector.broadcast %mul3A_967 : i32 to vector<16xi32>
    %add3A_972 = arith.addi %add3A_971, %mul3A_970 : vector<16xi32>
    %add3A_973 = arith.constant 0 : i32
    %add3A_974 = vector.broadcast %add3A_973 : i32 to vector<16xi32>
    %add3A_975 = arith.addi %add3A_972, %add3A_974 : vector<16xi32>
    %swap3A_976 = arith.constant 2 : i32
    %swap3A_977 = arith.index_cast %swap3A_976 : i32 to index
    %swap3A_978 = arith.constant 16 : index
    %swap3A_979 = tpu.vector_load %arg9[%swap3A_977, %swap3A_978] {strides = array<i32>} : memref<16x128xi32, #tpu.memory_space<vmem>>, vector<1x16xi32>,
    %swap3A_980 = vector.shape_cast %swap3A_979 : vector<1x16xi32> to vector<16xi32>
    %swap3A_981 = vector.shape_cast %add3A_975 : vector<16xi32> to vector<1x16xi32>
    tpu.vector_store %arg9[%swap3A_977, %swap3A_978], %swap3A_981 {strides = array<i32>} : memref<16x128xi32, #tpu.memory_space<vmem>>, vector<1x16xi32>,
    %add3A_982 = arith.constant 1 : i32
    %add3A_983 = vector.broadcast %add3A_982 : i32 to vector<16xi32>
    %add3A_984 = arith.addi %add3A_972, %add3A_983 : vector<16xi32>
    %swap3A_985 = arith.constant 6 : i32
    %swap3A_986 = arith.index_cast %swap3A_985 : i32 to index
    %swap3A_987 = arith.constant 16 : index
    %swap3A_988 = tpu.vector_load %arg9[%swap3A_986, %swap3A_987] {strides = array<i32>} : memref<16x128xi32, #tpu.memory_space<vmem>>, vector<1x16xi32>,
    %swap3A_989 = vector.shape_cast %swap3A_988 : vector<1x16xi32> to vector<16xi32>
    %swap3A_990 = vector.shape_cast %add3A_984 : vector<16xi32> to vector<1x16xi32>
    tpu.vector_store %arg9[%swap3A_986, %swap3A_987], %swap3A_990 {strides = array<i32>} : memref<16x128xi32, #tpu.memory_space<vmem>>, vector<1x16xi32>,
    %add3A_991 = arith.constant 2 : i32
    %add3A_992 = vector.broadcast %add3A_991 : i32 to vector<16xi32>
    %add3A_993 = arith.addi %add3A_972, %add3A_992 : vector<16xi32>
    %swap3A_994 = arith.constant 10 : i32
    %swap3A_995 = arith.index_cast %swap3A_994 : i32 to index
    %swap3A_996 = arith.constant 16 : index
    %swap3A_997 = tpu.vector_load %arg9[%swap3A_995, %swap3A_996] {strides = array<i32>} : memref<16x128xi32, #tpu.memory_space<vmem>>, vector<1x16xi32>,
    %swap3A_998 = vector.shape_cast %swap3A_997 : vector<1x16xi32> to vector<16xi32>
    %swap3A_999 = vector.shape_cast %add3A_993 : vector<16xi32> to vector<1x16xi32>
    tpu.vector_store %arg9[%swap3A_995, %swap3A_996], %swap3A_999 {strides = array<i32>} : memref<16x128xi32, #tpu.memory_space<vmem>>, vector<1x16xi32>,
    %add3A_1000 = arith.constant 3 : i32
    %add3A_1001 = vector.broadcast %add3A_1000 : i32 to vector<16xi32>
    %add3A_1002 = arith.addi %add3A_972, %add3A_1001 : vector<16xi32>
    %swap3A_1003 = arith.constant 14 : i32
    %swap3A_1004 = arith.index_cast %swap3A_1003 : i32 to index
    %swap3A_1005 = arith.constant 16 : index
    %swap3A_1006 = tpu.vector_load %arg9[%swap3A_1004, %swap3A_1005] {strides = array<i32>} : memref<16x128xi32, #tpu.memory_space<vmem>>, vector<1x16xi32>,
    %swap3A_1007 = vector.shape_cast %swap3A_1006 : vector<1x16xi32> to vector<16xi32>
    %swap3A_1008 = vector.shape_cast %add3A_1002 : vector<16xi32> to vector<1x16xi32>
    tpu.vector_store %arg9[%swap3A_1004, %swap3A_1005], %swap3A_1008 {strides = array<i32>} : memref<16x128xi32, #tpu.memory_space<vmem>>, vector<1x16xi32>,
    %add3A_1009 = arith.constant 256 : i32
    %add3A_1010 = arith.addi %mul3A_2, %add3A_1009 : i32
    %add3A_1011 = arith.constant 32 : i32
    %add3A_1012 = arith.addi %add3A_1010, %add3A_1011 : i32
    %mul3A_1013 = arith.constant 4 : i32
    %mul3A_1014 = arith.muli %add3A_1012, %mul3A_1013 : i32
    %mul3A_1015 = arith.constant 4 : i32
    %mul3A_1016 = vector.broadcast %mul3A_1015 : i32 to vector<16xi32>
    %mul3A_1017 = arith.muli %iota3A, %mul3A_1016 : vector<16xi32>
    %add3A_1018 = vector.broadcast %mul3A_1014 : i32 to vector<16xi32>
    %add3A_1019 = arith.addi %add3A_1018, %mul3A_1017 : vector<16xi32>
    %add3A_1020 = arith.constant 0 : i32
    %add3A_1021 = vector.broadcast %add3A_1020 : i32 to vector<16xi32>
    %add3A_1022 = arith.addi %add3A_1019, %add3A_1021 : vector<16xi32>
    %swap3A_1023 = arith.constant 2 : i32
    %swap3A_1024 = arith.index_cast %swap3A_1023 : i32 to index
    %swap3A_1025 = arith.constant 32 : index
    %swap3A_1026 = tpu.vector_load %arg9[%swap3A_1024, %swap3A_1025] {strides = array<i32>} : memref<16x128xi32, #tpu.memory_space<vmem>>, vector<1x16xi32>,
    %swap3A_1027 = vector.shape_cast %swap3A_1026 : vector<1x16xi32> to vector<16xi32>
    %swap3A_1028 = vector.shape_cast %add3A_1022 : vector<16xi32> to vector<1x16xi32>
    tpu.vector_store %arg9[%swap3A_1024, %swap3A_1025], %swap3A_1028 {strides = array<i32>} : memref<16x128xi32, #tpu.memory_space<vmem>>, vector<1x16xi32>,
    %add3A_1029 = arith.constant 1 : i32
    %add3A_1030 = vector.broadcast %add3A_1029 : i32 to vector<16xi32>
    %add3A_1031 = arith.addi %add3A_1019, %add3A_1030 : vector<16xi32>
    %swap3A_1032 = arith.constant 6 : i32
    %swap3A_1033 = arith.index_cast %swap3A_1032 : i32 to index
    %swap3A_1034 = arith.constant 32 : index
    %swap3A_1035 = tpu.vector_load %arg9[%swap3A_1033, %swap3A_1034] {strides = array<i32>} : memref<16x128xi32, #tpu.memory_space<vmem>>, vector<1x16xi32>,
    %swap3A_1036 = vector.shape_cast %swap3A_1035 : vector<1x16xi32> to vector<16xi32>
    %swap3A_1037 = vector.shape_cast %add3A_1031 : vector<16xi32> to vector<1x16xi32>
    tpu.vector_store %arg9[%swap3A_1033, %swap3A_1034], %swap3A_1037 {strides = array<i32>} : memref<16x128xi32, #tpu.memory_space<vmem>>, vector<1x16xi32>,
    %add3A_1038 = arith.constant 2 : i32
    %add3A_1039 = vector.broadcast %add3A_1038 : i32 to vector<16xi32>
    %add3A_1040 = arith.addi %add3A_1019, %add3A_1039 : vector<16xi32>
    %swap3A_1041 = arith.constant 10 : i32
    %swap3A_1042 = arith.index_cast %swap3A_1041 : i32 to index
    %swap3A_1043 = arith.constant 32 : index
    %swap3A_1044 = tpu.vector_load %arg9[%swap3A_1042, %swap3A_1043] {strides = array<i32>} : memref<16x128xi32, #tpu.memory_space<vmem>>, vector<1x16xi32>,
    %swap3A_1045 = vector.shape_cast %swap3A_1044 : vector<1x16xi32> to vector<16xi32>
    %swap3A_1046 = vector.shape_cast %add3A_1040 : vector<16xi32> to vector<1x16xi32>
    tpu.vector_store %arg9[%swap3A_1042, %swap3A_1043], %swap3A_1046 {strides = array<i32>} : memref<16x128xi32, #tpu.memory_space<vmem>>, vector<1x16xi32>,
    %add3A_1047 = arith.constant 3 : i32
    %add3A_1048 = vector.broadcast %add3A_1047 : i32 to vector<16xi32>
    %add3A_1049 = arith.addi %add3A_1019, %add3A_1048 : vector<16xi32>
    %swap3A_1050 = arith.constant 14 : i32
    %swap3A_1051 = arith.index_cast %swap3A_1050 : i32 to index
    %swap3A_1052 = arith.constant 32 : index
    %swap3A_1053 = tpu.vector_load %arg9[%swap3A_1051, %swap3A_1052] {strides = array<i32>} : memref<16x128xi32, #tpu.memory_space<vmem>>, vector<1x16xi32>,
    %swap3A_1054 = vector.shape_cast %swap3A_1053 : vector<1x16xi32> to vector<16xi32>
    %swap3A_1055 = vector.shape_cast %add3A_1049 : vector<16xi32> to vector<1x16xi32>
    tpu.vector_store %arg9[%swap3A_1051, %swap3A_1052], %swap3A_1055 {strides = array<i32>} : memref<16x128xi32, #tpu.memory_space<vmem>>, vector<1x16xi32>,
    %add3A_1056 = arith.constant 256 : i32
    %add3A_1057 = arith.addi %mul3A_2, %add3A_1056 : i32
    %add3A_1058 = arith.constant 48 : i32
    %add3A_1059 = arith.addi %add3A_1057, %add3A_1058 : i32
    %mul3A_1060 = arith.constant 4 : i32
    %mul3A_1061 = arith.muli %add3A_1059, %mul3A_1060 : i32
    %mul3A_1062 = arith.constant 4 : i32
    %mul3A_1063 = vector.broadcast %mul3A_1062 : i32 to vector<16xi32>
    %mul3A_1064 = arith.muli %iota3A, %mul3A_1063 : vector<16xi32>
    %add3A_1065 = vector.broadcast %mul3A_1061 : i32 to vector<16xi32>
    %add3A_1066 = arith.addi %add3A_1065, %mul3A_1064 : vector<16xi32>
    %add3A_1067 = arith.constant 0 : i32
    %add3A_1068 = vector.broadcast %add3A_1067 : i32 to vector<16xi32>
    %add3A_1069 = arith.addi %add3A_1066, %add3A_1068 : vector<16xi32>
    %swap3A_1070 = arith.constant 2 : i32
    %swap3A_1071 = arith.index_cast %swap3A_1070 : i32 to index
    %swap3A_1072 = arith.constant 48 : index
    %swap3A_1073 = tpu.vector_load %arg9[%swap3A_1071, %swap3A_1072] {strides = array<i32>} : memref<16x128xi32, #tpu.memory_space<vmem>>, vector<1x16xi32>,
    %swap3A_1074 = vector.shape_cast %swap3A_1073 : vector<1x16xi32> to vector<16xi32>
    %swap3A_1075 = vector.shape_cast %add3A_1069 : vector<16xi32> to vector<1x16xi32>
    tpu.vector_store %arg9[%swap3A_1071, %swap3A_1072], %swap3A_1075 {strides = array<i32>} : memref<16x128xi32, #tpu.memory_space<vmem>>, vector<1x16xi32>,
    %add3A_1076 = arith.constant 1 : i32
    %add3A_1077 = vector.broadcast %add3A_1076 : i32 to vector<16xi32>
    %add3A_1078 = arith.addi %add3A_1066, %add3A_1077 : vector<16xi32>
    %swap3A_1079 = arith.constant 6 : i32
    %swap3A_1080 = arith.index_cast %swap3A_1079 : i32 to index
    %swap3A_1081 = arith.constant 48 : index
    %swap3A_1082 = tpu.vector_load %arg9[%swap3A_1080, %swap3A_1081] {strides = array<i32>} : memref<16x128xi32, #tpu.memory_space<vmem>>, vector<1x16xi32>,
    %swap3A_1083 = vector.shape_cast %swap3A_1082 : vector<1x16xi32> to vector<16xi32>
    %swap3A_1084 = vector.shape_cast %add3A_1078 : vector<16xi32> to vector<1x16xi32>
    tpu.vector_store %arg9[%swap3A_1080, %swap3A_1081], %swap3A_1084 {strides = array<i32>} : memref<16x128xi32, #tpu.memory_space<vmem>>, vector<1x16xi32>,
    %add3A_1085 = arith.constant 2 : i32
    %add3A_1086 = vector.broadcast %add3A_1085 : i32 to vector<16xi32>
    %add3A_1087 = arith.addi %add3A_1066, %add3A_1086 : vector<16xi32>
    %swap3A_1088 = arith.constant 10 : i32
    %swap3A_1089 = arith.index_cast %swap3A_1088 : i32 to index
    %swap3A_1090 = arith.constant 48 : index
    %swap3A_1091 = tpu.vector_load %arg9[%swap3A_1089, %swap3A_1090] {strides = array<i32>} : memref<16x128xi32, #tpu.memory_space<vmem>>, vector<1x16xi32>,
    %swap3A_1092 = vector.shape_cast %swap3A_1091 : vector<1x16xi32> to vector<16xi32>
    %swap3A_1093 = vector.shape_cast %add3A_1087 : vector<16xi32> to vector<1x16xi32>
    tpu.vector_store %arg9[%swap3A_1089, %swap3A_1090], %swap3A_1093 {strides = array<i32>} : memref<16x128xi32, #tpu.memory_space<vmem>>, vector<1x16xi32>,
    %add3A_1094 = arith.constant 3 : i32
    %add3A_1095 = vector.broadcast %add3A_1094 : i32 to vector<16xi32>
    %add3A_1096 = arith.addi %add3A_1066, %add3A_1095 : vector<16xi32>
    %swap3A_1097 = arith.constant 14 : i32
    %swap3A_1098 = arith.index_cast %swap3A_1097 : i32 to index
    %swap3A_1099 = arith.constant 48 : index
    %swap3A_1100 = tpu.vector_load %arg9[%swap3A_1098, %swap3A_1099] {strides = array<i32>} : memref<16x128xi32, #tpu.memory_space<vmem>>, vector<1x16xi32>,
    %swap3A_1101 = vector.shape_cast %swap3A_1100 : vector<1x16xi32> to vector<16xi32>
    %swap3A_1102 = vector.shape_cast %add3A_1096 : vector<16xi32> to vector<1x16xi32>
    tpu.vector_store %arg9[%swap3A_1098, %swap3A_1099], %swap3A_1102 {strides = array<i32>} : memref<16x128xi32, #tpu.memory_space<vmem>>, vector<1x16xi32>,
    %add3A_1103 = arith.constant 256 : i32
    %add3A_1104 = arith.addi %mul3A_2, %add3A_1103 : i32
    %add3A_1105 = arith.constant 64 : i32
    %add3A_1106 = arith.addi %add3A_1104, %add3A_1105 : i32
    %mul3A_1107 = arith.constant 4 : i32
    %mul3A_1108 = arith.muli %add3A_1106, %mul3A_1107 : i32
    %mul3A_1109 = arith.constant 4 : i32
    %mul3A_1110 = vector.broadcast %mul3A_1109 : i32 to vector<16xi32>
    %mul3A_1111 = arith.muli %iota3A, %mul3A_1110 : vector<16xi32>
    %add3A_1112 = vector.broadcast %mul3A_1108 : i32 to vector<16xi32>
    %add3A_1113 = arith.addi %add3A_1112, %mul3A_1111 : vector<16xi32>
    %add3A_1114 = arith.constant 0 : i32
    %add3A_1115 = vector.broadcast %add3A_1114 : i32 to vector<16xi32>
    %add3A_1116 = arith.addi %add3A_1113, %add3A_1115 : vector<16xi32>
    %swap3A_1117 = arith.constant 2 : i32
    %swap3A_1118 = arith.index_cast %swap3A_1117 : i32 to index
    %swap3A_1119 = arith.constant 64 : index
    %swap3A_1120 = tpu.vector_load %arg9[%swap3A_1118, %swap3A_1119] {strides = array<i32>} : memref<16x128xi32, #tpu.memory_space<vmem>>, vector<1x16xi32>,
    %swap3A_1121 = vector.shape_cast %swap3A_1120 : vector<1x16xi32> to vector<16xi32>
    %swap3A_1122 = vector.shape_cast %add3A_1116 : vector<16xi32> to vector<1x16xi32>
    tpu.vector_store %arg9[%swap3A_1118, %swap3A_1119], %swap3A_1122 {strides = array<i32>} : memref<16x128xi32, #tpu.memory_space<vmem>>, vector<1x16xi32>,
    %add3A_1123 = arith.constant 1 : i32
    %add3A_1124 = vector.broadcast %add3A_1123 : i32 to vector<16xi32>
    %add3A_1125 = arith.addi %add3A_1113, %add3A_1124 : vector<16xi32>
    %swap3A_1126 = arith.constant 6 : i32
    %swap3A_1127 = arith.index_cast %swap3A_1126 : i32 to index
    %swap3A_1128 = arith.constant 64 : index
    %swap3A_1129 = tpu.vector_load %arg9[%swap3A_1127, %swap3A_1128] {strides = array<i32>} : memref<16x128xi32, #tpu.memory_space<vmem>>, vector<1x16xi32>,
    %swap3A_1130 = vector.shape_cast %swap3A_1129 : vector<1x16xi32> to vector<16xi32>
    %swap3A_1131 = vector.shape_cast %add3A_1125 : vector<16xi32> to vector<1x16xi32>
    tpu.vector_store %arg9[%swap3A_1127, %swap3A_1128], %swap3A_1131 {strides = array<i32>} : memref<16x128xi32, #tpu.memory_space<vmem>>, vector<1x16xi32>,
    %add3A_1132 = arith.constant 2 : i32
    %add3A_1133 = vector.broadcast %add3A_1132 : i32 to vector<16xi32>
    %add3A_1134 = arith.addi %add3A_1113, %add3A_1133 : vector<16xi32>
    %swap3A_1135 = arith.constant 10 : i32
    %swap3A_1136 = arith.index_cast %swap3A_1135 : i32 to index
    %swap3A_1137 = arith.constant 64 : index
    %swap3A_1138 = tpu.vector_load %arg9[%swap3A_1136, %swap3A_1137] {strides = array<i32>} : memref<16x128xi32, #tpu.memory_space<vmem>>, vector<1x16xi32>,
    %swap3A_1139 = vector.shape_cast %swap3A_1138 : vector<1x16xi32> to vector<16xi32>
    %swap3A_1140 = vector.shape_cast %add3A_1134 : vector<16xi32> to vector<1x16xi32>
    tpu.vector_store %arg9[%swap3A_1136, %swap3A_1137], %swap3A_1140 {strides = array<i32>} : memref<16x128xi32, #tpu.memory_space<vmem>>, vector<1x16xi32>,
    %add3A_1141 = arith.constant 3 : i32
    %add3A_1142 = vector.broadcast %add3A_1141 : i32 to vector<16xi32>
    %add3A_1143 = arith.addi %add3A_1113, %add3A_1142 : vector<16xi32>
    %swap3A_1144 = arith.constant 14 : i32
    %swap3A_1145 = arith.index_cast %swap3A_1144 : i32 to index
    %swap3A_1146 = arith.constant 64 : index
    %swap3A_1147 = tpu.vector_load %arg9[%swap3A_1145, %swap3A_1146] {strides = array<i32>} : memref<16x128xi32, #tpu.memory_space<vmem>>, vector<1x16xi32>,
    %swap3A_1148 = vector.shape_cast %swap3A_1147 : vector<1x16xi32> to vector<16xi32>
    %swap3A_1149 = vector.shape_cast %add3A_1143 : vector<16xi32> to vector<1x16xi32>
    tpu.vector_store %arg9[%swap3A_1145, %swap3A_1146], %swap3A_1149 {strides = array<i32>} : memref<16x128xi32, #tpu.memory_space<vmem>>, vector<1x16xi32>,
    %add3A_1150 = arith.constant 256 : i32
    %add3A_1151 = arith.addi %mul3A_2, %add3A_1150 : i32
    %add3A_1152 = arith.constant 80 : i32
    %add3A_1153 = arith.addi %add3A_1151, %add3A_1152 : i32
    %mul3A_1154 = arith.constant 4 : i32
    %mul3A_1155 = arith.muli %add3A_1153, %mul3A_1154 : i32
    %mul3A_1156 = arith.constant 4 : i32
    %mul3A_1157 = vector.broadcast %mul3A_1156 : i32 to vector<16xi32>
    %mul3A_1158 = arith.muli %iota3A, %mul3A_1157 : vector<16xi32>
    %add3A_1159 = vector.broadcast %mul3A_1155 : i32 to vector<16xi32>
    %add3A_1160 = arith.addi %add3A_1159, %mul3A_1158 : vector<16xi32>
    %add3A_1161 = arith.constant 0 : i32
    %add3A_1162 = vector.broadcast %add3A_1161 : i32 to vector<16xi32>
    %add3A_1163 = arith.addi %add3A_1160, %add3A_1162 : vector<16xi32>
    %swap3A_1164 = arith.constant 2 : i32
    %swap3A_1165 = arith.index_cast %swap3A_1164 : i32 to index
    %swap3A_1166 = arith.constant 80 : index
    %swap3A_1167 = tpu.vector_load %arg9[%swap3A_1165, %swap3A_1166] {strides = array<i32>} : memref<16x128xi32, #tpu.memory_space<vmem>>, vector<1x16xi32>,
    %swap3A_1168 = vector.shape_cast %swap3A_1167 : vector<1x16xi32> to vector<16xi32>
    %swap3A_1169 = vector.shape_cast %add3A_1163 : vector<16xi32> to vector<1x16xi32>
    tpu.vector_store %arg9[%swap3A_1165, %swap3A_1166], %swap3A_1169 {strides = array<i32>} : memref<16x128xi32, #tpu.memory_space<vmem>>, vector<1x16xi32>,
    %add3A_1170 = arith.constant 1 : i32
    %add3A_1171 = vector.broadcast %add3A_1170 : i32 to vector<16xi32>
    %add3A_1172 = arith.addi %add3A_1160, %add3A_1171 : vector<16xi32>
    %swap3A_1173 = arith.constant 6 : i32
    %swap3A_1174 = arith.index_cast %swap3A_1173 : i32 to index
    %swap3A_1175 = arith.constant 80 : index
    %swap3A_1176 = tpu.vector_load %arg9[%swap3A_1174, %swap3A_1175] {strides = array<i32>} : memref<16x128xi32, #tpu.memory_space<vmem>>, vector<1x16xi32>,
    %swap3A_1177 = vector.shape_cast %swap3A_1176 : vector<1x16xi32> to vector<16xi32>
    %swap3A_1178 = vector.shape_cast %add3A_1172 : vector<16xi32> to vector<1x16xi32>
    tpu.vector_store %arg9[%swap3A_1174, %swap3A_1175], %swap3A_1178 {strides = array<i32>} : memref<16x128xi32, #tpu.memory_space<vmem>>, vector<1x16xi32>,
    %add3A_1179 = arith.constant 2 : i32
    %add3A_1180 = vector.broadcast %add3A_1179 : i32 to vector<16xi32>
    %add3A_1181 = arith.addi %add3A_1160, %add3A_1180 : vector<16xi32>
    %swap3A_1182 = arith.constant 10 : i32
    %swap3A_1183 = arith.index_cast %swap3A_1182 : i32 to index
    %swap3A_1184 = arith.constant 80 : index
    %swap3A_1185 = tpu.vector_load %arg9[%swap3A_1183, %swap3A_1184] {strides = array<i32>} : memref<16x128xi32, #tpu.memory_space<vmem>>, vector<1x16xi32>,
    %swap3A_1186 = vector.shape_cast %swap3A_1185 : vector<1x16xi32> to vector<16xi32>
    %swap3A_1187 = vector.shape_cast %add3A_1181 : vector<16xi32> to vector<1x16xi32>
    tpu.vector_store %arg9[%swap3A_1183, %swap3A_1184], %swap3A_1187 {strides = array<i32>} : memref<16x128xi32, #tpu.memory_space<vmem>>, vector<1x16xi32>,
    %add3A_1188 = arith.constant 3 : i32
    %add3A_1189 = vector.broadcast %add3A_1188 : i32 to vector<16xi32>
    %add3A_1190 = arith.addi %add3A_1160, %add3A_1189 : vector<16xi32>
    %swap3A_1191 = arith.constant 14 : i32
    %swap3A_1192 = arith.index_cast %swap3A_1191 : i32 to index
    %swap3A_1193 = arith.constant 80 : index
    %swap3A_1194 = tpu.vector_load %arg9[%swap3A_1192, %swap3A_1193] {strides = array<i32>} : memref<16x128xi32, #tpu.memory_space<vmem>>, vector<1x16xi32>,
    %swap3A_1195 = vector.shape_cast %swap3A_1194 : vector<1x16xi32> to vector<16xi32>
    %swap3A_1196 = vector.shape_cast %add3A_1190 : vector<16xi32> to vector<1x16xi32>
    tpu.vector_store %arg9[%swap3A_1192, %swap3A_1193], %swap3A_1196 {strides = array<i32>} : memref<16x128xi32, #tpu.memory_space<vmem>>, vector<1x16xi32>,
    %add3A_1197 = arith.constant 256 : i32
    %add3A_1198 = arith.addi %mul3A_2, %add3A_1197 : i32
    %add3A_1199 = arith.constant 96 : i32
    %add3A_1200 = arith.addi %add3A_1198, %add3A_1199 : i32
    %mul3A_1201 = arith.constant 4 : i32
    %mul3A_1202 = arith.muli %add3A_1200, %mul3A_1201 : i32
    %mul3A_1203 = arith.constant 4 : i32
    %mul3A_1204 = vector.broadcast %mul3A_1203 : i32 to vector<16xi32>
    %mul3A_1205 = arith.muli %iota3A, %mul3A_1204 : vector<16xi32>
    %add3A_1206 = vector.broadcast %mul3A_1202 : i32 to vector<16xi32>
    %add3A_1207 = arith.addi %add3A_1206, %mul3A_1205 : vector<16xi32>
    %add3A_1208 = arith.constant 0 : i32
    %add3A_1209 = vector.broadcast %add3A_1208 : i32 to vector<16xi32>
    %add3A_1210 = arith.addi %add3A_1207, %add3A_1209 : vector<16xi32>
    %swap3A_1211 = arith.constant 2 : i32
    %swap3A_1212 = arith.index_cast %swap3A_1211 : i32 to index
    %swap3A_1213 = arith.constant 96 : index
    %swap3A_1214 = tpu.vector_load %arg9[%swap3A_1212, %swap3A_1213] {strides = array<i32>} : memref<16x128xi32, #tpu.memory_space<vmem>>, vector<1x16xi32>,
    %swap3A_1215 = vector.shape_cast %swap3A_1214 : vector<1x16xi32> to vector<16xi32>
    %swap3A_1216 = vector.shape_cast %add3A_1210 : vector<16xi32> to vector<1x16xi32>
    tpu.vector_store %arg9[%swap3A_1212, %swap3A_1213], %swap3A_1216 {strides = array<i32>} : memref<16x128xi32, #tpu.memory_space<vmem>>, vector<1x16xi32>,
    %add3A_1217 = arith.constant 1 : i32
    %add3A_1218 = vector.broadcast %add3A_1217 : i32 to vector<16xi32>
    %add3A_1219 = arith.addi %add3A_1207, %add3A_1218 : vector<16xi32>
    %swap3A_1220 = arith.constant 6 : i32
    %swap3A_1221 = arith.index_cast %swap3A_1220 : i32 to index
    %swap3A_1222 = arith.constant 96 : index
    %swap3A_1223 = tpu.vector_load %arg9[%swap3A_1221, %swap3A_1222] {strides = array<i32>} : memref<16x128xi32, #tpu.memory_space<vmem>>, vector<1x16xi32>,
    %swap3A_1224 = vector.shape_cast %swap3A_1223 : vector<1x16xi32> to vector<16xi32>
    %swap3A_1225 = vector.shape_cast %add3A_1219 : vector<16xi32> to vector<1x16xi32>
    tpu.vector_store %arg9[%swap3A_1221, %swap3A_1222], %swap3A_1225 {strides = array<i32>} : memref<16x128xi32, #tpu.memory_space<vmem>>, vector<1x16xi32>,
    %add3A_1226 = arith.constant 2 : i32
    %add3A_1227 = vector.broadcast %add3A_1226 : i32 to vector<16xi32>
    %add3A_1228 = arith.addi %add3A_1207, %add3A_1227 : vector<16xi32>
    %swap3A_1229 = arith.constant 10 : i32
    %swap3A_1230 = arith.index_cast %swap3A_1229 : i32 to index
    %swap3A_1231 = arith.constant 96 : index
    %swap3A_1232 = tpu.vector_load %arg9[%swap3A_1230, %swap3A_1231] {strides = array<i32>} : memref<16x128xi32, #tpu.memory_space<vmem>>, vector<1x16xi32>,
    %swap3A_1233 = vector.shape_cast %swap3A_1232 : vector<1x16xi32> to vector<16xi32>
    %swap3A_1234 = vector.shape_cast %add3A_1228 : vector<16xi32> to vector<1x16xi32>
    tpu.vector_store %arg9[%swap3A_1230, %swap3A_1231], %swap3A_1234 {strides = array<i32>} : memref<16x128xi32, #tpu.memory_space<vmem>>, vector<1x16xi32>,
    %add3A_1235 = arith.constant 3 : i32
    %add3A_1236 = vector.broadcast %add3A_1235 : i32 to vector<16xi32>
    %add3A_1237 = arith.addi %add3A_1207, %add3A_1236 : vector<16xi32>
    %swap3A_1238 = arith.constant 14 : i32
    %swap3A_1239 = arith.index_cast %swap3A_1238 : i32 to index
    %swap3A_1240 = arith.constant 96 : index
    %swap3A_1241 = tpu.vector_load %arg9[%swap3A_1239, %swap3A_1240] {strides = array<i32>} : memref<16x128xi32, #tpu.memory_space<vmem>>, vector<1x16xi32>,
    %swap3A_1242 = vector.shape_cast %swap3A_1241 : vector<1x16xi32> to vector<16xi32>
    %swap3A_1243 = vector.shape_cast %add3A_1237 : vector<16xi32> to vector<1x16xi32>
    tpu.vector_store %arg9[%swap3A_1239, %swap3A_1240], %swap3A_1243 {strides = array<i32>} : memref<16x128xi32, #tpu.memory_space<vmem>>, vector<1x16xi32>,
    %add3A_1244 = arith.constant 256 : i32
    %add3A_1245 = arith.addi %mul3A_2, %add3A_1244 : i32
    %add3A_1246 = arith.constant 112 : i32
    %add3A_1247 = arith.addi %add3A_1245, %add3A_1246 : i32
    %mul3A_1248 = arith.constant 4 : i32
    %mul3A_1249 = arith.muli %add3A_1247, %mul3A_1248 : i32
    %mul3A_1250 = arith.constant 4 : i32
    %mul3A_1251 = vector.broadcast %mul3A_1250 : i32 to vector<16xi32>
    %mul3A_1252 = arith.muli %iota3A, %mul3A_1251 : vector<16xi32>
    %add3A_1253 = vector.broadcast %mul3A_1249 : i32 to vector<16xi32>
    %add3A_1254 = arith.addi %add3A_1253, %mul3A_1252 : vector<16xi32>
    %add3A_1255 = arith.constant 0 : i32
    %add3A_1256 = vector.broadcast %add3A_1255 : i32 to vector<16xi32>
    %add3A_1257 = arith.addi %add3A_1254, %add3A_1256 : vector<16xi32>
    %swap3A_1258 = arith.constant 2 : i32
    %swap3A_1259 = arith.index_cast %swap3A_1258 : i32 to index
    %swap3A_1260 = arith.constant 112 : index
    %swap3A_1261 = tpu.vector_load %arg9[%swap3A_1259, %swap3A_1260] {strides = array<i32>} : memref<16x128xi32, #tpu.memory_space<vmem>>, vector<1x16xi32>,
    %swap3A_1262 = vector.shape_cast %swap3A_1261 : vector<1x16xi32> to vector<16xi32>
    %swap3A_1263 = vector.shape_cast %add3A_1257 : vector<16xi32> to vector<1x16xi32>
    tpu.vector_store %arg9[%swap3A_1259, %swap3A_1260], %swap3A_1263 {strides = array<i32>} : memref<16x128xi32, #tpu.memory_space<vmem>>, vector<1x16xi32>,
    %add3A_1264 = arith.constant 1 : i32
    %add3A_1265 = vector.broadcast %add3A_1264 : i32 to vector<16xi32>
    %add3A_1266 = arith.addi %add3A_1254, %add3A_1265 : vector<16xi32>
    %swap3A_1267 = arith.constant 6 : i32
    %swap3A_1268 = arith.index_cast %swap3A_1267 : i32 to index
    %swap3A_1269 = arith.constant 112 : index
    %swap3A_1270 = tpu.vector_load %arg9[%swap3A_1268, %swap3A_1269] {strides = array<i32>} : memref<16x128xi32, #tpu.memory_space<vmem>>, vector<1x16xi32>,
    %swap3A_1271 = vector.shape_cast %swap3A_1270 : vector<1x16xi32> to vector<16xi32>
    %swap3A_1272 = vector.shape_cast %add3A_1266 : vector<16xi32> to vector<1x16xi32>
    tpu.vector_store %arg9[%swap3A_1268, %swap3A_1269], %swap3A_1272 {strides = array<i32>} : memref<16x128xi32, #tpu.memory_space<vmem>>, vector<1x16xi32>,
    %add3A_1273 = arith.constant 2 : i32
    %add3A_1274 = vector.broadcast %add3A_1273 : i32 to vector<16xi32>
    %add3A_1275 = arith.addi %add3A_1254, %add3A_1274 : vector<16xi32>
    %swap3A_1276 = arith.constant 10 : i32
    %swap3A_1277 = arith.index_cast %swap3A_1276 : i32 to index
    %swap3A_1278 = arith.constant 112 : index
    %swap3A_1279 = tpu.vector_load %arg9[%swap3A_1277, %swap3A_1278] {strides = array<i32>} : memref<16x128xi32, #tpu.memory_space<vmem>>, vector<1x16xi32>,
    %swap3A_1280 = vector.shape_cast %swap3A_1279 : vector<1x16xi32> to vector<16xi32>
    %swap3A_1281 = vector.shape_cast %add3A_1275 : vector<16xi32> to vector<1x16xi32>
    tpu.vector_store %arg9[%swap3A_1277, %swap3A_1278], %swap3A_1281 {strides = array<i32>} : memref<16x128xi32, #tpu.memory_space<vmem>>, vector<1x16xi32>,
    %add3A_1282 = arith.constant 3 : i32
    %add3A_1283 = vector.broadcast %add3A_1282 : i32 to vector<16xi32>
    %add3A_1284 = arith.addi %add3A_1254, %add3A_1283 : vector<16xi32>
    %swap3A_1285 = arith.constant 14 : i32
    %swap3A_1286 = arith.index_cast %swap3A_1285 : i32 to index
    %swap3A_1287 = arith.constant 112 : index
    %swap3A_1288 = tpu.vector_load %arg9[%swap3A_1286, %swap3A_1287] {strides = array<i32>} : memref<16x128xi32, #tpu.memory_space<vmem>>, vector<1x16xi32>,
    %swap3A_1289 = vector.shape_cast %swap3A_1288 : vector<1x16xi32> to vector<16xi32>
    %swap3A_1290 = vector.shape_cast %add3A_1284 : vector<16xi32> to vector<1x16xi32>
    tpu.vector_store %arg9[%swap3A_1286, %swap3A_1287], %swap3A_1290 {strides = array<i32>} : memref<16x128xi32, #tpu.memory_space<vmem>>, vector<1x16xi32>,
    %add3A_1291 = arith.constant 384 : i32
    %add3A_1292 = arith.addi %mul3A_2, %add3A_1291 : i32
    %add3A_1293 = arith.constant 0 : i32
    %add3A_1294 = arith.addi %add3A_1292, %add3A_1293 : i32
    %mul3A_1295 = arith.constant 4 : i32
    %mul3A_1296 = arith.muli %add3A_1294, %mul3A_1295 : i32
    %mul3A_1297 = arith.constant 4 : i32
    %mul3A_1298 = vector.broadcast %mul3A_1297 : i32 to vector<16xi32>
    %mul3A_1299 = arith.muli %iota3A, %mul3A_1298 : vector<16xi32>
    %add3A_1300 = vector.broadcast %mul3A_1296 : i32 to vector<16xi32>
    %add3A_1301 = arith.addi %add3A_1300, %mul3A_1299 : vector<16xi32>
    %add3A_1302 = arith.constant 0 : i32
    %add3A_1303 = vector.broadcast %add3A_1302 : i32 to vector<16xi32>
    %add3A_1304 = arith.addi %add3A_1301, %add3A_1303 : vector<16xi32>
    %swap3A_1305 = arith.constant 3 : i32
    %swap3A_1306 = arith.index_cast %swap3A_1305 : i32 to index
    %swap3A_1307 = arith.constant 0 : index
    %swap3A_1308 = tpu.vector_load %arg9[%swap3A_1306, %swap3A_1307] {strides = array<i32>} : memref<16x128xi32, #tpu.memory_space<vmem>>, vector<1x16xi32>,
    %swap3A_1309 = vector.shape_cast %swap3A_1308 : vector<1x16xi32> to vector<16xi32>
    %swap3A_1310 = vector.shape_cast %add3A_1304 : vector<16xi32> to vector<1x16xi32>
    tpu.vector_store %arg9[%swap3A_1306, %swap3A_1307], %swap3A_1310 {strides = array<i32>} : memref<16x128xi32, #tpu.memory_space<vmem>>, vector<1x16xi32>,
    %add3A_1311 = arith.constant 1 : i32
    %add3A_1312 = vector.broadcast %add3A_1311 : i32 to vector<16xi32>
    %add3A_1313 = arith.addi %add3A_1301, %add3A_1312 : vector<16xi32>
    %swap3A_1314 = arith.constant 7 : i32
    %swap3A_1315 = arith.index_cast %swap3A_1314 : i32 to index
    %swap3A_1316 = arith.constant 0 : index
    %swap3A_1317 = tpu.vector_load %arg9[%swap3A_1315, %swap3A_1316] {strides = array<i32>} : memref<16x128xi32, #tpu.memory_space<vmem>>, vector<1x16xi32>,
    %swap3A_1318 = vector.shape_cast %swap3A_1317 : vector<1x16xi32> to vector<16xi32>
    %swap3A_1319 = vector.shape_cast %add3A_1313 : vector<16xi32> to vector<1x16xi32>
    tpu.vector_store %arg9[%swap3A_1315, %swap3A_1316], %swap3A_1319 {strides = array<i32>} : memref<16x128xi32, #tpu.memory_space<vmem>>, vector<1x16xi32>,
    %add3A_1320 = arith.constant 2 : i32
    %add3A_1321 = vector.broadcast %add3A_1320 : i32 to vector<16xi32>
    %add3A_1322 = arith.addi %add3A_1301, %add3A_1321 : vector<16xi32>
    %swap3A_1323 = arith.constant 11 : i32
    %swap3A_1324 = arith.index_cast %swap3A_1323 : i32 to index
    %swap3A_1325 = arith.constant 0 : index
    %swap3A_1326 = tpu.vector_load %arg9[%swap3A_1324, %swap3A_1325] {strides = array<i32>} : memref<16x128xi32, #tpu.memory_space<vmem>>, vector<1x16xi32>,
    %swap3A_1327 = vector.shape_cast %swap3A_1326 : vector<1x16xi32> to vector<16xi32>
    %swap3A_1328 = vector.shape_cast %add3A_1322 : vector<16xi32> to vector<1x16xi32>
    tpu.vector_store %arg9[%swap3A_1324, %swap3A_1325], %swap3A_1328 {strides = array<i32>} : memref<16x128xi32, #tpu.memory_space<vmem>>, vector<1x16xi32>,
    %add3A_1329 = arith.constant 3 : i32
    %add3A_1330 = vector.broadcast %add3A_1329 : i32 to vector<16xi32>
    %add3A_1331 = arith.addi %add3A_1301, %add3A_1330 : vector<16xi32>
    %swap3A_1332 = arith.constant 15 : i32
    %swap3A_1333 = arith.index_cast %swap3A_1332 : i32 to index
    %swap3A_1334 = arith.constant 0 : index
    %swap3A_1335 = tpu.vector_load %arg9[%swap3A_1333, %swap3A_1334] {strides = array<i32>} : memref<16x128xi32, #tpu.memory_space<vmem>>, vector<1x16xi32>,
    %swap3A_1336 = vector.shape_cast %swap3A_1335 : vector<1x16xi32> to vector<16xi32>
    %swap3A_1337 = vector.shape_cast %add3A_1331 : vector<16xi32> to vector<1x16xi32>
    tpu.vector_store %arg9[%swap3A_1333, %swap3A_1334], %swap3A_1337 {strides = array<i32>} : memref<16x128xi32, #tpu.memory_space<vmem>>, vector<1x16xi32>,
    %add3A_1338 = arith.constant 384 : i32
    %add3A_1339 = arith.addi %mul3A_2, %add3A_1338 : i32
    %add3A_1340 = arith.constant 16 : i32
    %add3A_1341 = arith.addi %add3A_1339, %add3A_1340 : i32
    %mul3A_1342 = arith.constant 4 : i32
    %mul3A_1343 = arith.muli %add3A_1341, %mul3A_1342 : i32
    %mul3A_1344 = arith.constant 4 : i32
    %mul3A_1345 = vector.broadcast %mul3A_1344 : i32 to vector<16xi32>
    %mul3A_1346 = arith.muli %iota3A, %mul3A_1345 : vector<16xi32>
    %add3A_1347 = vector.broadcast %mul3A_1343 : i32 to vector<16xi32>
    %add3A_1348 = arith.addi %add3A_1347, %mul3A_1346 : vector<16xi32>
    %add3A_1349 = arith.constant 0 : i32
    %add3A_1350 = vector.broadcast %add3A_1349 : i32 to vector<16xi32>
    %add3A_1351 = arith.addi %add3A_1348, %add3A_1350 : vector<16xi32>
    %swap3A_1352 = arith.constant 3 : i32
    %swap3A_1353 = arith.index_cast %swap3A_1352 : i32 to index
    %swap3A_1354 = arith.constant 16 : index
    %swap3A_1355 = tpu.vector_load %arg9[%swap3A_1353, %swap3A_1354] {strides = array<i32>} : memref<16x128xi32, #tpu.memory_space<vmem>>, vector<1x16xi32>,
    %swap3A_1356 = vector.shape_cast %swap3A_1355 : vector<1x16xi32> to vector<16xi32>
    %swap3A_1357 = vector.shape_cast %add3A_1351 : vector<16xi32> to vector<1x16xi32>
    tpu.vector_store %arg9[%swap3A_1353, %swap3A_1354], %swap3A_1357 {strides = array<i32>} : memref<16x128xi32, #tpu.memory_space<vmem>>, vector<1x16xi32>,
    %add3A_1358 = arith.constant 1 : i32
    %add3A_1359 = vector.broadcast %add3A_1358 : i32 to vector<16xi32>
    %add3A_1360 = arith.addi %add3A_1348, %add3A_1359 : vector<16xi32>
    %swap3A_1361 = arith.constant 7 : i32
    %swap3A_1362 = arith.index_cast %swap3A_1361 : i32 to index
    %swap3A_1363 = arith.constant 16 : index
    %swap3A_1364 = tpu.vector_load %arg9[%swap3A_1362, %swap3A_1363] {strides = array<i32>} : memref<16x128xi32, #tpu.memory_space<vmem>>, vector<1x16xi32>,
    %swap3A_1365 = vector.shape_cast %swap3A_1364 : vector<1x16xi32> to vector<16xi32>
    %swap3A_1366 = vector.shape_cast %add3A_1360 : vector<16xi32> to vector<1x16xi32>
    tpu.vector_store %arg9[%swap3A_1362, %swap3A_1363], %swap3A_1366 {strides = array<i32>} : memref<16x128xi32, #tpu.memory_space<vmem>>, vector<1x16xi32>,
    %add3A_1367 = arith.constant 2 : i32
    %add3A_1368 = vector.broadcast %add3A_1367 : i32 to vector<16xi32>
    %add3A_1369 = arith.addi %add3A_1348, %add3A_1368 : vector<16xi32>
    %swap3A_1370 = arith.constant 11 : i32
    %swap3A_1371 = arith.index_cast %swap3A_1370 : i32 to index
    %swap3A_1372 = arith.constant 16 : index
    %swap3A_1373 = tpu.vector_load %arg9[%swap3A_1371, %swap3A_1372] {strides = array<i32>} : memref<16x128xi32, #tpu.memory_space<vmem>>, vector<1x16xi32>,
    %swap3A_1374 = vector.shape_cast %swap3A_1373 : vector<1x16xi32> to vector<16xi32>
    %swap3A_1375 = vector.shape_cast %add3A_1369 : vector<16xi32> to vector<1x16xi32>
    tpu.vector_store %arg9[%swap3A_1371, %swap3A_1372], %swap3A_1375 {strides = array<i32>} : memref<16x128xi32, #tpu.memory_space<vmem>>, vector<1x16xi32>,
    %add3A_1376 = arith.constant 3 : i32
    %add3A_1377 = vector.broadcast %add3A_1376 : i32 to vector<16xi32>
    %add3A_1378 = arith.addi %add3A_1348, %add3A_1377 : vector<16xi32>
    %swap3A_1379 = arith.constant 15 : i32
    %swap3A_1380 = arith.index_cast %swap3A_1379 : i32 to index
    %swap3A_1381 = arith.constant 16 : index
    %swap3A_1382 = tpu.vector_load %arg9[%swap3A_1380, %swap3A_1381] {strides = array<i32>} : memref<16x128xi32, #tpu.memory_space<vmem>>, vector<1x16xi32>,
    %swap3A_1383 = vector.shape_cast %swap3A_1382 : vector<1x16xi32> to vector<16xi32>
    %swap3A_1384 = vector.shape_cast %add3A_1378 : vector<16xi32> to vector<1x16xi32>
    tpu.vector_store %arg9[%swap3A_1380, %swap3A_1381], %swap3A_1384 {strides = array<i32>} : memref<16x128xi32, #tpu.memory_space<vmem>>, vector<1x16xi32>,
    %add3A_1385 = arith.constant 384 : i32
    %add3A_1386 = arith.addi %mul3A_2, %add3A_1385 : i32
    %add3A_1387 = arith.constant 32 : i32
    %add3A_1388 = arith.addi %add3A_1386, %add3A_1387 : i32
    %mul3A_1389 = arith.constant 4 : i32
    %mul3A_1390 = arith.muli %add3A_1388, %mul3A_1389 : i32
    %mul3A_1391 = arith.constant 4 : i32
    %mul3A_1392 = vector.broadcast %mul3A_1391 : i32 to vector<16xi32>
    %mul3A_1393 = arith.muli %iota3A, %mul3A_1392 : vector<16xi32>
    %add3A_1394 = vector.broadcast %mul3A_1390 : i32 to vector<16xi32>
    %add3A_1395 = arith.addi %add3A_1394, %mul3A_1393 : vector<16xi32>
    %add3A_1396 = arith.constant 0 : i32
    %add3A_1397 = vector.broadcast %add3A_1396 : i32 to vector<16xi32>
    %add3A_1398 = arith.addi %add3A_1395, %add3A_1397 : vector<16xi32>
    %swap3A_1399 = arith.constant 3 : i32
    %swap3A_1400 = arith.index_cast %swap3A_1399 : i32 to index
    %swap3A_1401 = arith.constant 32 : index
    %swap3A_1402 = tpu.vector_load %arg9[%swap3A_1400, %swap3A_1401] {strides = array<i32>} : memref<16x128xi32, #tpu.memory_space<vmem>>, vector<1x16xi32>,
    %swap3A_1403 = vector.shape_cast %swap3A_1402 : vector<1x16xi32> to vector<16xi32>
    %swap3A_1404 = vector.shape_cast %add3A_1398 : vector<16xi32> to vector<1x16xi32>
    tpu.vector_store %arg9[%swap3A_1400, %swap3A_1401], %swap3A_1404 {strides = array<i32>} : memref<16x128xi32, #tpu.memory_space<vmem>>, vector<1x16xi32>,
    %add3A_1405 = arith.constant 1 : i32
    %add3A_1406 = vector.broadcast %add3A_1405 : i32 to vector<16xi32>
    %add3A_1407 = arith.addi %add3A_1395, %add3A_1406 : vector<16xi32>
    %swap3A_1408 = arith.constant 7 : i32
    %swap3A_1409 = arith.index_cast %swap3A_1408 : i32 to index
    %swap3A_1410 = arith.constant 32 : index
    %swap3A_1411 = tpu.vector_load %arg9[%swap3A_1409, %swap3A_1410] {strides = array<i32>} : memref<16x128xi32, #tpu.memory_space<vmem>>, vector<1x16xi32>,
    %swap3A_1412 = vector.shape_cast %swap3A_1411 : vector<1x16xi32> to vector<16xi32>
    %swap3A_1413 = vector.shape_cast %add3A_1407 : vector<16xi32> to vector<1x16xi32>
    tpu.vector_store %arg9[%swap3A_1409, %swap3A_1410], %swap3A_1413 {strides = array<i32>} : memref<16x128xi32, #tpu.memory_space<vmem>>, vector<1x16xi32>,
    %add3A_1414 = arith.constant 2 : i32
    %add3A_1415 = vector.broadcast %add3A_1414 : i32 to vector<16xi32>
    %add3A_1416 = arith.addi %add3A_1395, %add3A_1415 : vector<16xi32>
    %swap3A_1417 = arith.constant 11 : i32
    %swap3A_1418 = arith.index_cast %swap3A_1417 : i32 to index
    %swap3A_1419 = arith.constant 32 : index
    %swap3A_1420 = tpu.vector_load %arg9[%swap3A_1418, %swap3A_1419] {strides = array<i32>} : memref<16x128xi32, #tpu.memory_space<vmem>>, vector<1x16xi32>,
    %swap3A_1421 = vector.shape_cast %swap3A_1420 : vector<1x16xi32> to vector<16xi32>
    %swap3A_1422 = vector.shape_cast %add3A_1416 : vector<16xi32> to vector<1x16xi32>
    tpu.vector_store %arg9[%swap3A_1418, %swap3A_1419], %swap3A_1422 {strides = array<i32>} : memref<16x128xi32, #tpu.memory_space<vmem>>, vector<1x16xi32>,
    %add3A_1423 = arith.constant 3 : i32
    %add3A_1424 = vector.broadcast %add3A_1423 : i32 to vector<16xi32>
    %add3A_1425 = arith.addi %add3A_1395, %add3A_1424 : vector<16xi32>
    %swap3A_1426 = arith.constant 15 : i32
    %swap3A_1427 = arith.index_cast %swap3A_1426 : i32 to index
    %swap3A_1428 = arith.constant 32 : index
    %swap3A_1429 = tpu.vector_load %arg9[%swap3A_1427, %swap3A_1428] {strides = array<i32>} : memref<16x128xi32, #tpu.memory_space<vmem>>, vector<1x16xi32>,
    %swap3A_1430 = vector.shape_cast %swap3A_1429 : vector<1x16xi32> to vector<16xi32>
    %swap3A_1431 = vector.shape_cast %add3A_1425 : vector<16xi32> to vector<1x16xi32>
    tpu.vector_store %arg9[%swap3A_1427, %swap3A_1428], %swap3A_1431 {strides = array<i32>} : memref<16x128xi32, #tpu.memory_space<vmem>>, vector<1x16xi32>,
    %add3A_1432 = arith.constant 384 : i32
    %add3A_1433 = arith.addi %mul3A_2, %add3A_1432 : i32
    %add3A_1434 = arith.constant 48 : i32
    %add3A_1435 = arith.addi %add3A_1433, %add3A_1434 : i32
    %mul3A_1436 = arith.constant 4 : i32
    %mul3A_1437 = arith.muli %add3A_1435, %mul3A_1436 : i32
    %mul3A_1438 = arith.constant 4 : i32
    %mul3A_1439 = vector.broadcast %mul3A_1438 : i32 to vector<16xi32>
    %mul3A_1440 = arith.muli %iota3A, %mul3A_1439 : vector<16xi32>
    %add3A_1441 = vector.broadcast %mul3A_1437 : i32 to vector<16xi32>
    %add3A_1442 = arith.addi %add3A_1441, %mul3A_1440 : vector<16xi32>
    %add3A_1443 = arith.constant 0 : i32
    %add3A_1444 = vector.broadcast %add3A_1443 : i32 to vector<16xi32>
    %add3A_1445 = arith.addi %add3A_1442, %add3A_1444 : vector<16xi32>
    %swap3A_1446 = arith.constant 3 : i32
    %swap3A_1447 = arith.index_cast %swap3A_1446 : i32 to index
    %swap3A_1448 = arith.constant 48 : index
    %swap3A_1449 = tpu.vector_load %arg9[%swap3A_1447, %swap3A_1448] {strides = array<i32>} : memref<16x128xi32, #tpu.memory_space<vmem>>, vector<1x16xi32>,
    %swap3A_1450 = vector.shape_cast %swap3A_1449 : vector<1x16xi32> to vector<16xi32>
    %swap3A_1451 = vector.shape_cast %add3A_1445 : vector<16xi32> to vector<1x16xi32>
    tpu.vector_store %arg9[%swap3A_1447, %swap3A_1448], %swap3A_1451 {strides = array<i32>} : memref<16x128xi32, #tpu.memory_space<vmem>>, vector<1x16xi32>,
    %add3A_1452 = arith.constant 1 : i32
    %add3A_1453 = vector.broadcast %add3A_1452 : i32 to vector<16xi32>
    %add3A_1454 = arith.addi %add3A_1442, %add3A_1453 : vector<16xi32>
    %swap3A_1455 = arith.constant 7 : i32
    %swap3A_1456 = arith.index_cast %swap3A_1455 : i32 to index
    %swap3A_1457 = arith.constant 48 : index
    %swap3A_1458 = tpu.vector_load %arg9[%swap3A_1456, %swap3A_1457] {strides = array<i32>} : memref<16x128xi32, #tpu.memory_space<vmem>>, vector<1x16xi32>,
    %swap3A_1459 = vector.shape_cast %swap3A_1458 : vector<1x16xi32> to vector<16xi32>
    %swap3A_1460 = vector.shape_cast %add3A_1454 : vector<16xi32> to vector<1x16xi32>
    tpu.vector_store %arg9[%swap3A_1456, %swap3A_1457], %swap3A_1460 {strides = array<i32>} : memref<16x128xi32, #tpu.memory_space<vmem>>, vector<1x16xi32>,
    %add3A_1461 = arith.constant 2 : i32
    %add3A_1462 = vector.broadcast %add3A_1461 : i32 to vector<16xi32>
    %add3A_1463 = arith.addi %add3A_1442, %add3A_1462 : vector<16xi32>
    %swap3A_1464 = arith.constant 11 : i32
    %swap3A_1465 = arith.index_cast %swap3A_1464 : i32 to index
    %swap3A_1466 = arith.constant 48 : index
    %swap3A_1467 = tpu.vector_load %arg9[%swap3A_1465, %swap3A_1466] {strides = array<i32>} : memref<16x128xi32, #tpu.memory_space<vmem>>, vector<1x16xi32>,
    %swap3A_1468 = vector.shape_cast %swap3A_1467 : vector<1x16xi32> to vector<16xi32>
    %swap3A_1469 = vector.shape_cast %add3A_1463 : vector<16xi32> to vector<1x16xi32>
    tpu.vector_store %arg9[%swap3A_1465, %swap3A_1466], %swap3A_1469 {strides = array<i32>} : memref<16x128xi32, #tpu.memory_space<vmem>>, vector<1x16xi32>,
    %add3A_1470 = arith.constant 3 : i32
    %add3A_1471 = vector.broadcast %add3A_1470 : i32 to vector<16xi32>
    %add3A_1472 = arith.addi %add3A_1442, %add3A_1471 : vector<16xi32>
    %swap3A_1473 = arith.constant 15 : i32
    %swap3A_1474 = arith.index_cast %swap3A_1473 : i32 to index
    %swap3A_1475 = arith.constant 48 : index
    %swap3A_1476 = tpu.vector_load %arg9[%swap3A_1474, %swap3A_1475] {strides = array<i32>} : memref<16x128xi32, #tpu.memory_space<vmem>>, vector<1x16xi32>,
    %swap3A_1477 = vector.shape_cast %swap3A_1476 : vector<1x16xi32> to vector<16xi32>
    %swap3A_1478 = vector.shape_cast %add3A_1472 : vector<16xi32> to vector<1x16xi32>
    tpu.vector_store %arg9[%swap3A_1474, %swap3A_1475], %swap3A_1478 {strides = array<i32>} : memref<16x128xi32, #tpu.memory_space<vmem>>, vector<1x16xi32>,
    %add3A_1479 = arith.constant 384 : i32
    %add3A_1480 = arith.addi %mul3A_2, %add3A_1479 : i32
    %add3A_1481 = arith.constant 64 : i32
    %add3A_1482 = arith.addi %add3A_1480, %add3A_1481 : i32
    %mul3A_1483 = arith.constant 4 : i32
    %mul3A_1484 = arith.muli %add3A_1482, %mul3A_1483 : i32
    %mul3A_1485 = arith.constant 4 : i32
    %mul3A_1486 = vector.broadcast %mul3A_1485 : i32 to vector<16xi32>
    %mul3A_1487 = arith.muli %iota3A, %mul3A_1486 : vector<16xi32>
    %add3A_1488 = vector.broadcast %mul3A_1484 : i32 to vector<16xi32>
    %add3A_1489 = arith.addi %add3A_1488, %mul3A_1487 : vector<16xi32>
    %add3A_1490 = arith.constant 0 : i32
    %add3A_1491 = vector.broadcast %add3A_1490 : i32 to vector<16xi32>
    %add3A_1492 = arith.addi %add3A_1489, %add3A_1491 : vector<16xi32>
    %swap3A_1493 = arith.constant 3 : i32
    %swap3A_1494 = arith.index_cast %swap3A_1493 : i32 to index
    %swap3A_1495 = arith.constant 64 : index
    %swap3A_1496 = tpu.vector_load %arg9[%swap3A_1494, %swap3A_1495] {strides = array<i32>} : memref<16x128xi32, #tpu.memory_space<vmem>>, vector<1x16xi32>,
    %swap3A_1497 = vector.shape_cast %swap3A_1496 : vector<1x16xi32> to vector<16xi32>
    %swap3A_1498 = vector.shape_cast %add3A_1492 : vector<16xi32> to vector<1x16xi32>
    tpu.vector_store %arg9[%swap3A_1494, %swap3A_1495], %swap3A_1498 {strides = array<i32>} : memref<16x128xi32, #tpu.memory_space<vmem>>, vector<1x16xi32>,
    %add3A_1499 = arith.constant 1 : i32
    %add3A_1500 = vector.broadcast %add3A_1499 : i32 to vector<16xi32>
    %add3A_1501 = arith.addi %add3A_1489, %add3A_1500 : vector<16xi32>
    %swap3A_1502 = arith.constant 7 : i32
    %swap3A_1503 = arith.index_cast %swap3A_1502 : i32 to index
    %swap3A_1504 = arith.constant 64 : index
    %swap3A_1505 = tpu.vector_load %arg9[%swap3A_1503, %swap3A_1504] {strides = array<i32>} : memref<16x128xi32, #tpu.memory_space<vmem>>, vector<1x16xi32>,
    %swap3A_1506 = vector.shape_cast %swap3A_1505 : vector<1x16xi32> to vector<16xi32>
    %swap3A_1507 = vector.shape_cast %add3A_1501 : vector<16xi32> to vector<1x16xi32>
    tpu.vector_store %arg9[%swap3A_1503, %swap3A_1504], %swap3A_1507 {strides = array<i32>} : memref<16x128xi32, #tpu.memory_space<vmem>>, vector<1x16xi32>,
    %add3A_1508 = arith.constant 2 : i32
    %add3A_1509 = vector.broadcast %add3A_1508 : i32 to vector<16xi32>
    %add3A_1510 = arith.addi %add3A_1489, %add3A_1509 : vector<16xi32>
    %swap3A_1511 = arith.constant 11 : i32
    %swap3A_1512 = arith.index_cast %swap3A_1511 : i32 to index
    %swap3A_1513 = arith.constant 64 : index
    %swap3A_1514 = tpu.vector_load %arg9[%swap3A_1512, %swap3A_1513] {strides = array<i32>} : memref<16x128xi32, #tpu.memory_space<vmem>>, vector<1x16xi32>,
    %swap3A_1515 = vector.shape_cast %swap3A_1514 : vector<1x16xi32> to vector<16xi32>
    %swap3A_1516 = vector.shape_cast %add3A_1510 : vector<16xi32> to vector<1x16xi32>
    tpu.vector_store %arg9[%swap3A_1512, %swap3A_1513], %swap3A_1516 {strides = array<i32>} : memref<16x128xi32, #tpu.memory_space<vmem>>, vector<1x16xi32>,
    %add3A_1517 = arith.constant 3 : i32
    %add3A_1518 = vector.broadcast %add3A_1517 : i32 to vector<16xi32>
    %add3A_1519 = arith.addi %add3A_1489, %add3A_1518 : vector<16xi32>
    %swap3A_1520 = arith.constant 15 : i32
    %swap3A_1521 = arith.index_cast %swap3A_1520 : i32 to index
    %swap3A_1522 = arith.constant 64 : index
    %swap3A_1523 = tpu.vector_load %arg9[%swap3A_1521, %swap3A_1522] {strides = array<i32>} : memref<16x128xi32, #tpu.memory_space<vmem>>, vector<1x16xi32>,
    %swap3A_1524 = vector.shape_cast %swap3A_1523 : vector<1x16xi32> to vector<16xi32>
    %swap3A_1525 = vector.shape_cast %add3A_1519 : vector<16xi32> to vector<1x16xi32>
    tpu.vector_store %arg9[%swap3A_1521, %swap3A_1522], %swap3A_1525 {strides = array<i32>} : memref<16x128xi32, #tpu.memory_space<vmem>>, vector<1x16xi32>,
    %add3A_1526 = arith.constant 384 : i32
    %add3A_1527 = arith.addi %mul3A_2, %add3A_1526 : i32
    %add3A_1528 = arith.constant 80 : i32
    %add3A_1529 = arith.addi %add3A_1527, %add3A_1528 : i32
    %mul3A_1530 = arith.constant 4 : i32
    %mul3A_1531 = arith.muli %add3A_1529, %mul3A_1530 : i32
    %mul3A_1532 = arith.constant 4 : i32
    %mul3A_1533 = vector.broadcast %mul3A_1532 : i32 to vector<16xi32>
    %mul3A_1534 = arith.muli %iota3A, %mul3A_1533 : vector<16xi32>
    %add3A_1535 = vector.broadcast %mul3A_1531 : i32 to vector<16xi32>
    %add3A_1536 = arith.addi %add3A_1535, %mul3A_1534 : vector<16xi32>
    %add3A_1537 = arith.constant 0 : i32
    %add3A_1538 = vector.broadcast %add3A_1537 : i32 to vector<16xi32>
    %add3A_1539 = arith.addi %add3A_1536, %add3A_1538 : vector<16xi32>
    %swap3A_1540 = arith.constant 3 : i32
    %swap3A_1541 = arith.index_cast %swap3A_1540 : i32 to index
    %swap3A_1542 = arith.constant 80 : index
    %swap3A_1543 = tpu.vector_load %arg9[%swap3A_1541, %swap3A_1542] {strides = array<i32>} : memref<16x128xi32, #tpu.memory_space<vmem>>, vector<1x16xi32>,
    %swap3A_1544 = vector.shape_cast %swap3A_1543 : vector<1x16xi32> to vector<16xi32>
    %swap3A_1545 = vector.shape_cast %add3A_1539 : vector<16xi32> to vector<1x16xi32>
    tpu.vector_store %arg9[%swap3A_1541, %swap3A_1542], %swap3A_1545 {strides = array<i32>} : memref<16x128xi32, #tpu.memory_space<vmem>>, vector<1x16xi32>,
    %add3A_1546 = arith.constant 1 : i32
    %add3A_1547 = vector.broadcast %add3A_1546 : i32 to vector<16xi32>
    %add3A_1548 = arith.addi %add3A_1536, %add3A_1547 : vector<16xi32>
    %swap3A_1549 = arith.constant 7 : i32
    %swap3A_1550 = arith.index_cast %swap3A_1549 : i32 to index
    %swap3A_1551 = arith.constant 80 : index
    %swap3A_1552 = tpu.vector_load %arg9[%swap3A_1550, %swap3A_1551] {strides = array<i32>} : memref<16x128xi32, #tpu.memory_space<vmem>>, vector<1x16xi32>,
    %swap3A_1553 = vector.shape_cast %swap3A_1552 : vector<1x16xi32> to vector<16xi32>
    %swap3A_1554 = vector.shape_cast %add3A_1548 : vector<16xi32> to vector<1x16xi32>
    tpu.vector_store %arg9[%swap3A_1550, %swap3A_1551], %swap3A_1554 {strides = array<i32>} : memref<16x128xi32, #tpu.memory_space<vmem>>, vector<1x16xi32>,
    %add3A_1555 = arith.constant 2 : i32
    %add3A_1556 = vector.broadcast %add3A_1555 : i32 to vector<16xi32>
    %add3A_1557 = arith.addi %add3A_1536, %add3A_1556 : vector<16xi32>
    %swap3A_1558 = arith.constant 11 : i32
    %swap3A_1559 = arith.index_cast %swap3A_1558 : i32 to index
    %swap3A_1560 = arith.constant 80 : index
    %swap3A_1561 = tpu.vector_load %arg9[%swap3A_1559, %swap3A_1560] {strides = array<i32>} : memref<16x128xi32, #tpu.memory_space<vmem>>, vector<1x16xi32>,
    %swap3A_1562 = vector.shape_cast %swap3A_1561 : vector<1x16xi32> to vector<16xi32>
    %swap3A_1563 = vector.shape_cast %add3A_1557 : vector<16xi32> to vector<1x16xi32>
    tpu.vector_store %arg9[%swap3A_1559, %swap3A_1560], %swap3A_1563 {strides = array<i32>} : memref<16x128xi32, #tpu.memory_space<vmem>>, vector<1x16xi32>,
    %add3A_1564 = arith.constant 3 : i32
    %add3A_1565 = vector.broadcast %add3A_1564 : i32 to vector<16xi32>
    %add3A_1566 = arith.addi %add3A_1536, %add3A_1565 : vector<16xi32>
    %swap3A_1567 = arith.constant 15 : i32
    %swap3A_1568 = arith.index_cast %swap3A_1567 : i32 to index
    %swap3A_1569 = arith.constant 80 : index
    %swap3A_1570 = tpu.vector_load %arg9[%swap3A_1568, %swap3A_1569] {strides = array<i32>} : memref<16x128xi32, #tpu.memory_space<vmem>>, vector<1x16xi32>,
    %swap3A_1571 = vector.shape_cast %swap3A_1570 : vector<1x16xi32> to vector<16xi32>
    %swap3A_1572 = vector.shape_cast %add3A_1566 : vector<16xi32> to vector<1x16xi32>
    tpu.vector_store %arg9[%swap3A_1568, %swap3A_1569], %swap3A_1572 {strides = array<i32>} : memref<16x128xi32, #tpu.memory_space<vmem>>, vector<1x16xi32>,
    %add3A_1573 = arith.constant 384 : i32
    %add3A_1574 = arith.addi %mul3A_2, %add3A_1573 : i32
    %add3A_1575 = arith.constant 96 : i32
    %add3A_1576 = arith.addi %add3A_1574, %add3A_1575 : i32
    %mul3A_1577 = arith.constant 4 : i32
    %mul3A_1578 = arith.muli %add3A_1576, %mul3A_1577 : i32
    %mul3A_1579 = arith.constant 4 : i32
    %mul3A_1580 = vector.broadcast %mul3A_1579 : i32 to vector<16xi32>
    %mul3A_1581 = arith.muli %iota3A, %mul3A_1580 : vector<16xi32>
    %add3A_1582 = vector.broadcast %mul3A_1578 : i32 to vector<16xi32>
    %add3A_1583 = arith.addi %add3A_1582, %mul3A_1581 : vector<16xi32>
    %add3A_1584 = arith.constant 0 : i32
    %add3A_1585 = vector.broadcast %add3A_1584 : i32 to vector<16xi32>
    %add3A_1586 = arith.addi %add3A_1583, %add3A_1585 : vector<16xi32>
    %swap3A_1587 = arith.constant 3 : i32
    %swap3A_1588 = arith.index_cast %swap3A_1587 : i32 to index
    %swap3A_1589 = arith.constant 96 : index
    %swap3A_1590 = tpu.vector_load %arg9[%swap3A_1588, %swap3A_1589] {strides = array<i32>} : memref<16x128xi32, #tpu.memory_space<vmem>>, vector<1x16xi32>,
    %swap3A_1591 = vector.shape_cast %swap3A_1590 : vector<1x16xi32> to vector<16xi32>
    %swap3A_1592 = vector.shape_cast %add3A_1586 : vector<16xi32> to vector<1x16xi32>
    tpu.vector_store %arg9[%swap3A_1588, %swap3A_1589], %swap3A_1592 {strides = array<i32>} : memref<16x128xi32, #tpu.memory_space<vmem>>, vector<1x16xi32>,
    %add3A_1593 = arith.constant 1 : i32
    %add3A_1594 = vector.broadcast %add3A_1593 : i32 to vector<16xi32>
    %add3A_1595 = arith.addi %add3A_1583, %add3A_1594 : vector<16xi32>
    %swap3A_1596 = arith.constant 7 : i32
    %swap3A_1597 = arith.index_cast %swap3A_1596 : i32 to index
    %swap3A_1598 = arith.constant 96 : index
    %swap3A_1599 = tpu.vector_load %arg9[%swap3A_1597, %swap3A_1598] {strides = array<i32>} : memref<16x128xi32, #tpu.memory_space<vmem>>, vector<1x16xi32>,
    %swap3A_1600 = vector.shape_cast %swap3A_1599 : vector<1x16xi32> to vector<16xi32>
    %swap3A_1601 = vector.shape_cast %add3A_1595 : vector<16xi32> to vector<1x16xi32>
    tpu.vector_store %arg9[%swap3A_1597, %swap3A_1598], %swap3A_1601 {strides = array<i32>} : memref<16x128xi32, #tpu.memory_space<vmem>>, vector<1x16xi32>,
    %add3A_1602 = arith.constant 2 : i32
    %add3A_1603 = vector.broadcast %add3A_1602 : i32 to vector<16xi32>
    %add3A_1604 = arith.addi %add3A_1583, %add3A_1603 : vector<16xi32>
    %swap3A_1605 = arith.constant 11 : i32
    %swap3A_1606 = arith.index_cast %swap3A_1605 : i32 to index
    %swap3A_1607 = arith.constant 96 : index
    %swap3A_1608 = tpu.vector_load %arg9[%swap3A_1606, %swap3A_1607] {strides = array<i32>} : memref<16x128xi32, #tpu.memory_space<vmem>>, vector<1x16xi32>,
    %swap3A_1609 = vector.shape_cast %swap3A_1608 : vector<1x16xi32> to vector<16xi32>
    %swap3A_1610 = vector.shape_cast %add3A_1604 : vector<16xi32> to vector<1x16xi32>
    tpu.vector_store %arg9[%swap3A_1606, %swap3A_1607], %swap3A_1610 {strides = array<i32>} : memref<16x128xi32, #tpu.memory_space<vmem>>, vector<1x16xi32>,
    %add3A_1611 = arith.constant 3 : i32
    %add3A_1612 = vector.broadcast %add3A_1611 : i32 to vector<16xi32>
    %add3A_1613 = arith.addi %add3A_1583, %add3A_1612 : vector<16xi32>
    %swap3A_1614 = arith.constant 15 : i32
    %swap3A_1615 = arith.index_cast %swap3A_1614 : i32 to index
    %swap3A_1616 = arith.constant 96 : index
    %swap3A_1617 = tpu.vector_load %arg9[%swap3A_1615, %swap3A_1616] {strides = array<i32>} : memref<16x128xi32, #tpu.memory_space<vmem>>, vector<1x16xi32>,
    %swap3A_1618 = vector.shape_cast %swap3A_1617 : vector<1x16xi32> to vector<16xi32>
    %swap3A_1619 = vector.shape_cast %add3A_1613 : vector<16xi32> to vector<1x16xi32>
    tpu.vector_store %arg9[%swap3A_1615, %swap3A_1616], %swap3A_1619 {strides = array<i32>} : memref<16x128xi32, #tpu.memory_space<vmem>>, vector<1x16xi32>,
    %add3A_1620 = arith.constant 384 : i32
    %add3A_1621 = arith.addi %mul3A_2, %add3A_1620 : i32
    %add3A_1622 = arith.constant 112 : i32
    %add3A_1623 = arith.addi %add3A_1621, %add3A_1622 : i32
    %mul3A_1624 = arith.constant 4 : i32
    %mul3A_1625 = arith.muli %add3A_1623, %mul3A_1624 : i32
    %mul3A_1626 = arith.constant 4 : i32
    %mul3A_1627 = vector.broadcast %mul3A_1626 : i32 to vector<16xi32>
    %mul3A_1628 = arith.muli %iota3A, %mul3A_1627 : vector<16xi32>
    %add3A_1629 = vector.broadcast %mul3A_1625 : i32 to vector<16xi32>
    %add3A_1630 = arith.addi %add3A_1629, %mul3A_1628 : vector<16xi32>
    %add3A_1631 = arith.constant 0 : i32
    %add3A_1632 = vector.broadcast %add3A_1631 : i32 to vector<16xi32>
    %add3A_1633 = arith.addi %add3A_1630, %add3A_1632 : vector<16xi32>
    %swap3A_1634 = arith.constant 3 : i32
    %swap3A_1635 = arith.index_cast %swap3A_1634 : i32 to index
    %swap3A_1636 = arith.constant 112 : index
    %swap3A_1637 = tpu.vector_load %arg9[%swap3A_1635, %swap3A_1636] {strides = array<i32>} : memref<16x128xi32, #tpu.memory_space<vmem>>, vector<1x16xi32>,
    %swap3A_1638 = vector.shape_cast %swap3A_1637 : vector<1x16xi32> to vector<16xi32>
    %swap3A_1639 = vector.shape_cast %add3A_1633 : vector<16xi32> to vector<1x16xi32>
    tpu.vector_store %arg9[%swap3A_1635, %swap3A_1636], %swap3A_1639 {strides = array<i32>} : memref<16x128xi32, #tpu.memory_space<vmem>>, vector<1x16xi32>,
    %add3A_1640 = arith.constant 1 : i32
    %add3A_1641 = vector.broadcast %add3A_1640 : i32 to vector<16xi32>
    %add3A_1642 = arith.addi %add3A_1630, %add3A_1641 : vector<16xi32>
    %swap3A_1643 = arith.constant 7 : i32
    %swap3A_1644 = arith.index_cast %swap3A_1643 : i32 to index
    %swap3A_1645 = arith.constant 112 : index
    %swap3A_1646 = tpu.vector_load %arg9[%swap3A_1644, %swap3A_1645] {strides = array<i32>} : memref<16x128xi32, #tpu.memory_space<vmem>>, vector<1x16xi32>,
    %swap3A_1647 = vector.shape_cast %swap3A_1646 : vector<1x16xi32> to vector<16xi32>
    %swap3A_1648 = vector.shape_cast %add3A_1642 : vector<16xi32> to vector<1x16xi32>
    tpu.vector_store %arg9[%swap3A_1644, %swap3A_1645], %swap3A_1648 {strides = array<i32>} : memref<16x128xi32, #tpu.memory_space<vmem>>, vector<1x16xi32>,
    %add3A_1649 = arith.constant 2 : i32
    %add3A_1650 = vector.broadcast %add3A_1649 : i32 to vector<16xi32>
    %add3A_1651 = arith.addi %add3A_1630, %add3A_1650 : vector<16xi32>
    %swap3A_1652 = arith.constant 11 : i32
    %swap3A_1653 = arith.index_cast %swap3A_1652 : i32 to index
    %swap3A_1654 = arith.constant 112 : index
    %swap3A_1655 = tpu.vector_load %arg9[%swap3A_1653, %swap3A_1654] {strides = array<i32>} : memref<16x128xi32, #tpu.memory_space<vmem>>, vector<1x16xi32>,
    %swap3A_1656 = vector.shape_cast %swap3A_1655 : vector<1x16xi32> to vector<16xi32>
    %swap3A_1657 = vector.shape_cast %add3A_1651 : vector<16xi32> to vector<1x16xi32>
    tpu.vector_store %arg9[%swap3A_1653, %swap3A_1654], %swap3A_1657 {strides = array<i32>} : memref<16x128xi32, #tpu.memory_space<vmem>>, vector<1x16xi32>,
    %add3A_1658 = arith.constant 3 : i32
    %add3A_1659 = vector.broadcast %add3A_1658 : i32 to vector<16xi32>
    %add3A_1660 = arith.addi %add3A_1630, %add3A_1659 : vector<16xi32>
    %swap3A_1661 = arith.constant 15 : i32
    %swap3A_1662 = arith.index_cast %swap3A_1661 : i32 to index
    %swap3A_1663 = arith.constant 112 : index
    %swap3A_1664 = tpu.vector_load %arg9[%swap3A_1662, %swap3A_1663] {strides = array<i32>} : memref<16x128xi32, #tpu.memory_space<vmem>>, vector<1x16xi32>,
    %swap3A_1665 = vector.shape_cast %swap3A_1664 : vector<1x16xi32> to vector<16xi32>
    %swap3A_1666 = vector.shape_cast %add3A_1660 : vector<16xi32> to vector<1x16xi32>
    tpu.vector_store %arg9[%swap3A_1662, %swap3A_1663], %swap3A_1666 {strides = array<i32>} : memref<16x128xi32, #tpu.memory_space<vmem>>, vector<1x16xi32>,
    %dma_wait3A = arith.constant 0 : i32
    %dma_wait3A_1667 = arith.constant 0 : i32
    %dma_wait3A_1668 = arith.constant 0 : i32
    %dma_wait3A_1669 = tpu.memref_slice %arg10[%dma_wait3A_1667, %dma_wait3A_1668] : memref<512x32xf32, #tpu.memory_space<vmem>> -> memref<128x32xf32, #tpu.memory_space<vmem>>
    %dma_wait3A_1670 = arith.constant 0 : i32
    %dma_wait3A_1671 = tpu.memref_slice %arg8[%dma_wait3A, %dma_wait3A_1670] : memref<4x128xi32, #tpu.memory_space<vmem>> -> memref<1x128xi32, #tpu.memory_space<vmem>>
    %dma_wait3A_1672 = tpu.memref_squeeze %dma_wait3A_1671 : memref<1x128xi32, #tpu.memory_space<vmem>> -> memref<128xi32, #tpu.memory_space<vmem>>
    %dma_wait3A_1673 = arith.constant 0 : i32
    %dma_wait3A_1674 = arith.constant 0 : i32
    %dma_wait3A_1675 = tpu.memref_slice %arg3[%dma_wait3A_1673, %dma_wait3A_1674] : memref<100000x32xf32, #tpu.memory_space<hbm>> -> memref<100000x32xf32, #tpu.memory_space<hbm>>
    tpu.wait_indirect_dma semaphore(%arg14 : memref<!tpu.dma_semaphore, #tpu.memory_space<semaphore_mem>>) src(%dma_wait3A_1675 : memref<100000x32xf32, #tpu.memory_space<hbm>>) dst(%dma_wait3A_1669 : memref<128x32xf32, #tpu.memory_space<vmem>>)
    %dma_wait3A_1676 = arith.constant 1 : i32
    %dma_wait3A_1677 = arith.constant 128 : i32
    %dma_wait3A_1678 = arith.constant 0 : i32
    %dma_wait3A_1679 = tpu.memref_slice %arg10[%dma_wait3A_1677, %dma_wait3A_1678] : memref<512x32xf32, #tpu.memory_space<vmem>> -> memref<128x32xf32, #tpu.memory_space<vmem>>
    %dma_wait3A_1680 = arith.constant 0 : i32
    %dma_wait3A_1681 = tpu.memref_slice %arg8[%dma_wait3A_1676, %dma_wait3A_1680] : memref<4x128xi32, #tpu.memory_space<vmem>> -> memref<1x128xi32, #tpu.memory_space<vmem>>
    %dma_wait3A_1682 = tpu.memref_squeeze %dma_wait3A_1681 : memref<1x128xi32, #tpu.memory_space<vmem>> -> memref<128xi32, #tpu.memory_space<vmem>>
    %dma_wait3A_1683 = arith.constant 0 : i32
    %dma_wait3A_1684 = arith.constant 0 : i32
    %dma_wait3A_1685 = tpu.memref_slice %arg3[%dma_wait3A_1683, %dma_wait3A_1684] : memref<100000x32xf32, #tpu.memory_space<hbm>> -> memref<100000x32xf32, #tpu.memory_space<hbm>>
    tpu.wait_indirect_dma semaphore(%arg14 : memref<!tpu.dma_semaphore, #tpu.memory_space<semaphore_mem>>) src(%dma_wait3A_1685 : memref<100000x32xf32, #tpu.memory_space<hbm>>) dst(%dma_wait3A_1679 : memref<128x32xf32, #tpu.memory_space<vmem>>)
    %dma_wait3A_1686 = arith.constant 2 : i32
    %dma_wait3A_1687 = arith.constant 256 : i32
    %dma_wait3A_1688 = arith.constant 0 : i32
    %dma_wait3A_1689 = tpu.memref_slice %arg10[%dma_wait3A_1687, %dma_wait3A_1688] : memref<512x32xf32, #tpu.memory_space<vmem>> -> memref<128x32xf32, #tpu.memory_space<vmem>>
    %dma_wait3A_1690 = arith.constant 0 : i32
    %dma_wait3A_1691 = tpu.memref_slice %arg8[%dma_wait3A_1686, %dma_wait3A_1690] : memref<4x128xi32, #tpu.memory_space<vmem>> -> memref<1x128xi32, #tpu.memory_space<vmem>>
    %dma_wait3A_1692 = tpu.memref_squeeze %dma_wait3A_1691 : memref<1x128xi32, #tpu.memory_space<vmem>> -> memref<128xi32, #tpu.memory_space<vmem>>
    %dma_wait3A_1693 = arith.constant 0 : i32
    %dma_wait3A_1694 = arith.constant 0 : i32
    %dma_wait3A_1695 = tpu.memref_slice %arg3[%dma_wait3A_1693, %dma_wait3A_1694] : memref<100000x32xf32, #tpu.memory_space<hbm>> -> memref<100000x32xf32, #tpu.memory_space<hbm>>
    tpu.wait_indirect_dma semaphore(%arg14 : memref<!tpu.dma_semaphore, #tpu.memory_space<semaphore_mem>>) src(%dma_wait3A_1695 : memref<100000x32xf32, #tpu.memory_space<hbm>>) dst(%dma_wait3A_1689 : memref<128x32xf32, #tpu.memory_space<vmem>>)
    %dma_wait3A_1696 = arith.constant 3 : i32
    %dma_wait3A_1697 = arith.constant 384 : i32
    %dma_wait3A_1698 = arith.constant 0 : i32
    %dma_wait3A_1699 = tpu.memref_slice %arg10[%dma_wait3A_1697, %dma_wait3A_1698] : memref<512x32xf32, #tpu.memory_space<vmem>> -> memref<128x32xf32, #tpu.memory_space<vmem>>
    %dma_wait3A_1700 = arith.constant 0 : i32
    %dma_wait3A_1701 = tpu.memref_slice %arg8[%dma_wait3A_1696, %dma_wait3A_1700] : memref<4x128xi32, #tpu.memory_space<vmem>> -> memref<1x128xi32, #tpu.memory_space<vmem>>
    %dma_wait3A_1702 = tpu.memref_squeeze %dma_wait3A_1701 : memref<1x128xi32, #tpu.memory_space<vmem>> -> memref<128xi32, #tpu.memory_space<vmem>>
    %dma_wait3A_1703 = arith.constant 0 : i32
    %dma_wait3A_1704 = arith.constant 0 : i32
    %dma_wait3A_1705 = tpu.memref_slice %arg3[%dma_wait3A_1703, %dma_wait3A_1704] : memref<100000x32xf32, #tpu.memory_space<hbm>> -> memref<100000x32xf32, #tpu.memory_space<hbm>>
    tpu.wait_indirect_dma semaphore(%arg14 : memref<!tpu.dma_semaphore, #tpu.memory_space<semaphore_mem>>) src(%dma_wait3A_1705 : memref<100000x32xf32, #tpu.memory_space<hbm>>) dst(%dma_wait3A_1699 : memref<128x32xf32, #tpu.memory_space<vmem>>)
    %dma_wait3A_1706 = arith.constant 0 : i32
    %dma_wait3A_1707 = arith.constant 0 : i32
    %dma_wait3A_1708 = arith.constant 0 : i32
    %dma_wait3A_1709 = tpu.memref_slice %arg11[%dma_wait3A_1707, %dma_wait3A_1708] : memref<512x32xf32, #tpu.memory_space<vmem>> -> memref<128x32xf32, #tpu.memory_space<vmem>>
    %dma_wait3A_1710 = arith.constant 0 : i32
    %dma_wait3A_1711 = tpu.memref_slice %arg8[%dma_wait3A_1706, %dma_wait3A_1710] : memref<4x128xi32, #tpu.memory_space<vmem>> -> memref<1x128xi32, #tpu.memory_space<vmem>>
    %dma_wait3A_1712 = tpu.memref_squeeze %dma_wait3A_1711 : memref<1x128xi32, #tpu.memory_space<vmem>> -> memref<128xi32, #tpu.memory_space<vmem>>
    %dma_wait3A_1713 = arith.constant 0 : i32
    %dma_wait3A_1714 = arith.constant 0 : i32
    %dma_wait3A_1715 = tpu.memref_slice %arg4[%dma_wait3A_1713, %dma_wait3A_1714] : memref<100000x32xf32, #tpu.memory_space<hbm>> -> memref<100000x32xf32, #tpu.memory_space<hbm>>
    tpu.wait_indirect_dma semaphore(%arg14 : memref<!tpu.dma_semaphore, #tpu.memory_space<semaphore_mem>>) src(%dma_wait3A_1715 : memref<100000x32xf32, #tpu.memory_space<hbm>>) dst(%dma_wait3A_1709 : memref<128x32xf32, #tpu.memory_space<vmem>>)
    %dma_wait3A_1716 = arith.constant 1 : i32
    %dma_wait3A_1717 = arith.constant 128 : i32
    %dma_wait3A_1718 = arith.constant 0 : i32
    %dma_wait3A_1719 = tpu.memref_slice %arg11[%dma_wait3A_1717, %dma_wait3A_1718] : memref<512x32xf32, #tpu.memory_space<vmem>> -> memref<128x32xf32, #tpu.memory_space<vmem>>
    %dma_wait3A_1720 = arith.constant 0 : i32
    %dma_wait3A_1721 = tpu.memref_slice %arg8[%dma_wait3A_1716, %dma_wait3A_1720] : memref<4x128xi32, #tpu.memory_space<vmem>> -> memref<1x128xi32, #tpu.memory_space<vmem>>
    %dma_wait3A_1722 = tpu.memref_squeeze %dma_wait3A_1721 : memref<1x128xi32, #tpu.memory_space<vmem>> -> memref<128xi32, #tpu.memory_space<vmem>>
    %dma_wait3A_1723 = arith.constant 0 : i32
    %dma_wait3A_1724 = arith.constant 0 : i32
    %dma_wait3A_1725 = tpu.memref_slice %arg4[%dma_wait3A_1723, %dma_wait3A_1724] : memref<100000x32xf32, #tpu.memory_space<hbm>> -> memref<100000x32xf32, #tpu.memory_space<hbm>>
    tpu.wait_indirect_dma semaphore(%arg14 : memref<!tpu.dma_semaphore, #tpu.memory_space<semaphore_mem>>) src(%dma_wait3A_1725 : memref<100000x32xf32, #tpu.memory_space<hbm>>) dst(%dma_wait3A_1719 : memref<128x32xf32, #tpu.memory_space<vmem>>)
    %dma_wait3A_1726 = arith.constant 2 : i32
    %dma_wait3A_1727 = arith.constant 256 : i32
    %dma_wait3A_1728 = arith.constant 0 : i32
    %dma_wait3A_1729 = tpu.memref_slice %arg11[%dma_wait3A_1727, %dma_wait3A_1728] : memref<512x32xf32, #tpu.memory_space<vmem>> -> memref<128x32xf32, #tpu.memory_space<vmem>>
    %dma_wait3A_1730 = arith.constant 0 : i32
    %dma_wait3A_1731 = tpu.memref_slice %arg8[%dma_wait3A_1726, %dma_wait3A_1730] : memref<4x128xi32, #tpu.memory_space<vmem>> -> memref<1x128xi32, #tpu.memory_space<vmem>>
    %dma_wait3A_1732 = tpu.memref_squeeze %dma_wait3A_1731 : memref<1x128xi32, #tpu.memory_space<vmem>> -> memref<128xi32, #tpu.memory_space<vmem>>
    %dma_wait3A_1733 = arith.constant 0 : i32
    %dma_wait3A_1734 = arith.constant 0 : i32
    %dma_wait3A_1735 = tpu.memref_slice %arg4[%dma_wait3A_1733, %dma_wait3A_1734] : memref<100000x32xf32, #tpu.memory_space<hbm>> -> memref<100000x32xf32, #tpu.memory_space<hbm>>
    tpu.wait_indirect_dma semaphore(%arg14 : memref<!tpu.dma_semaphore, #tpu.memory_space<semaphore_mem>>) src(%dma_wait3A_1735 : memref<100000x32xf32, #tpu.memory_space<hbm>>) dst(%dma_wait3A_1729 : memref<128x32xf32, #tpu.memory_space<vmem>>)
    %dma_wait3A_1736 = arith.constant 3 : i32
    %dma_wait3A_1737 = arith.constant 384 : i32
    %dma_wait3A_1738 = arith.constant 0 : i32
    %dma_wait3A_1739 = tpu.memref_slice %arg11[%dma_wait3A_1737, %dma_wait3A_1738] : memref<512x32xf32, #tpu.memory_space<vmem>> -> memref<128x32xf32, #tpu.memory_space<vmem>>
    %dma_wait3A_1740 = arith.constant 0 : i32
    %dma_wait3A_1741 = tpu.memref_slice %arg8[%dma_wait3A_1736, %dma_wait3A_1740] : memref<4x128xi32, #tpu.memory_space<vmem>> -> memref<1x128xi32, #tpu.memory_space<vmem>>
    %dma_wait3A_1742 = tpu.memref_squeeze %dma_wait3A_1741 : memref<1x128xi32, #tpu.memory_space<vmem>> -> memref<128xi32, #tpu.memory_space<vmem>>
    %dma_wait3A_1743 = arith.constant 0 : i32
    %dma_wait3A_1744 = arith.constant 0 : i32
    %dma_wait3A_1745 = tpu.memref_slice %arg4[%dma_wait3A_1743, %dma_wait3A_1744] : memref<100000x32xf32, #tpu.memory_space<hbm>> -> memref<100000x32xf32, #tpu.memory_space<hbm>>
    tpu.wait_indirect_dma semaphore(%arg14 : memref<!tpu.dma_semaphore, #tpu.memory_space<semaphore_mem>>) src(%dma_wait3A_1745 : memref<100000x32xf32, #tpu.memory_space<hbm>>) dst(%dma_wait3A_1739 : memref<128x32xf32, #tpu.memory_space<vmem>>)
    %dma_wait3A_1746 = arith.constant 0 : i32
    %dma_wait3A_1747 = arith.constant 0 : i32
    %dma_wait3A_1748 = arith.constant 0 : i32
    %dma_wait3A_1749 = tpu.memref_slice %arg12[%dma_wait3A_1747, %dma_wait3A_1748] : memref<512x32xf32, #tpu.memory_space<vmem>> -> memref<128x32xf32, #tpu.memory_space<vmem>>
    %dma_wait3A_1750 = arith.constant 0 : i32
    %dma_wait3A_1751 = tpu.memref_slice %arg8[%dma_wait3A_1746, %dma_wait3A_1750] : memref<4x128xi32, #tpu.memory_space<vmem>> -> memref<1x128xi32, #tpu.memory_space<vmem>>
    %dma_wait3A_1752 = tpu.memref_squeeze %dma_wait3A_1751 : memref<1x128xi32, #tpu.memory_space<vmem>> -> memref<128xi32, #tpu.memory_space<vmem>>
    %dma_wait3A_1753 = arith.constant 0 : i32
    %dma_wait3A_1754 = arith.constant 0 : i32
    %dma_wait3A_1755 = tpu.memref_slice %arg5[%dma_wait3A_1753, %dma_wait3A_1754] : memref<100000x32xf32, #tpu.memory_space<hbm>> -> memref<100000x32xf32, #tpu.memory_space<hbm>>
    tpu.wait_indirect_dma semaphore(%arg14 : memref<!tpu.dma_semaphore, #tpu.memory_space<semaphore_mem>>) src(%dma_wait3A_1755 : memref<100000x32xf32, #tpu.memory_space<hbm>>) dst(%dma_wait3A_1749 : memref<128x32xf32, #tpu.memory_space<vmem>>)
    %dma_wait3A_1756 = arith.constant 1 : i32
    %dma_wait3A_1757 = arith.constant 128 : i32
    %dma_wait3A_1758 = arith.constant 0 : i32
    %dma_wait3A_1759 = tpu.memref_slice %arg12[%dma_wait3A_1757, %dma_wait3A_1758] : memref<512x32xf32, #tpu.memory_space<vmem>> -> memref<128x32xf32, #tpu.memory_space<vmem>>
    %dma_wait3A_1760 = arith.constant 0 : i32
    %dma_wait3A_1761 = tpu.memref_slice %arg8[%dma_wait3A_1756, %dma_wait3A_1760] : memref<4x128xi32, #tpu.memory_space<vmem>> -> memref<1x128xi32, #tpu.memory_space<vmem>>
    %dma_wait3A_1762 = tpu.memref_squeeze %dma_wait3A_1761 : memref<1x128xi32, #tpu.memory_space<vmem>> -> memref<128xi32, #tpu.memory_space<vmem>>
    %dma_wait3A_1763 = arith.constant 0 : i32
    %dma_wait3A_1764 = arith.constant 0 : i32
    %dma_wait3A_1765 = tpu.memref_slice %arg5[%dma_wait3A_1763, %dma_wait3A_1764] : memref<100000x32xf32, #tpu.memory_space<hbm>> -> memref<100000x32xf32, #tpu.memory_space<hbm>>
    tpu.wait_indirect_dma semaphore(%arg14 : memref<!tpu.dma_semaphore, #tpu.memory_space<semaphore_mem>>) src(%dma_wait3A_1765 : memref<100000x32xf32, #tpu.memory_space<hbm>>) dst(%dma_wait3A_1759 : memref<128x32xf32, #tpu.memory_space<vmem>>)
    %dma_wait3A_1766 = arith.constant 2 : i32
    %dma_wait3A_1767 = arith.constant 256 : i32
    %dma_wait3A_1768 = arith.constant 0 : i32
    %dma_wait3A_1769 = tpu.memref_slice %arg12[%dma_wait3A_1767, %dma_wait3A_1768] : memref<512x32xf32, #tpu.memory_space<vmem>> -> memref<128x32xf32, #tpu.memory_space<vmem>>
    %dma_wait3A_1770 = arith.constant 0 : i32
    %dma_wait3A_1771 = tpu.memref_slice %arg8[%dma_wait3A_1766, %dma_wait3A_1770] : memref<4x128xi32, #tpu.memory_space<vmem>> -> memref<1x128xi32, #tpu.memory_space<vmem>>
    %dma_wait3A_1772 = tpu.memref_squeeze %dma_wait3A_1771 : memref<1x128xi32, #tpu.memory_space<vmem>> -> memref<128xi32, #tpu.memory_space<vmem>>
    %dma_wait3A_1773 = arith.constant 0 : i32
    %dma_wait3A_1774 = arith.constant 0 : i32
    %dma_wait3A_1775 = tpu.memref_slice %arg5[%dma_wait3A_1773, %dma_wait3A_1774] : memref<100000x32xf32, #tpu.memory_space<hbm>> -> memref<100000x32xf32, #tpu.memory_space<hbm>>
    tpu.wait_indirect_dma semaphore(%arg14 : memref<!tpu.dma_semaphore, #tpu.memory_space<semaphore_mem>>) src(%dma_wait3A_1775 : memref<100000x32xf32, #tpu.memory_space<hbm>>) dst(%dma_wait3A_1769 : memref<128x32xf32, #tpu.memory_space<vmem>>)
    %dma_wait3A_1776 = arith.constant 3 : i32
    %dma_wait3A_1777 = arith.constant 384 : i32
    %dma_wait3A_1778 = arith.constant 0 : i32
    %dma_wait3A_1779 = tpu.memref_slice %arg12[%dma_wait3A_1777, %dma_wait3A_1778] : memref<512x32xf32, #tpu.memory_space<vmem>> -> memref<128x32xf32, #tpu.memory_space<vmem>>
    %dma_wait3A_1780 = arith.constant 0 : i32
    %dma_wait3A_1781 = tpu.memref_slice %arg8[%dma_wait3A_1776, %dma_wait3A_1780] : memref<4x128xi32, #tpu.memory_space<vmem>> -> memref<1x128xi32, #tpu.memory_space<vmem>>
    %dma_wait3A_1782 = tpu.memref_squeeze %dma_wait3A_1781 : memref<1x128xi32, #tpu.memory_space<vmem>> -> memref<128xi32, #tpu.memory_space<vmem>>
    %dma_wait3A_1783 = arith.constant 0 : i32
    %dma_wait3A_1784 = arith.constant 0 : i32
    %dma_wait3A_1785 = tpu.memref_slice %arg5[%dma_wait3A_1783, %dma_wait3A_1784] : memref<100000x32xf32, #tpu.memory_space<hbm>> -> memref<100000x32xf32, #tpu.memory_space<hbm>>
    tpu.wait_indirect_dma semaphore(%arg14 : memref<!tpu.dma_semaphore, #tpu.memory_space<semaphore_mem>>) src(%dma_wait3A_1785 : memref<100000x32xf32, #tpu.memory_space<hbm>>) dst(%dma_wait3A_1779 : memref<128x32xf32, #tpu.memory_space<vmem>>)
    %dma_wait3A_1786 = arith.constant 0 : i32
    %dma_wait3A_1787 = arith.constant 0 : i32
    %dma_wait3A_1788 = arith.constant 0 : i32
    %dma_wait3A_1789 = tpu.memref_slice %arg13[%dma_wait3A_1787, %dma_wait3A_1788] : memref<512x32xf32, #tpu.memory_space<vmem>> -> memref<128x32xf32, #tpu.memory_space<vmem>>
    %dma_wait3A_1790 = arith.constant 0 : i32
    %dma_wait3A_1791 = tpu.memref_slice %arg8[%dma_wait3A_1786, %dma_wait3A_1790] : memref<4x128xi32, #tpu.memory_space<vmem>> -> memref<1x128xi32, #tpu.memory_space<vmem>>
    %dma_wait3A_1792 = tpu.memref_squeeze %dma_wait3A_1791 : memref<1x128xi32, #tpu.memory_space<vmem>> -> memref<128xi32, #tpu.memory_space<vmem>>
    %dma_wait3A_1793 = arith.constant 0 : i32
    %dma_wait3A_1794 = arith.constant 0 : i32
    %dma_wait3A_1795 = tpu.memref_slice %arg6[%dma_wait3A_1793, %dma_wait3A_1794] : memref<100000x32xf32, #tpu.memory_space<hbm>> -> memref<100000x32xf32, #tpu.memory_space<hbm>>
    tpu.wait_indirect_dma semaphore(%arg14 : memref<!tpu.dma_semaphore, #tpu.memory_space<semaphore_mem>>) src(%dma_wait3A_1795 : memref<100000x32xf32, #tpu.memory_space<hbm>>) dst(%dma_wait3A_1789 : memref<128x32xf32, #tpu.memory_space<vmem>>)
    %dma_wait3A_1796 = arith.constant 1 : i32
    %dma_wait3A_1797 = arith.constant 128 : i32
    %dma_wait3A_1798 = arith.constant 0 : i32
    %dma_wait3A_1799 = tpu.memref_slice %arg13[%dma_wait3A_1797, %dma_wait3A_1798] : memref<512x32xf32, #tpu.memory_space<vmem>> -> memref<128x32xf32, #tpu.memory_space<vmem>>
    %dma_wait3A_1800 = arith.constant 0 : i32
    %dma_wait3A_1801 = tpu.memref_slice %arg8[%dma_wait3A_1796, %dma_wait3A_1800] : memref<4x128xi32, #tpu.memory_space<vmem>> -> memref<1x128xi32, #tpu.memory_space<vmem>>
    %dma_wait3A_1802 = tpu.memref_squeeze %dma_wait3A_1801 : memref<1x128xi32, #tpu.memory_space<vmem>> -> memref<128xi32, #tpu.memory_space<vmem>>
    %dma_wait3A_1803 = arith.constant 0 : i32
    %dma_wait3A_1804 = arith.constant 0 : i32
    %dma_wait3A_1805 = tpu.memref_slice %arg6[%dma_wait3A_1803, %dma_wait3A_1804] : memref<100000x32xf32, #tpu.memory_space<hbm>> -> memref<100000x32xf32, #tpu.memory_space<hbm>>
    tpu.wait_indirect_dma semaphore(%arg14 : memref<!tpu.dma_semaphore, #tpu.memory_space<semaphore_mem>>) src(%dma_wait3A_1805 : memref<100000x32xf32, #tpu.memory_space<hbm>>) dst(%dma_wait3A_1799 : memref<128x32xf32, #tpu.memory_space<vmem>>)
    %dma_wait3A_1806 = arith.constant 2 : i32
    %dma_wait3A_1807 = arith.constant 256 : i32
    %dma_wait3A_1808 = arith.constant 0 : i32
    %dma_wait3A_1809 = tpu.memref_slice %arg13[%dma_wait3A_1807, %dma_wait3A_1808] : memref<512x32xf32, #tpu.memory_space<vmem>> -> memref<128x32xf32, #tpu.memory_space<vmem>>
    %dma_wait3A_1810 = arith.constant 0 : i32
    %dma_wait3A_1811 = tpu.memref_slice %arg8[%dma_wait3A_1806, %dma_wait3A_1810] : memref<4x128xi32, #tpu.memory_space<vmem>> -> memref<1x128xi32, #tpu.memory_space<vmem>>
    %dma_wait3A_1812 = tpu.memref_squeeze %dma_wait3A_1811 : memref<1x128xi32, #tpu.memory_space<vmem>> -> memref<128xi32, #tpu.memory_space<vmem>>
    %dma_wait3A_1813 = arith.constant 0 : i32
    %dma_wait3A_1814 = arith.constant 0 : i32
    %dma_wait3A_1815 = tpu.memref_slice %arg6[%dma_wait3A_1813, %dma_wait3A_1814] : memref<100000x32xf32, #tpu.memory_space<hbm>> -> memref<100000x32xf32, #tpu.memory_space<hbm>>
    tpu.wait_indirect_dma semaphore(%arg14 : memref<!tpu.dma_semaphore, #tpu.memory_space<semaphore_mem>>) src(%dma_wait3A_1815 : memref<100000x32xf32, #tpu.memory_space<hbm>>) dst(%dma_wait3A_1809 : memref<128x32xf32, #tpu.memory_space<vmem>>)
    %dma_wait3A_1816 = arith.constant 3 : i32
    %dma_wait3A_1817 = arith.constant 384 : i32
    %dma_wait3A_1818 = arith.constant 0 : i32
    %dma_wait3A_1819 = tpu.memref_slice %arg13[%dma_wait3A_1817, %dma_wait3A_1818] : memref<512x32xf32, #tpu.memory_space<vmem>> -> memref<128x32xf32, #tpu.memory_space<vmem>>
    %dma_wait3A_1820 = arith.constant 0 : i32
    %dma_wait3A_1821 = tpu.memref_slice %arg8[%dma_wait3A_1816, %dma_wait3A_1820] : memref<4x128xi32, #tpu.memory_space<vmem>> -> memref<1x128xi32, #tpu.memory_space<vmem>>
    %dma_wait3A_1822 = tpu.memref_squeeze %dma_wait3A_1821 : memref<1x128xi32, #tpu.memory_space<vmem>> -> memref<128xi32, #tpu.memory_space<vmem>>
    %dma_wait3A_1823 = arith.constant 0 : i32
    %dma_wait3A_1824 = arith.constant 0 : i32
    %dma_wait3A_1825 = tpu.memref_slice %arg6[%dma_wait3A_1823, %dma_wait3A_1824] : memref<100000x32xf32, #tpu.memory_space<hbm>> -> memref<100000x32xf32, #tpu.memory_space<hbm>>
    tpu.wait_indirect_dma semaphore(%arg14 : memref<!tpu.dma_semaphore, #tpu.memory_space<semaphore_mem>>) src(%dma_wait3A_1825 : memref<100000x32xf32, #tpu.memory_space<hbm>>) dst(%dma_wait3A_1819 : memref<128x32xf32, #tpu.memory_space<vmem>>)
    %dma_start3A_1826 = arith.constant 0 : i32
    %dma_start3A_1827 = arith.constant 0 : i32
    %dma_start3A_1828 = arith.constant 0 : i32
    %dma_start3A_1829 = tpu.memref_slice %arg10[%dma_start3A_1827, %dma_start3A_1828] : memref<512x32xf32, #tpu.memory_space<vmem>> -> memref<128x32xf32, #tpu.memory_space<vmem>>
    %dma_start3A_1830 = arith.constant 0 : i32
    %dma_start3A_1831 = tpu.memref_slice %arg9[%dma_start3A_1826, %dma_start3A_1830] : memref<16x128xi32, #tpu.memory_space<vmem>> -> memref<1x128xi32, #tpu.memory_space<vmem>>
    %dma_start3A_1832 = tpu.memref_squeeze %dma_start3A_1831 : memref<1x128xi32, #tpu.memory_space<vmem>> -> memref<128xi32, #tpu.memory_space<vmem>>
    %dma_start3A_1833 = arith.constant 0 : i32
    %dma_start3A_1834 = arith.constant 0 : i32
    %dma_start3A_1835 = tpu.memref_slice %arg7[%dma_start3A_1833, %dma_start3A_1834] : memref<65536x32xf32, #tpu.memory_space<hbm>> -> memref<65536x32xf32, #tpu.memory_space<hbm>>
    tpu.enqueue_indirect_dma source(%dma_start3A_1829 : memref<128x32xf32, #tpu.memory_space<vmem>>) target(%dma_start3A_1835 : memref<65536x32xf32, #tpu.memory_space<hbm>>) offsets(%dma_start3A_1832 : memref<128xi32, #tpu.memory_space<vmem>>) semaphore(%arg14 : memref<!tpu.dma_semaphore, #tpu.memory_space<semaphore_mem>>)
    %dma_start3A_1836 = arith.constant 1 : i32
    %dma_start3A_1837 = arith.constant 128 : i32
    %dma_start3A_1838 = arith.constant 0 : i32
    %dma_start3A_1839 = tpu.memref_slice %arg10[%dma_start3A_1837, %dma_start3A_1838] : memref<512x32xf32, #tpu.memory_space<vmem>> -> memref<128x32xf32, #tpu.memory_space<vmem>>
    %dma_start3A_1840 = arith.constant 0 : i32
    %dma_start3A_1841 = tpu.memref_slice %arg9[%dma_start3A_1836, %dma_start3A_1840] : memref<16x128xi32, #tpu.memory_space<vmem>> -> memref<1x128xi32, #tpu.memory_space<vmem>>
    %dma_start3A_1842 = tpu.memref_squeeze %dma_start3A_1841 : memref<1x128xi32, #tpu.memory_space<vmem>> -> memref<128xi32, #tpu.memory_space<vmem>>
    %dma_start3A_1843 = arith.constant 0 : i32
    %dma_start3A_1844 = arith.constant 0 : i32
    %dma_start3A_1845 = tpu.memref_slice %arg7[%dma_start3A_1843, %dma_start3A_1844] : memref<65536x32xf32, #tpu.memory_space<hbm>> -> memref<65536x32xf32, #tpu.memory_space<hbm>>
    tpu.enqueue_indirect_dma source(%dma_start3A_1839 : memref<128x32xf32, #tpu.memory_space<vmem>>) target(%dma_start3A_1845 : memref<65536x32xf32, #tpu.memory_space<hbm>>) offsets(%dma_start3A_1842 : memref<128xi32, #tpu.memory_space<vmem>>) semaphore(%arg14 : memref<!tpu.dma_semaphore, #tpu.memory_space<semaphore_mem>>)
    %dma_start3A_1846 = arith.constant 2 : i32
    %dma_start3A_1847 = arith.constant 256 : i32
    %dma_start3A_1848 = arith.constant 0 : i32
    %dma_start3A_1849 = tpu.memref_slice %arg10[%dma_start3A_1847, %dma_start3A_1848] : memref<512x32xf32, #tpu.memory_space<vmem>> -> memref<128x32xf32, #tpu.memory_space<vmem>>
    %dma_start3A_1850 = arith.constant 0 : i32
    %dma_start3A_1851 = tpu.memref_slice %arg9[%dma_start3A_1846, %dma_start3A_1850] : memref<16x128xi32, #tpu.memory_space<vmem>> -> memref<1x128xi32, #tpu.memory_space<vmem>>
    %dma_start3A_1852 = tpu.memref_squeeze %dma_start3A_1851 : memref<1x128xi32, #tpu.memory_space<vmem>> -> memref<128xi32, #tpu.memory_space<vmem>>
    %dma_start3A_1853 = arith.constant 0 : i32
    %dma_start3A_1854 = arith.constant 0 : i32
    %dma_start3A_1855 = tpu.memref_slice %arg7[%dma_start3A_1853, %dma_start3A_1854] : memref<65536x32xf32, #tpu.memory_space<hbm>> -> memref<65536x32xf32, #tpu.memory_space<hbm>>
    tpu.enqueue_indirect_dma source(%dma_start3A_1849 : memref<128x32xf32, #tpu.memory_space<vmem>>) target(%dma_start3A_1855 : memref<65536x32xf32, #tpu.memory_space<hbm>>) offsets(%dma_start3A_1852 : memref<128xi32, #tpu.memory_space<vmem>>) semaphore(%arg14 : memref<!tpu.dma_semaphore, #tpu.memory_space<semaphore_mem>>)
    %dma_start3A_1856 = arith.constant 3 : i32
    %dma_start3A_1857 = arith.constant 384 : i32
    %dma_start3A_1858 = arith.constant 0 : i32
    %dma_start3A_1859 = tpu.memref_slice %arg10[%dma_start3A_1857, %dma_start3A_1858] : memref<512x32xf32, #tpu.memory_space<vmem>> -> memref<128x32xf32, #tpu.memory_space<vmem>>
    %dma_start3A_1860 = arith.constant 0 : i32
    %dma_start3A_1861 = tpu.memref_slice %arg9[%dma_start3A_1856, %dma_start3A_1860] : memref<16x128xi32, #tpu.memory_space<vmem>> -> memref<1x128xi32, #tpu.memory_space<vmem>>
    %dma_start3A_1862 = tpu.memref_squeeze %dma_start3A_1861 : memref<1x128xi32, #tpu.memory_space<vmem>> -> memref<128xi32, #tpu.memory_space<vmem>>
    %dma_start3A_1863 = arith.constant 0 : i32
    %dma_start3A_1864 = arith.constant 0 : i32
    %dma_start3A_1865 = tpu.memref_slice %arg7[%dma_start3A_1863, %dma_start3A_1864] : memref<65536x32xf32, #tpu.memory_space<hbm>> -> memref<65536x32xf32, #tpu.memory_space<hbm>>
    tpu.enqueue_indirect_dma source(%dma_start3A_1859 : memref<128x32xf32, #tpu.memory_space<vmem>>) target(%dma_start3A_1865 : memref<65536x32xf32, #tpu.memory_space<hbm>>) offsets(%dma_start3A_1862 : memref<128xi32, #tpu.memory_space<vmem>>) semaphore(%arg14 : memref<!tpu.dma_semaphore, #tpu.memory_space<semaphore_mem>>)
    %dma_start3A_1866 = arith.constant 4 : i32
    %dma_start3A_1867 = arith.constant 0 : i32
    %dma_start3A_1868 = arith.constant 0 : i32
    %dma_start3A_1869 = tpu.memref_slice %arg11[%dma_start3A_1867, %dma_start3A_1868] : memref<512x32xf32, #tpu.memory_space<vmem>> -> memref<128x32xf32, #tpu.memory_space<vmem>>
    %dma_start3A_1870 = arith.constant 0 : i32
    %dma_start3A_1871 = tpu.memref_slice %arg9[%dma_start3A_1866, %dma_start3A_1870] : memref<16x128xi32, #tpu.memory_space<vmem>> -> memref<1x128xi32, #tpu.memory_space<vmem>>
    %dma_start3A_1872 = tpu.memref_squeeze %dma_start3A_1871 : memref<1x128xi32, #tpu.memory_space<vmem>> -> memref<128xi32, #tpu.memory_space<vmem>>
    %dma_start3A_1873 = arith.constant 0 : i32
    %dma_start3A_1874 = arith.constant 0 : i32
    %dma_start3A_1875 = tpu.memref_slice %arg7[%dma_start3A_1873, %dma_start3A_1874] : memref<65536x32xf32, #tpu.memory_space<hbm>> -> memref<65536x32xf32, #tpu.memory_space<hbm>>
    tpu.enqueue_indirect_dma source(%dma_start3A_1869 : memref<128x32xf32, #tpu.memory_space<vmem>>) target(%dma_start3A_1875 : memref<65536x32xf32, #tpu.memory_space<hbm>>) offsets(%dma_start3A_1872 : memref<128xi32, #tpu.memory_space<vmem>>) semaphore(%arg14 : memref<!tpu.dma_semaphore, #tpu.memory_space<semaphore_mem>>)
    %dma_start3A_1876 = arith.constant 5 : i32
    %dma_start3A_1877 = arith.constant 128 : i32
    %dma_start3A_1878 = arith.constant 0 : i32
    %dma_start3A_1879 = tpu.memref_slice %arg11[%dma_start3A_1877, %dma_start3A_1878] : memref<512x32xf32, #tpu.memory_space<vmem>> -> memref<128x32xf32, #tpu.memory_space<vmem>>
    %dma_start3A_1880 = arith.constant 0 : i32
    %dma_start3A_1881 = tpu.memref_slice %arg9[%dma_start3A_1876, %dma_start3A_1880] : memref<16x128xi32, #tpu.memory_space<vmem>> -> memref<1x128xi32, #tpu.memory_space<vmem>>
    %dma_start3A_1882 = tpu.memref_squeeze %dma_start3A_1881 : memref<1x128xi32, #tpu.memory_space<vmem>> -> memref<128xi32, #tpu.memory_space<vmem>>
    %dma_start3A_1883 = arith.constant 0 : i32
    %dma_start3A_1884 = arith.constant 0 : i32
    %dma_start3A_1885 = tpu.memref_slice %arg7[%dma_start3A_1883, %dma_start3A_1884] : memref<65536x32xf32, #tpu.memory_space<hbm>> -> memref<65536x32xf32, #tpu.memory_space<hbm>>
    tpu.enqueue_indirect_dma source(%dma_start3A_1879 : memref<128x32xf32, #tpu.memory_space<vmem>>) target(%dma_start3A_1885 : memref<65536x32xf32, #tpu.memory_space<hbm>>) offsets(%dma_start3A_1882 : memref<128xi32, #tpu.memory_space<vmem>>) semaphore(%arg14 : memref<!tpu.dma_semaphore, #tpu.memory_space<semaphore_mem>>)
    %dma_start3A_1886 = arith.constant 6 : i32
    %dma_start3A_1887 = arith.constant 256 : i32
    %dma_start3A_1888 = arith.constant 0 : i32
    %dma_start3A_1889 = tpu.memref_slice %arg11[%dma_start3A_1887, %dma_start3A_1888] : memref<512x32xf32, #tpu.memory_space<vmem>> -> memref<128x32xf32, #tpu.memory_space<vmem>>
    %dma_start3A_1890 = arith.constant 0 : i32
    %dma_start3A_1891 = tpu.memref_slice %arg9[%dma_start3A_1886, %dma_start3A_1890] : memref<16x128xi32, #tpu.memory_space<vmem>> -> memref<1x128xi32, #tpu.memory_space<vmem>>
    %dma_start3A_1892 = tpu.memref_squeeze %dma_start3A_1891 : memref<1x128xi32, #tpu.memory_space<vmem>> -> memref<128xi32, #tpu.memory_space<vmem>>
    %dma_start3A_1893 = arith.constant 0 : i32
    %dma_start3A_1894 = arith.constant 0 : i32
    %dma_start3A_1895 = tpu.memref_slice %arg7[%dma_start3A_1893, %dma_start3A_1894] : memref<65536x32xf32, #tpu.memory_space<hbm>> -> memref<65536x32xf32, #tpu.memory_space<hbm>>
    tpu.enqueue_indirect_dma source(%dma_start3A_1889 : memref<128x32xf32, #tpu.memory_space<vmem>>) target(%dma_start3A_1895 : memref<65536x32xf32, #tpu.memory_space<hbm>>) offsets(%dma_start3A_1892 : memref<128xi32, #tpu.memory_space<vmem>>) semaphore(%arg14 : memref<!tpu.dma_semaphore, #tpu.memory_space<semaphore_mem>>)
    %dma_start3A_1896 = arith.constant 7 : i32
    %dma_start3A_1897 = arith.constant 384 : i32
    %dma_start3A_1898 = arith.constant 0 : i32
    %dma_start3A_1899 = tpu.memref_slice %arg11[%dma_start3A_1897, %dma_start3A_1898] : memref<512x32xf32, #tpu.memory_space<vmem>> -> memref<128x32xf32, #tpu.memory_space<vmem>>
    %dma_start3A_1900 = arith.constant 0 : i32
    %dma_start3A_1901 = tpu.memref_slice %arg9[%dma_start3A_1896, %dma_start3A_1900] : memref<16x128xi32, #tpu.memory_space<vmem>> -> memref<1x128xi32, #tpu.memory_space<vmem>>
    %dma_start3A_1902 = tpu.memref_squeeze %dma_start3A_1901 : memref<1x128xi32, #tpu.memory_space<vmem>> -> memref<128xi32, #tpu.memory_space<vmem>>
    %dma_start3A_1903 = arith.constant 0 : i32
    %dma_start3A_1904 = arith.constant 0 : i32
    %dma_start3A_1905 = tpu.memref_slice %arg7[%dma_start3A_1903, %dma_start3A_1904] : memref<65536x32xf32, #tpu.memory_space<hbm>> -> memref<65536x32xf32, #tpu.memory_space<hbm>>
    tpu.enqueue_indirect_dma source(%dma_start3A_1899 : memref<128x32xf32, #tpu.memory_space<vmem>>) target(%dma_start3A_1905 : memref<65536x32xf32, #tpu.memory_space<hbm>>) offsets(%dma_start3A_1902 : memref<128xi32, #tpu.memory_space<vmem>>) semaphore(%arg14 : memref<!tpu.dma_semaphore, #tpu.memory_space<semaphore_mem>>)
    %dma_start3A_1906 = arith.constant 8 : i32
    %dma_start3A_1907 = arith.constant 0 : i32
    %dma_start3A_1908 = arith.constant 0 : i32
    %dma_start3A_1909 = tpu.memref_slice %arg12[%dma_start3A_1907, %dma_start3A_1908] : memref<512x32xf32, #tpu.memory_space<vmem>> -> memref<128x32xf32, #tpu.memory_space<vmem>>
    %dma_start3A_1910 = arith.constant 0 : i32
    %dma_start3A_1911 = tpu.memref_slice %arg9[%dma_start3A_1906, %dma_start3A_1910] : memref<16x128xi32, #tpu.memory_space<vmem>> -> memref<1x128xi32, #tpu.memory_space<vmem>>
    %dma_start3A_1912 = tpu.memref_squeeze %dma_start3A_1911 : memref<1x128xi32, #tpu.memory_space<vmem>> -> memref<128xi32, #tpu.memory_space<vmem>>
    %dma_start3A_1913 = arith.constant 0 : i32
    %dma_start3A_1914 = arith.constant 0 : i32
    %dma_start3A_1915 = tpu.memref_slice %arg7[%dma_start3A_1913, %dma_start3A_1914] : memref<65536x32xf32, #tpu.memory_space<hbm>> -> memref<65536x32xf32, #tpu.memory_space<hbm>>
    tpu.enqueue_indirect_dma source(%dma_start3A_1909 : memref<128x32xf32, #tpu.memory_space<vmem>>) target(%dma_start3A_1915 : memref<65536x32xf32, #tpu.memory_space<hbm>>) offsets(%dma_start3A_1912 : memref<128xi32, #tpu.memory_space<vmem>>) semaphore(%arg14 : memref<!tpu.dma_semaphore, #tpu.memory_space<semaphore_mem>>)
    %dma_start3A_1916 = arith.constant 9 : i32
    %dma_start3A_1917 = arith.constant 128 : i32
    %dma_start3A_1918 = arith.constant 0 : i32
    %dma_start3A_1919 = tpu.memref_slice %arg12[%dma_start3A_1917, %dma_start3A_1918] : memref<512x32xf32, #tpu.memory_space<vmem>> -> memref<128x32xf32, #tpu.memory_space<vmem>>
    %dma_start3A_1920 = arith.constant 0 : i32
    %dma_start3A_1921 = tpu.memref_slice %arg9[%dma_start3A_1916, %dma_start3A_1920] : memref<16x128xi32, #tpu.memory_space<vmem>> -> memref<1x128xi32, #tpu.memory_space<vmem>>
    %dma_start3A_1922 = tpu.memref_squeeze %dma_start3A_1921 : memref<1x128xi32, #tpu.memory_space<vmem>> -> memref<128xi32, #tpu.memory_space<vmem>>
    %dma_start3A_1923 = arith.constant 0 : i32
    %dma_start3A_1924 = arith.constant 0 : i32
    %dma_start3A_1925 = tpu.memref_slice %arg7[%dma_start3A_1923, %dma_start3A_1924] : memref<65536x32xf32, #tpu.memory_space<hbm>> -> memref<65536x32xf32, #tpu.memory_space<hbm>>
    tpu.enqueue_indirect_dma source(%dma_start3A_1919 : memref<128x32xf32, #tpu.memory_space<vmem>>) target(%dma_start3A_1925 : memref<65536x32xf32, #tpu.memory_space<hbm>>) offsets(%dma_start3A_1922 : memref<128xi32, #tpu.memory_space<vmem>>) semaphore(%arg14 : memref<!tpu.dma_semaphore, #tpu.memory_space<semaphore_mem>>)
    %dma_start3A_1926 = arith.constant 10 : i32
    %dma_start3A_1927 = arith.constant 256 : i32
    %dma_start3A_1928 = arith.constant 0 : i32
    %dma_start3A_1929 = tpu.memref_slice %arg12[%dma_start3A_1927, %dma_start3A_1928] : memref<512x32xf32, #tpu.memory_space<vmem>> -> memref<128x32xf32, #tpu.memory_space<vmem>>
    %dma_start3A_1930 = arith.constant 0 : i32
    %dma_start3A_1931 = tpu.memref_slice %arg9[%dma_start3A_1926, %dma_start3A_1930] : memref<16x128xi32, #tpu.memory_space<vmem>> -> memref<1x128xi32, #tpu.memory_space<vmem>>
    %dma_start3A_1932 = tpu.memref_squeeze %dma_start3A_1931 : memref<1x128xi32, #tpu.memory_space<vmem>> -> memref<128xi32, #tpu.memory_space<vmem>>
    %dma_start3A_1933 = arith.constant 0 : i32
    %dma_start3A_1934 = arith.constant 0 : i32
    %dma_start3A_1935 = tpu.memref_slice %arg7[%dma_start3A_1933, %dma_start3A_1934] : memref<65536x32xf32, #tpu.memory_space<hbm>> -> memref<65536x32xf32, #tpu.memory_space<hbm>>
    tpu.enqueue_indirect_dma source(%dma_start3A_1929 : memref<128x32xf32, #tpu.memory_space<vmem>>) target(%dma_start3A_1935 : memref<65536x32xf32, #tpu.memory_space<hbm>>) offsets(%dma_start3A_1932 : memref<128xi32, #tpu.memory_space<vmem>>) semaphore(%arg14 : memref<!tpu.dma_semaphore, #tpu.memory_space<semaphore_mem>>)
    %dma_start3A_1936 = arith.constant 11 : i32
    %dma_start3A_1937 = arith.constant 384 : i32
    %dma_start3A_1938 = arith.constant 0 : i32
    %dma_start3A_1939 = tpu.memref_slice %arg12[%dma_start3A_1937, %dma_start3A_1938] : memref<512x32xf32, #tpu.memory_space<vmem>> -> memref<128x32xf32, #tpu.memory_space<vmem>>
    %dma_start3A_1940 = arith.constant 0 : i32
    %dma_start3A_1941 = tpu.memref_slice %arg9[%dma_start3A_1936, %dma_start3A_1940] : memref<16x128xi32, #tpu.memory_space<vmem>> -> memref<1x128xi32, #tpu.memory_space<vmem>>
    %dma_start3A_1942 = tpu.memref_squeeze %dma_start3A_1941 : memref<1x128xi32, #tpu.memory_space<vmem>> -> memref<128xi32, #tpu.memory_space<vmem>>
    %dma_start3A_1943 = arith.constant 0 : i32
    %dma_start3A_1944 = arith.constant 0 : i32
    %dma_start3A_1945 = tpu.memref_slice %arg7[%dma_start3A_1943, %dma_start3A_1944] : memref<65536x32xf32, #tpu.memory_space<hbm>> -> memref<65536x32xf32, #tpu.memory_space<hbm>>
    tpu.enqueue_indirect_dma source(%dma_start3A_1939 : memref<128x32xf32, #tpu.memory_space<vmem>>) target(%dma_start3A_1945 : memref<65536x32xf32, #tpu.memory_space<hbm>>) offsets(%dma_start3A_1942 : memref<128xi32, #tpu.memory_space<vmem>>) semaphore(%arg14 : memref<!tpu.dma_semaphore, #tpu.memory_space<semaphore_mem>>)
    %dma_start3A_1946 = arith.constant 12 : i32
    %dma_start3A_1947 = arith.constant 0 : i32
    %dma_start3A_1948 = arith.constant 0 : i32
    %dma_start3A_1949 = tpu.memref_slice %arg13[%dma_start3A_1947, %dma_start3A_1948] : memref<512x32xf32, #tpu.memory_space<vmem>> -> memref<128x32xf32, #tpu.memory_space<vmem>>
    %dma_start3A_1950 = arith.constant 0 : i32
    %dma_start3A_1951 = tpu.memref_slice %arg9[%dma_start3A_1946, %dma_start3A_1950] : memref<16x128xi32, #tpu.memory_space<vmem>> -> memref<1x128xi32, #tpu.memory_space<vmem>>
    %dma_start3A_1952 = tpu.memref_squeeze %dma_start3A_1951 : memref<1x128xi32, #tpu.memory_space<vmem>> -> memref<128xi32, #tpu.memory_space<vmem>>
    %dma_start3A_1953 = arith.constant 0 : i32
    %dma_start3A_1954 = arith.constant 0 : i32
    %dma_start3A_1955 = tpu.memref_slice %arg7[%dma_start3A_1953, %dma_start3A_1954] : memref<65536x32xf32, #tpu.memory_space<hbm>> -> memref<65536x32xf32, #tpu.memory_space<hbm>>
    tpu.enqueue_indirect_dma source(%dma_start3A_1949 : memref<128x32xf32, #tpu.memory_space<vmem>>) target(%dma_start3A_1955 : memref<65536x32xf32, #tpu.memory_space<hbm>>) offsets(%dma_start3A_1952 : memref<128xi32, #tpu.memory_space<vmem>>) semaphore(%arg14 : memref<!tpu.dma_semaphore, #tpu.memory_space<semaphore_mem>>)
    %dma_start3A_1956 = arith.constant 13 : i32
    %dma_start3A_1957 = arith.constant 128 : i32
    %dma_start3A_1958 = arith.constant 0 : i32
    %dma_start3A_1959 = tpu.memref_slice %arg13[%dma_start3A_1957, %dma_start3A_1958] : memref<512x32xf32, #tpu.memory_space<vmem>> -> memref<128x32xf32, #tpu.memory_space<vmem>>
    %dma_start3A_1960 = arith.constant 0 : i32
    %dma_start3A_1961 = tpu.memref_slice %arg9[%dma_start3A_1956, %dma_start3A_1960] : memref<16x128xi32, #tpu.memory_space<vmem>> -> memref<1x128xi32, #tpu.memory_space<vmem>>
    %dma_start3A_1962 = tpu.memref_squeeze %dma_start3A_1961 : memref<1x128xi32, #tpu.memory_space<vmem>> -> memref<128xi32, #tpu.memory_space<vmem>>
    %dma_start3A_1963 = arith.constant 0 : i32
    %dma_start3A_1964 = arith.constant 0 : i32
    %dma_start3A_1965 = tpu.memref_slice %arg7[%dma_start3A_1963, %dma_start3A_1964] : memref<65536x32xf32, #tpu.memory_space<hbm>> -> memref<65536x32xf32, #tpu.memory_space<hbm>>
    tpu.enqueue_indirect_dma source(%dma_start3A_1959 : memref<128x32xf32, #tpu.memory_space<vmem>>) target(%dma_start3A_1965 : memref<65536x32xf32, #tpu.memory_space<hbm>>) offsets(%dma_start3A_1962 : memref<128xi32, #tpu.memory_space<vmem>>) semaphore(%arg14 : memref<!tpu.dma_semaphore, #tpu.memory_space<semaphore_mem>>)
    %dma_start3A_1966 = arith.constant 14 : i32
    %dma_start3A_1967 = arith.constant 256 : i32
    %dma_start3A_1968 = arith.constant 0 : i32
    %dma_start3A_1969 = tpu.memref_slice %arg13[%dma_start3A_1967, %dma_start3A_1968] : memref<512x32xf32, #tpu.memory_space<vmem>> -> memref<128x32xf32, #tpu.memory_space<vmem>>
    %dma_start3A_1970 = arith.constant 0 : i32
    %dma_start3A_1971 = tpu.memref_slice %arg9[%dma_start3A_1966, %dma_start3A_1970] : memref<16x128xi32, #tpu.memory_space<vmem>> -> memref<1x128xi32, #tpu.memory_space<vmem>>
    %dma_start3A_1972 = tpu.memref_squeeze %dma_start3A_1971 : memref<1x128xi32, #tpu.memory_space<vmem>> -> memref<128xi32, #tpu.memory_space<vmem>>
    %dma_start3A_1973 = arith.constant 0 : i32
    %dma_start3A_1974 = arith.constant 0 : i32
    %dma_start3A_1975 = tpu.memref_slice %arg7[%dma_start3A_1973, %dma_start3A_1974] : memref<65536x32xf32, #tpu.memory_space<hbm>> -> memref<65536x32xf32, #tpu.memory_space<hbm>>
    tpu.enqueue_indirect_dma source(%dma_start3A_1969 : memref<128x32xf32, #tpu.memory_space<vmem>>) target(%dma_start3A_1975 : memref<65536x32xf32, #tpu.memory_space<hbm>>) offsets(%dma_start3A_1972 : memref<128xi32, #tpu.memory_space<vmem>>) semaphore(%arg14 : memref<!tpu.dma_semaphore, #tpu.memory_space<semaphore_mem>>)
    %dma_start3A_1976 = arith.constant 15 : i32
    %dma_start3A_1977 = arith.constant 384 : i32
    %dma_start3A_1978 = arith.constant 0 : i32
    %dma_start3A_1979 = tpu.memref_slice %arg13[%dma_start3A_1977, %dma_start3A_1978] : memref<512x32xf32, #tpu.memory_space<vmem>> -> memref<128x32xf32, #tpu.memory_space<vmem>>
    %dma_start3A_1980 = arith.constant 0 : i32
    %dma_start3A_1981 = tpu.memref_slice %arg9[%dma_start3A_1976, %dma_start3A_1980] : memref<16x128xi32, #tpu.memory_space<vmem>> -> memref<1x128xi32, #tpu.memory_space<vmem>>
    %dma_start3A_1982 = tpu.memref_squeeze %dma_start3A_1981 : memref<1x128xi32, #tpu.memory_space<vmem>> -> memref<128xi32, #tpu.memory_space<vmem>>
    %dma_start3A_1983 = arith.constant 0 : i32
    %dma_start3A_1984 = arith.constant 0 : i32
    %dma_start3A_1985 = tpu.memref_slice %arg7[%dma_start3A_1983, %dma_start3A_1984] : memref<65536x32xf32, #tpu.memory_space<hbm>> -> memref<65536x32xf32, #tpu.memory_space<hbm>>
    tpu.enqueue_indirect_dma source(%dma_start3A_1979 : memref<128x32xf32, #tpu.memory_space<vmem>>) target(%dma_start3A_1985 : memref<65536x32xf32, #tpu.memory_space<hbm>>) offsets(%dma_start3A_1982 : memref<128xi32, #tpu.memory_space<vmem>>) semaphore(%arg14 : memref<!tpu.dma_semaphore, #tpu.memory_space<semaphore_mem>>)
    %dma_wait3A_1986 = arith.constant 0 : i32
    %dma_wait3A_1987 = arith.constant 0 : i32
    %dma_wait3A_1988 = arith.constant 0 : i32
    %dma_wait3A_1989 = tpu.memref_slice %arg10[%dma_wait3A_1987, %dma_wait3A_1988] : memref<512x32xf32, #tpu.memory_space<vmem>> -> memref<128x32xf32, #tpu.memory_space<vmem>>
    %dma_wait3A_1990 = arith.constant 0 : i32
    %dma_wait3A_1991 = tpu.memref_slice %arg9[%dma_wait3A_1986, %dma_wait3A_1990] : memref<16x128xi32, #tpu.memory_space<vmem>> -> memref<1x128xi32, #tpu.memory_space<vmem>>
    %dma_wait3A_1992 = tpu.memref_squeeze %dma_wait3A_1991 : memref<1x128xi32, #tpu.memory_space<vmem>> -> memref<128xi32, #tpu.memory_space<vmem>>
    %dma_wait3A_1993 = arith.constant 0 : i32
    %dma_wait3A_1994 = arith.constant 0 : i32
    %dma_wait3A_1995 = tpu.memref_slice %arg7[%dma_wait3A_1993, %dma_wait3A_1994] : memref<65536x32xf32, #tpu.memory_space<hbm>> -> memref<65536x32xf32, #tpu.memory_space<hbm>>
    tpu.wait_indirect_dma semaphore(%arg14 : memref<!tpu.dma_semaphore, #tpu.memory_space<semaphore_mem>>) src(%dma_wait3A_1989 : memref<128x32xf32, #tpu.memory_space<vmem>>) dst(%dma_wait3A_1995 : memref<65536x32xf32, #tpu.memory_space<hbm>>)
    %dma_wait3A_1996 = arith.constant 1 : i32
    %dma_wait3A_1997 = arith.constant 128 : i32
    %dma_wait3A_1998 = arith.constant 0 : i32
    %dma_wait3A_1999 = tpu.memref_slice %arg10[%dma_wait3A_1997, %dma_wait3A_1998] : memref<512x32xf32, #tpu.memory_space<vmem>> -> memref<128x32xf32, #tpu.memory_space<vmem>>
    %dma_wait3A_2000 = arith.constant 0 : i32
    %dma_wait3A_2001 = tpu.memref_slice %arg9[%dma_wait3A_1996, %dma_wait3A_2000] : memref<16x128xi32, #tpu.memory_space<vmem>> -> memref<1x128xi32, #tpu.memory_space<vmem>>
    %dma_wait3A_2002 = tpu.memref_squeeze %dma_wait3A_2001 : memref<1x128xi32, #tpu.memory_space<vmem>> -> memref<128xi32, #tpu.memory_space<vmem>>
    %dma_wait3A_2003 = arith.constant 0 : i32
    %dma_wait3A_2004 = arith.constant 0 : i32
    %dma_wait3A_2005 = tpu.memref_slice %arg7[%dma_wait3A_2003, %dma_wait3A_2004] : memref<65536x32xf32, #tpu.memory_space<hbm>> -> memref<65536x32xf32, #tpu.memory_space<hbm>>
    tpu.wait_indirect_dma semaphore(%arg14 : memref<!tpu.dma_semaphore, #tpu.memory_space<semaphore_mem>>) src(%dma_wait3A_1999 : memref<128x32xf32, #tpu.memory_space<vmem>>) dst(%dma_wait3A_2005 : memref<65536x32xf32, #tpu.memory_space<hbm>>)
    %dma_wait3A_2006 = arith.constant 2 : i32
    %dma_wait3A_2007 = arith.constant 256 : i32
    %dma_wait3A_2008 = arith.constant 0 : i32
    %dma_wait3A_2009 = tpu.memref_slice %arg10[%dma_wait3A_2007, %dma_wait3A_2008] : memref<512x32xf32, #tpu.memory_space<vmem>> -> memref<128x32xf32, #tpu.memory_space<vmem>>
    %dma_wait3A_2010 = arith.constant 0 : i32
    %dma_wait3A_2011 = tpu.memref_slice %arg9[%dma_wait3A_2006, %dma_wait3A_2010] : memref<16x128xi32, #tpu.memory_space<vmem>> -> memref<1x128xi32, #tpu.memory_space<vmem>>
    %dma_wait3A_2012 = tpu.memref_squeeze %dma_wait3A_2011 : memref<1x128xi32, #tpu.memory_space<vmem>> -> memref<128xi32, #tpu.memory_space<vmem>>
    %dma_wait3A_2013 = arith.constant 0 : i32
    %dma_wait3A_2014 = arith.constant 0 : i32
    %dma_wait3A_2015 = tpu.memref_slice %arg7[%dma_wait3A_2013, %dma_wait3A_2014] : memref<65536x32xf32, #tpu.memory_space<hbm>> -> memref<65536x32xf32, #tpu.memory_space<hbm>>
    tpu.wait_indirect_dma semaphore(%arg14 : memref<!tpu.dma_semaphore, #tpu.memory_space<semaphore_mem>>) src(%dma_wait3A_2009 : memref<128x32xf32, #tpu.memory_space<vmem>>) dst(%dma_wait3A_2015 : memref<65536x32xf32, #tpu.memory_space<hbm>>)
    %dma_wait3A_2016 = arith.constant 3 : i32
    %dma_wait3A_2017 = arith.constant 384 : i32
    %dma_wait3A_2018 = arith.constant 0 : i32
    %dma_wait3A_2019 = tpu.memref_slice %arg10[%dma_wait3A_2017, %dma_wait3A_2018] : memref<512x32xf32, #tpu.memory_space<vmem>> -> memref<128x32xf32, #tpu.memory_space<vmem>>
    %dma_wait3A_2020 = arith.constant 0 : i32
    %dma_wait3A_2021 = tpu.memref_slice %arg9[%dma_wait3A_2016, %dma_wait3A_2020] : memref<16x128xi32, #tpu.memory_space<vmem>> -> memref<1x128xi32, #tpu.memory_space<vmem>>
    %dma_wait3A_2022 = tpu.memref_squeeze %dma_wait3A_2021 : memref<1x128xi32, #tpu.memory_space<vmem>> -> memref<128xi32, #tpu.memory_space<vmem>>
    %dma_wait3A_2023 = arith.constant 0 : i32
    %dma_wait3A_2024 = arith.constant 0 : i32
    %dma_wait3A_2025 = tpu.memref_slice %arg7[%dma_wait3A_2023, %dma_wait3A_2024] : memref<65536x32xf32, #tpu.memory_space<hbm>> -> memref<65536x32xf32, #tpu.memory_space<hbm>>
    tpu.wait_indirect_dma semaphore(%arg14 : memref<!tpu.dma_semaphore, #tpu.memory_space<semaphore_mem>>) src(%dma_wait3A_2019 : memref<128x32xf32, #tpu.memory_space<vmem>>) dst(%dma_wait3A_2025 : memref<65536x32xf32, #tpu.memory_space<hbm>>)
    %dma_wait3A_2026 = arith.constant 4 : i32
    %dma_wait3A_2027 = arith.constant 0 : i32
    %dma_wait3A_2028 = arith.constant 0 : i32
    %dma_wait3A_2029 = tpu.memref_slice %arg11[%dma_wait3A_2027, %dma_wait3A_2028] : memref<512x32xf32, #tpu.memory_space<vmem>> -> memref<128x32xf32, #tpu.memory_space<vmem>>
    %dma_wait3A_2030 = arith.constant 0 : i32
    %dma_wait3A_2031 = tpu.memref_slice %arg9[%dma_wait3A_2026, %dma_wait3A_2030] : memref<16x128xi32, #tpu.memory_space<vmem>> -> memref<1x128xi32, #tpu.memory_space<vmem>>
    %dma_wait3A_2032 = tpu.memref_squeeze %dma_wait3A_2031 : memref<1x128xi32, #tpu.memory_space<vmem>> -> memref<128xi32, #tpu.memory_space<vmem>>
    %dma_wait3A_2033 = arith.constant 0 : i32
    %dma_wait3A_2034 = arith.constant 0 : i32
    %dma_wait3A_2035 = tpu.memref_slice %arg7[%dma_wait3A_2033, %dma_wait3A_2034] : memref<65536x32xf32, #tpu.memory_space<hbm>> -> memref<65536x32xf32, #tpu.memory_space<hbm>>
    tpu.wait_indirect_dma semaphore(%arg14 : memref<!tpu.dma_semaphore, #tpu.memory_space<semaphore_mem>>) src(%dma_wait3A_2029 : memref<128x32xf32, #tpu.memory_space<vmem>>) dst(%dma_wait3A_2035 : memref<65536x32xf32, #tpu.memory_space<hbm>>)
    %dma_wait3A_2036 = arith.constant 5 : i32
    %dma_wait3A_2037 = arith.constant 128 : i32
    %dma_wait3A_2038 = arith.constant 0 : i32
    %dma_wait3A_2039 = tpu.memref_slice %arg11[%dma_wait3A_2037, %dma_wait3A_2038] : memref<512x32xf32, #tpu.memory_space<vmem>> -> memref<128x32xf32, #tpu.memory_space<vmem>>
    %dma_wait3A_2040 = arith.constant 0 : i32
    %dma_wait3A_2041 = tpu.memref_slice %arg9[%dma_wait3A_2036, %dma_wait3A_2040] : memref<16x128xi32, #tpu.memory_space<vmem>> -> memref<1x128xi32, #tpu.memory_space<vmem>>
    %dma_wait3A_2042 = tpu.memref_squeeze %dma_wait3A_2041 : memref<1x128xi32, #tpu.memory_space<vmem>> -> memref<128xi32, #tpu.memory_space<vmem>>
    %dma_wait3A_2043 = arith.constant 0 : i32
    %dma_wait3A_2044 = arith.constant 0 : i32
    %dma_wait3A_2045 = tpu.memref_slice %arg7[%dma_wait3A_2043, %dma_wait3A_2044] : memref<65536x32xf32, #tpu.memory_space<hbm>> -> memref<65536x32xf32, #tpu.memory_space<hbm>>
    tpu.wait_indirect_dma semaphore(%arg14 : memref<!tpu.dma_semaphore, #tpu.memory_space<semaphore_mem>>) src(%dma_wait3A_2039 : memref<128x32xf32, #tpu.memory_space<vmem>>) dst(%dma_wait3A_2045 : memref<65536x32xf32, #tpu.memory_space<hbm>>)
    %dma_wait3A_2046 = arith.constant 6 : i32
    %dma_wait3A_2047 = arith.constant 256 : i32
    %dma_wait3A_2048 = arith.constant 0 : i32
    %dma_wait3A_2049 = tpu.memref_slice %arg11[%dma_wait3A_2047, %dma_wait3A_2048] : memref<512x32xf32, #tpu.memory_space<vmem>> -> memref<128x32xf32, #tpu.memory_space<vmem>>
    %dma_wait3A_2050 = arith.constant 0 : i32
    %dma_wait3A_2051 = tpu.memref_slice %arg9[%dma_wait3A_2046, %dma_wait3A_2050] : memref<16x128xi32, #tpu.memory_space<vmem>> -> memref<1x128xi32, #tpu.memory_space<vmem>>
    %dma_wait3A_2052 = tpu.memref_squeeze %dma_wait3A_2051 : memref<1x128xi32, #tpu.memory_space<vmem>> -> memref<128xi32, #tpu.memory_space<vmem>>
    %dma_wait3A_2053 = arith.constant 0 : i32
    %dma_wait3A_2054 = arith.constant 0 : i32
    %dma_wait3A_2055 = tpu.memref_slice %arg7[%dma_wait3A_2053, %dma_wait3A_2054] : memref<65536x32xf32, #tpu.memory_space<hbm>> -> memref<65536x32xf32, #tpu.memory_space<hbm>>
    tpu.wait_indirect_dma semaphore(%arg14 : memref<!tpu.dma_semaphore, #tpu.memory_space<semaphore_mem>>) src(%dma_wait3A_2049 : memref<128x32xf32, #tpu.memory_space<vmem>>) dst(%dma_wait3A_2055 : memref<65536x32xf32, #tpu.memory_space<hbm>>)
    %dma_wait3A_2056 = arith.constant 7 : i32
    %dma_wait3A_2057 = arith.constant 384 : i32
    %dma_wait3A_2058 = arith.constant 0 : i32
    %dma_wait3A_2059 = tpu.memref_slice %arg11[%dma_wait3A_2057, %dma_wait3A_2058] : memref<512x32xf32, #tpu.memory_space<vmem>> -> memref<128x32xf32, #tpu.memory_space<vmem>>
    %dma_wait3A_2060 = arith.constant 0 : i32
    %dma_wait3A_2061 = tpu.memref_slice %arg9[%dma_wait3A_2056, %dma_wait3A_2060] : memref<16x128xi32, #tpu.memory_space<vmem>> -> memref<1x128xi32, #tpu.memory_space<vmem>>
    %dma_wait3A_2062 = tpu.memref_squeeze %dma_wait3A_2061 : memref<1x128xi32, #tpu.memory_space<vmem>> -> memref<128xi32, #tpu.memory_space<vmem>>
    %dma_wait3A_2063 = arith.constant 0 : i32
    %dma_wait3A_2064 = arith.constant 0 : i32
    %dma_wait3A_2065 = tpu.memref_slice %arg7[%dma_wait3A_2063, %dma_wait3A_2064] : memref<65536x32xf32, #tpu.memory_space<hbm>> -> memref<65536x32xf32, #tpu.memory_space<hbm>>
    tpu.wait_indirect_dma semaphore(%arg14 : memref<!tpu.dma_semaphore, #tpu.memory_space<semaphore_mem>>) src(%dma_wait3A_2059 : memref<128x32xf32, #tpu.memory_space<vmem>>) dst(%dma_wait3A_2065 : memref<65536x32xf32, #tpu.memory_space<hbm>>)
    %dma_wait3A_2066 = arith.constant 8 : i32
    %dma_wait3A_2067 = arith.constant 0 : i32
    %dma_wait3A_2068 = arith.constant 0 : i32
    %dma_wait3A_2069 = tpu.memref_slice %arg12[%dma_wait3A_2067, %dma_wait3A_2068] : memref<512x32xf32, #tpu.memory_space<vmem>> -> memref<128x32xf32, #tpu.memory_space<vmem>>
    %dma_wait3A_2070 = arith.constant 0 : i32
    %dma_wait3A_2071 = tpu.memref_slice %arg9[%dma_wait3A_2066, %dma_wait3A_2070] : memref<16x128xi32, #tpu.memory_space<vmem>> -> memref<1x128xi32, #tpu.memory_space<vmem>>
    %dma_wait3A_2072 = tpu.memref_squeeze %dma_wait3A_2071 : memref<1x128xi32, #tpu.memory_space<vmem>> -> memref<128xi32, #tpu.memory_space<vmem>>
    %dma_wait3A_2073 = arith.constant 0 : i32
    %dma_wait3A_2074 = arith.constant 0 : i32
    %dma_wait3A_2075 = tpu.memref_slice %arg7[%dma_wait3A_2073, %dma_wait3A_2074] : memref<65536x32xf32, #tpu.memory_space<hbm>> -> memref<65536x32xf32, #tpu.memory_space<hbm>>
    tpu.wait_indirect_dma semaphore(%arg14 : memref<!tpu.dma_semaphore, #tpu.memory_space<semaphore_mem>>) src(%dma_wait3A_2069 : memref<128x32xf32, #tpu.memory_space<vmem>>) dst(%dma_wait3A_2075 : memref<65536x32xf32, #tpu.memory_space<hbm>>)
    %dma_wait3A_2076 = arith.constant 9 : i32
    %dma_wait3A_2077 = arith.constant 128 : i32
    %dma_wait3A_2078 = arith.constant 0 : i32
    %dma_wait3A_2079 = tpu.memref_slice %arg12[%dma_wait3A_2077, %dma_wait3A_2078] : memref<512x32xf32, #tpu.memory_space<vmem>> -> memref<128x32xf32, #tpu.memory_space<vmem>>
    %dma_wait3A_2080 = arith.constant 0 : i32
    %dma_wait3A_2081 = tpu.memref_slice %arg9[%dma_wait3A_2076, %dma_wait3A_2080] : memref<16x128xi32, #tpu.memory_space<vmem>> -> memref<1x128xi32, #tpu.memory_space<vmem>>
    %dma_wait3A_2082 = tpu.memref_squeeze %dma_wait3A_2081 : memref<1x128xi32, #tpu.memory_space<vmem>> -> memref<128xi32, #tpu.memory_space<vmem>>
    %dma_wait3A_2083 = arith.constant 0 : i32
    %dma_wait3A_2084 = arith.constant 0 : i32
    %dma_wait3A_2085 = tpu.memref_slice %arg7[%dma_wait3A_2083, %dma_wait3A_2084] : memref<65536x32xf32, #tpu.memory_space<hbm>> -> memref<65536x32xf32, #tpu.memory_space<hbm>>
    tpu.wait_indirect_dma semaphore(%arg14 : memref<!tpu.dma_semaphore, #tpu.memory_space<semaphore_mem>>) src(%dma_wait3A_2079 : memref<128x32xf32, #tpu.memory_space<vmem>>) dst(%dma_wait3A_2085 : memref<65536x32xf32, #tpu.memory_space<hbm>>)
    %dma_wait3A_2086 = arith.constant 10 : i32
    %dma_wait3A_2087 = arith.constant 256 : i32
    %dma_wait3A_2088 = arith.constant 0 : i32
    %dma_wait3A_2089 = tpu.memref_slice %arg12[%dma_wait3A_2087, %dma_wait3A_2088] : memref<512x32xf32, #tpu.memory_space<vmem>> -> memref<128x32xf32, #tpu.memory_space<vmem>>
    %dma_wait3A_2090 = arith.constant 0 : i32
    %dma_wait3A_2091 = tpu.memref_slice %arg9[%dma_wait3A_2086, %dma_wait3A_2090] : memref<16x128xi32, #tpu.memory_space<vmem>> -> memref<1x128xi32, #tpu.memory_space<vmem>>
    %dma_wait3A_2092 = tpu.memref_squeeze %dma_wait3A_2091 : memref<1x128xi32, #tpu.memory_space<vmem>> -> memref<128xi32, #tpu.memory_space<vmem>>
    %dma_wait3A_2093 = arith.constant 0 : i32
    %dma_wait3A_2094 = arith.constant 0 : i32
    %dma_wait3A_2095 = tpu.memref_slice %arg7[%dma_wait3A_2093, %dma_wait3A_2094] : memref<65536x32xf32, #tpu.memory_space<hbm>> -> memref<65536x32xf32, #tpu.memory_space<hbm>>
    tpu.wait_indirect_dma semaphore(%arg14 : memref<!tpu.dma_semaphore, #tpu.memory_space<semaphore_mem>>) src(%dma_wait3A_2089 : memref<128x32xf32, #tpu.memory_space<vmem>>) dst(%dma_wait3A_2095 : memref<65536x32xf32, #tpu.memory_space<hbm>>)
    %dma_wait3A_2096 = arith.constant 11 : i32
    %dma_wait3A_2097 = arith.constant 384 : i32
    %dma_wait3A_2098 = arith.constant 0 : i32
    %dma_wait3A_2099 = tpu.memref_slice %arg12[%dma_wait3A_2097, %dma_wait3A_2098] : memref<512x32xf32, #tpu.memory_space<vmem>> -> memref<128x32xf32, #tpu.memory_space<vmem>>
    %dma_wait3A_2100 = arith.constant 0 : i32
    %dma_wait3A_2101 = tpu.memref_slice %arg9[%dma_wait3A_2096, %dma_wait3A_2100] : memref<16x128xi32, #tpu.memory_space<vmem>> -> memref<1x128xi32, #tpu.memory_space<vmem>>
    %dma_wait3A_2102 = tpu.memref_squeeze %dma_wait3A_2101 : memref<1x128xi32, #tpu.memory_space<vmem>> -> memref<128xi32, #tpu.memory_space<vmem>>
    %dma_wait3A_2103 = arith.constant 0 : i32
    %dma_wait3A_2104 = arith.constant 0 : i32
    %dma_wait3A_2105 = tpu.memref_slice %arg7[%dma_wait3A_2103, %dma_wait3A_2104] : memref<65536x32xf32, #tpu.memory_space<hbm>> -> memref<65536x32xf32, #tpu.memory_space<hbm>>
    tpu.wait_indirect_dma semaphore(%arg14 : memref<!tpu.dma_semaphore, #tpu.memory_space<semaphore_mem>>) src(%dma_wait3A_2099 : memref<128x32xf32, #tpu.memory_space<vmem>>) dst(%dma_wait3A_2105 : memref<65536x32xf32, #tpu.memory_space<hbm>>)
    %dma_wait3A_2106 = arith.constant 12 : i32
    %dma_wait3A_2107 = arith.constant 0 : i32
    %dma_wait3A_2108 = arith.constant 0 : i32
    %dma_wait3A_2109 = tpu.memref_slice %arg13[%dma_wait3A_2107, %dma_wait3A_2108] : memref<512x32xf32, #tpu.memory_space<vmem>> -> memref<128x32xf32, #tpu.memory_space<vmem>>
    %dma_wait3A_2110 = arith.constant 0 : i32
    %dma_wait3A_2111 = tpu.memref_slice %arg9[%dma_wait3A_2106, %dma_wait3A_2110] : memref<16x128xi32, #tpu.memory_space<vmem>> -> memref<1x128xi32, #tpu.memory_space<vmem>>
    %dma_wait3A_2112 = tpu.memref_squeeze %dma_wait3A_2111 : memref<1x128xi32, #tpu.memory_space<vmem>> -> memref<128xi32, #tpu.memory_space<vmem>>
    %dma_wait3A_2113 = arith.constant 0 : i32
    %dma_wait3A_2114 = arith.constant 0 : i32
    %dma_wait3A_2115 = tpu.memref_slice %arg7[%dma_wait3A_2113, %dma_wait3A_2114] : memref<65536x32xf32, #tpu.memory_space<hbm>> -> memref<65536x32xf32, #tpu.memory_space<hbm>>
    tpu.wait_indirect_dma semaphore(%arg14 : memref<!tpu.dma_semaphore, #tpu.memory_space<semaphore_mem>>) src(%dma_wait3A_2109 : memref<128x32xf32, #tpu.memory_space<vmem>>) dst(%dma_wait3A_2115 : memref<65536x32xf32, #tpu.memory_space<hbm>>)
    %dma_wait3A_2116 = arith.constant 13 : i32
    %dma_wait3A_2117 = arith.constant 128 : i32
    %dma_wait3A_2118 = arith.constant 0 : i32
    %dma_wait3A_2119 = tpu.memref_slice %arg13[%dma_wait3A_2117, %dma_wait3A_2118] : memref<512x32xf32, #tpu.memory_space<vmem>> -> memref<128x32xf32, #tpu.memory_space<vmem>>
    %dma_wait3A_2120 = arith.constant 0 : i32
    %dma_wait3A_2121 = tpu.memref_slice %arg9[%dma_wait3A_2116, %dma_wait3A_2120] : memref<16x128xi32, #tpu.memory_space<vmem>> -> memref<1x128xi32, #tpu.memory_space<vmem>>
    %dma_wait3A_2122 = tpu.memref_squeeze %dma_wait3A_2121 : memref<1x128xi32, #tpu.memory_space<vmem>> -> memref<128xi32, #tpu.memory_space<vmem>>
    %dma_wait3A_2123 = arith.constant 0 : i32
    %dma_wait3A_2124 = arith.constant 0 : i32
    %dma_wait3A_2125 = tpu.memref_slice %arg7[%dma_wait3A_2123, %dma_wait3A_2124] : memref<65536x32xf32, #tpu.memory_space<hbm>> -> memref<65536x32xf32, #tpu.memory_space<hbm>>
    tpu.wait_indirect_dma semaphore(%arg14 : memref<!tpu.dma_semaphore, #tpu.memory_space<semaphore_mem>>) src(%dma_wait3A_2119 : memref<128x32xf32, #tpu.memory_space<vmem>>) dst(%dma_wait3A_2125 : memref<65536x32xf32, #tpu.memory_space<hbm>>)
    %dma_wait3A_2126 = arith.constant 14 : i32
    %dma_wait3A_2127 = arith.constant 256 : i32
    %dma_wait3A_2128 = arith.constant 0 : i32
    %dma_wait3A_2129 = tpu.memref_slice %arg13[%dma_wait3A_2127, %dma_wait3A_2128] : memref<512x32xf32, #tpu.memory_space<vmem>> -> memref<128x32xf32, #tpu.memory_space<vmem>>
    %dma_wait3A_2130 = arith.constant 0 : i32
    %dma_wait3A_2131 = tpu.memref_slice %arg9[%dma_wait3A_2126, %dma_wait3A_2130] : memref<16x128xi32, #tpu.memory_space<vmem>> -> memref<1x128xi32, #tpu.memory_space<vmem>>
    %dma_wait3A_2132 = tpu.memref_squeeze %dma_wait3A_2131 : memref<1x128xi32, #tpu.memory_space<vmem>> -> memref<128xi32, #tpu.memory_space<vmem>>
    %dma_wait3A_2133 = arith.constant 0 : i32
    %dma_wait3A_2134 = arith.constant 0 : i32
    %dma_wait3A_2135 = tpu.memref_slice %arg7[%dma_wait3A_2133, %dma_wait3A_2134] : memref<65536x32xf32, #tpu.memory_space<hbm>> -> memref<65536x32xf32, #tpu.memory_space<hbm>>
    tpu.wait_indirect_dma semaphore(%arg14 : memref<!tpu.dma_semaphore, #tpu.memory_space<semaphore_mem>>) src(%dma_wait3A_2129 : memref<128x32xf32, #tpu.memory_space<vmem>>) dst(%dma_wait3A_2135 : memref<65536x32xf32, #tpu.memory_space<hbm>>)
    %dma_wait3A_2136 = arith.constant 15 : i32
    %dma_wait3A_2137 = arith.constant 384 : i32
    %dma_wait3A_2138 = arith.constant 0 : i32
    %dma_wait3A_2139 = tpu.memref_slice %arg13[%dma_wait3A_2137, %dma_wait3A_2138] : memref<512x32xf32, #tpu.memory_space<vmem>> -> memref<128x32xf32, #tpu.memory_space<vmem>>
    %dma_wait3A_2140 = arith.constant 0 : i32
    %dma_wait3A_2141 = tpu.memref_slice %arg9[%dma_wait3A_2136, %dma_wait3A_2140] : memref<16x128xi32, #tpu.memory_space<vmem>> -> memref<1x128xi32, #tpu.memory_space<vmem>>
    %dma_wait3A_2142 = tpu.memref_squeeze %dma_wait3A_2141 : memref<1x128xi32, #tpu.memory_space<vmem>> -> memref<128xi32, #tpu.memory_space<vmem>>
    %dma_wait3A_2143 = arith.constant 0 : i32
    %dma_wait3A_2144 = arith.constant 0 : i32
    %dma_wait3A_2145 = tpu.memref_slice %arg7[%dma_wait3A_2143, %dma_wait3A_2144] : memref<65536x32xf32, #tpu.memory_space<hbm>> -> memref<65536x32xf32, #tpu.memory_space<hbm>>
    tpu.wait_indirect_dma semaphore(%arg14 : memref<!tpu.dma_semaphore, #tpu.memory_space<semaphore_mem>>) src(%dma_wait3A_2139 : memref<128x32xf32, #tpu.memory_space<vmem>>) dst(%dma_wait3A_2145 : memref<65536x32xf32, #tpu.memory_space<hbm>>)
    return
  }
}

</mosaic_0001>

<sc_bundles>
// kernel: _gather_concat.3.cloned.1.call-start
scs
__scs_entry_jumppad:
0x0: {  	(pc) =	sbr.rel $0x88, $3  }
0x1: {  	(tag) =	ssettag $0x0;
	lr =	simm.s32 $0x1  }
0x2: {  	[smem:$0x3F9C] =	sst lr;
	_ =	strace $0xD0000000  }
0x3: {  	_ = 	snop  }
0x4: {  	_ = 	snop  }
0x5: {  	_ = 	snop  }
0x6: {  	_ = 	snop  }
0x7: {  	_ = 	snop  }
__scs_overlays_trampoline_lowered:
0x8: {  	[smem:$0x3FAB] =	sst s0  }
0x9: {  	[smem:$0x3FAC] =	sst s1  }
0xa: {  	[smem:$0x3FAD] =	sst s2  }
0xb: {  	[smem:$0x3FAE] =	sst s3  }
0xc: {  	[smem:$0x3FAF] =	sst s4  }
0xd: {  	[smem:$0x3FB0] =	sst s5  }
0xe: {  	[smem:$0x3FB1] =	sst s6  }
0xf: {  	[smem:$0x3FB2] =	sst s7  }
0x10: {  	[smem:$0x3FB3] =	sst s8  }
0x11: {  	[smem:$0x3FB4] =	sst s9;
	s0 =	simm.s32 @!p0 $0x0  }
0x12: {  	s1 =	sld [smem:$0x3F9A];
	s0 =	simm.s32 @p0 $0x1  }
0x13: {  	[smem:$0x3FB5] =	sst s0;
	s0 =	simm.s32 @!p1 $0x0  }
0x14: {  	s2 =	sld [smem:$0x3F99];
	s0 =	simm.s32 @p1 $0x1  }
0x15: {  	[smem:$0x3FB6] =	sst s0;
	s0 =	simm.s32 @!p2 $0x0  }
0x16: {  	s3 =	sld [smem:$0x3FDB];
	s0 =	simm.s32 @p2 $0x1  }
0x17: {  	s4 =	simm.s32 $0x1BF5;
	[smem:$0x3FB8] =	sst s0  }
0x18: {  	s0 =	sld [smem:$0x3F9B];
	_ =	swait.ge [sflag:s4], $0x0  }
0x19: {  	s7 =	sld [smem:$0x3F9C]  }
0x1a: {  	s8 =	sadd.s32 $0xFFFFE003, lr  }
0x1b: {  	s9 =	sadd.s32 $0xFFFFFEF7, lr;
	s5 =	simm.s32 $0xFFFFFFFF;
	p2 =	slt.u32 s8, $0xFFFFF086  }
0x1c: {  	p1 =	slt.u32 s9, $0xF7A;
	s5 =	simm.s32 @!p2 $0x0  }
0x1d: {  	s5 =	simm.s32 @p1 $0x1;
	p0 =	seq.s32 s7, s2  }
0x1e: {  	s7 =	smul.u32 @!p0 $0xF7A, s2;
	p2 =	seq.s32 @!p0 s5, $0x0  }
0x1f: {  	s9 =	smul.u32 $0xF7A, s1;
	s8 =	simm.s32 @!p0 $0x1BF5;
	p2 =	por !p2, p0  }
0x20: {  	[sflag:s8] =	ssyncset.s32 @!p0 $0xFFFFF086;
	s6 =	sadd.s32 @!p0 s3, s7;
	s7 =	simm.s32 @!p0 $0x108  }
0x21: {  	s3 =	sadd.s32 s3, s9;
	s6 =	sadd.s32 @!p0 $0x88, s6;
	s7 =	simm.s32 @p2 $0x1082  }
0x22: {  	[simem:s7], [sflag:s8] =	dma.local @!p0 [hbm:s6], $0xF7A  }
0x23: {  	s9 =	sor.u32 $0xD0000000, s2;
	s6 =	simm.s32 $0x108;
	_ =	swait.ge @!p0 [sflag:s8], $0x0  }
0x24: {  	s3 =	sadd.s32 $0x88, s3;
	s6 =	simm.s32 @!p1 $0x1082;
	[sflag:s4] =	ssyncset.s32 $0xFFFFF086  }
0x25: {  	[simem:s6], [sflag:s4] =	dma.local [hbm:s3], $0xF7A  }
0x26: {  	[smem:$0x3F9C] =	sst s1;
	(tag) =	ssettag s2;
	_ =	strace s9  }
0x27: {  	s1 =	sld [smem:$0x3FAC]  }
0x28: {  	s2 =	sld [smem:$0x3FAD]  }
0x29: {  	s4 =	sld [smem:$0x3FAF]  }
0x2a: {  	p0 =	seq.s32 s5, $0x0;
	s5 =	sld [smem:$0x3FB0]  }
0x2b: {  	s6 =	sld [smem:$0x3FB1]  }
0x2c: {  	s7 =	sld [smem:$0x3FB2]  }
0x2d: {  	s3 =	simm.s32 $0x108;
	s8 =	sld [smem:$0x3FB3]  }
0x2e: {  	s3 =	simm.s32 @!p0 $0x1082;
	s9 =	sld [smem:$0x3FB4]  }
0x2f: {  	lr =	sadd.s32 s0, s3;
	s0 =	sld [smem:$0x3FAB]  }
0x30: {  	s3 =	sld [smem:$0x3FAE]  }
0x31: {  	[smem:$0x3FB7] =	sst s10  }
0x32: {  	s10 =	sld [smem:$0x3FB5];
	_ =	sdelay $0x3  }
0x33: {  	p0 =	seq.s32 s10, $0x1;
	s10 =	sld [smem:$0x3FB7];
	_ =	sdelay $0x3  }
0x34: {  	[smem:$0x3FB7] =	sst s10  }
0x35: {  	s10 =	sld [smem:$0x3FB6];
	_ =	sdelay $0x3  }
0x36: {  	p1 =	seq.s32 s10, $0x1;
	s10 =	sld [smem:$0x3FB7];
	_ =	sdelay $0x3  }
0x37: {  	[smem:$0x3FB7] =	sst s10  }
0x38: {  	s10 =	sld [smem:$0x3FB8]  }
0x39: {  	_ = 	snop;
	(pc) =	sbr.ind lr, $3  }
0x3a: {  	_ = 	snop  }
0x3b: {  	_ = 	snop  }
0x3c: {  	p2 =	seq.s32 s10, $0x1;
	s10 =	sld [smem:$0x3FB7]  }
0x3d: {  	_ =	shalt  }
0x3e: {  	_ =	shalt  }
0x3f: {  	_ =	shalt  }
0x40: {  	_ =	shalt  }
0x41: {  	_ =	shalt  }
0x42: {  	_ =	shalt  }
0x43: {  	_ =	shalt  }
0x44: {  	_ =	shalt  }
0x45: {  	_ =	shalt  }
0x46: {  	_ =	shalt  }
0x47: {  	_ =	shalt  }
0x48: {  	_ =	shalt  }
0x49: {  	_ =	shalt  }
0x4a: {  	_ =	shalt  }
0x4b: {  	_ =	shalt  }
0x4c: {  	_ =	shalt  }
0x4d: {  	_ =	shalt  }
0x4e: {  	_ =	shalt  }
0x4f: {  	_ =	shalt  }
0x50: {  	_ =	shalt  }
0x51: {  	_ =	shalt  }
0x52: {  	_ =	shalt  }
0x53: {  	_ =	shalt  }
0x54: {  	_ =	shalt  }
0x55: {  	_ =	shalt  }
0x56: {  	_ =	shalt  }
0x57: {  	_ =	shalt  }
0x58: {  	_ =	shalt  }
0x59: {  	_ =	shalt  }
0x5a: {  	_ =	shalt  }
0x5b: {  	_ =	shalt  }
0x5c: {  	_ =	shalt  }
0x5d: {  	_ =	shalt  }
0x5e: {  	_ =	shalt  }
0x5f: {  	_ =	shalt  }
0x60: {  	_ =	shalt  }
0x61: {  	_ =	shalt  }
0x62: {  	_ =	shalt  }
0x63: {  	_ =	shalt  }
0x64: {  	_ =	shalt  }
0x65: {  	_ =	shalt  }
0x66: {  	_ =	shalt  }
0x67: {  	_ =	shalt  }
0x68: {  	_ =	shalt  }
0x69: {  	_ =	shalt  }
0x6a: {  	_ =	shalt  }
0x6b: {  	_ =	shalt  }
0x6c: {  	_ =	shalt  }
0x6d: {  	_ =	shalt  }
0x6e: {  	_ =	shalt  }
0x6f: {  	_ =	shalt  }
0x70: {  	_ =	shalt  }
0x71: {  	_ =	shalt  }
0x72: {  	_ =	shalt  }
0x73: {  	_ =	shalt  }
0x74: {  	_ =	shalt  }
0x75: {  	_ =	shalt  }
0x76: {  	_ =	shalt  }
0x77: {  	_ =	shalt  }
0x78: {  	_ =	shalt  }
0x79: {  	_ =	shalt  }
0x7a: {  	_ =	shalt  }
0x7b: {  	_ =	shalt  }
0x7c: {  	_ =	shalt  }
0x7d: {  	_ =	shalt  }
0x7e: {  	_ =	shalt  }
0x7f: {  	_ =	shalt  }
0x80: {  	_ =	shalt  }
0x81: {  	_ =	shalt  }
0x82: {  	_ =	shalt  }
0x83: {  	_ =	shalt  }
0x84: {  	_ =	shalt  }
0x85: {  	_ =	shalt  }
0x86: {  	_ =	shalt  }
0x87: {  	_ =	shalt  }
.Lfunc_end0:
.L_simem_size_0:
called_computation_lowered:
.L_overlay_start_0:
0x88: {  	s2 =	sld [smem:$0x3FD9]  }
0x89: {  	s3 =	sld [smem:$0x3FFE];
	_ =	sdelay $0x1  }
0x8a: {  	s1 =	srdreg.scid  }
0x8b: {  	s0 =	sand.u32 $0x1, s1  }
0x8c: {  	s17 =	sshll.u32 s0, $0xA;
	s2 =	sadd.s32 s3, s2  }
0x8d: {  	s2 =	sadd.s32 s2, s17  }
0x8e: {  	[smem:$0x3FC3] =	sst s2  }
0x8f: {  	_ = 	snop  }
0x90: {  	s2 =	sld [smem:$0x3FC9]  }
0x91: {  	s18 =	sld [smem:$0x3FD0];
	(tm) =	ssettm $0x1  }
0x92: {  	s4 =	sld [smem:$0x3FFB];
	_ =	sdelay $0x3  }
0x93: {  	_ =	strace s4  }
0x94: {  	s4 =	sld [smem:$0x3FFC];
	_ =	sdelay $0x3  }
0x95: {  	_ =	strace s4  }
0x96: {  	s4 =	sld [smem:$0x3FFD];
	_ =	sdelay $0x3  }
0x97: {  	_ =	strace s4  }
0x98: {  	_ =	strace $0x8FFFFFFF  }
0x99: {  	s19 =	sld [smem:$0x3FDB];
	_ =	sdelay $0x1  }
0x9a: {  	s5 =	simm.s32 $_scs_section_size  }
0x9b: {  	s6 =	simm.s32 $_size__tile_overlayer_lowered;
	s7 =	simm.s32 $_tile_overlayer_lowered  }
0x9c: {  	s22 =	simm.s32 $0x1BFF;
	s21 =	sshll.u32 s7, $0x1;
	s4 =	sadd.s32 s5, s19  }
0x9d: {  	s8 =	simm.s32 $0x0;
	s20 =	sshll.u32 s6, $0x1;
	s6 =	sadd.s32 s21, s4  }
0x9e: {  	[timem:s8], [sflag:s22] =	dma.local [hbm:s6], s20  }
0x9f: {  	_ =	swait.ge [sflag:s22], s20  }
0xa0: {  	s5 =	ssub.s32 $0x0, s20;
	[sflag:s22] =	ssyncset.done $0x0  }
0xa1: {  	[sflag:s22] =	ssyncadd.s32 s5;
	_ =	sdelay $0x1  }
0xa2: {  	s23 =	simm.s32 $0x1B8B  }
0xa3: {  	_ =	swait.ge [sflag:s23], $0x1  }
0xa4: {  	[sflag:s23] =	ssyncset.done $0x0  }
0xa5: {  	s25 =	simm.s32 $0x1B8E;
	s24 =	sld [smem:$0x3FFE];
	[sflag:s23] =	ssyncadd.s32 $0xFFFFFFFF  }
0xa6: {  	s26 =	simm.s32 $execute0_lowered;
	[smem:$0x3FD2] =	sst s25  }
0xa7: {  	s6 =	sshll.u32 s26, $0x1;
	_ =	strace $0x80000046;
	[dreg:$0x1] =	wrdreg $0xFFFFFFFF  }
0xa8: {  	s28 =	simm.s32 $_size_execute0_lowered;
	s4 =	sadd.s32 s4, s6;
	[dreg:$0x0] =	wrdreg $0x0  }
0xa9: {  	s6 =	sshll.u32 s28, $0x1;
	[dreg:$0x2] =	wrdreg s4  }
0xaa: {  	[dreg:$0x3] =	wrdreg s6  }
0xab: {  	[dreg:$0x4] =	wrdreg $0xC0  }
0xac: {  	_ =	task [dreg:s8], $0x5FFFF  }
0xad: {  	[dreg:$0x1] =	wrdreg $0xFFFFFFFF  }
0xae: {  	[dreg:$0x0] =	wrdreg $0x60  }
0xaf: {  	[dreg:$0x2] =	wrdreg s2  }
0xb0: {  	[dreg:$0x3] =	wrdreg s24  }
0xb1: {  	[dreg:$0x4] =	wrdreg s18  }
0xb2: {  	[dreg:$0x5] =	wrdreg $0x9  }
0xb3: {  	_ =	task.clear_ibuf [dreg:s8], $0x6FFFF;
	_ =	strace $0x90000046  }
0xb4: {  	s29 =	simm.s32 $0x9;
	_ =	strace $0x80000048  }
0xb5: {  	_ =	swait.ge [sflag:s29], $0x1  }
0xb6: {  	[sflag:s29] =	ssyncadd.s32 $0xFFFFFFFF  }
0xb7: {  	_ =	strace $0x90000048  }
0xb8: {  	_ =	sfence  }
0xb9: {  	s30 =	sld [smem:$0x0];
	_ =	sdelay $0x2  }
0xba: {  	s31 =	sshll.u32 s1, $0xD;
	s1 =	sshrl.u32 s1, $0x2  }
0xbb: {  	s3 =	sand.u32 $0x4000, s31;
	s1 =	sadd.s32 s1, s30  }
0xbc: {  	s0 =	sor.u32 s3, s0;
	s1 =	sshll.u32 s1, $0x11  }
0xbd: {  	s0 =	sor.u32 s1, s0  }
0xbe: {  	s0 =	sadd.s32 $0x8F2B, s0  }
0xbf: {  	[sflag:s0] =	ssyncadd.remote.s32 $0x1  }
0xc0: {  	_ =	sfence.sel $0xFFFF  }
0xc1: {  	[dreg:$0x0] =	wrdreg $0xFFFFFFFF;
	(pc) =	sbr.abs _section_cstart, $3  }
0xc2: {  	[dreg:$0x1] =	wrdreg $0xFFFFFFFF  }
0xc3: {  	_ =	task.clear_ibuf [dreg:s8], $0x2FFFF;
	_ =	strace $0x9FFFFFFF  }
0xc4: {  	(tm) =	ssettm $0x7FFFFFFF  }
0xc5: {  	_ =	shalt  }
tec
execute0_lowered:
.L_overlay_start_1:
0x0: {  	(tag) =	ssettag $0x1  }
0x1: {  	s1 =	srdreg.scid;
	s0 =	stileid.u32  }
0x2: {  	v0 =	vlaneseq.u32;
	s9 =	sand.u32 $0x1, s1;
	s15 =	sshll.u32 s0, $0x1  }
0x3: {  	v60 =	vmul.u32 $0x4, v0;
	s8 =	sor.u32 s9, s15  }
0x4: {  	s1 =	sshll.u32 s8, $0xB  }
0x5: {  	v61 =	vor.u32 $0x1, v60;
	v0 =	vor.u32 s1, v60  }
0x6: {  	v62 =	vor.u32 $0x2, v60;
	[tilespmem:$0x1FBF0] =	vst v0;
	v0 =	vor.u32 s1, v61  }
0x7: {  	v63 =	vor.u32 $0x3, v60;
	[tilespmem:$0x1FC00] =	vst v0;
	v0 =	vor.u32 s1, v62  }
0x8: {  	s2 =	sor.u32 $0x40, s1;
	[tilespmem:$0x1FC10] =	vst v0;
	v0 =	vor.u32 s1, v63  }
0x9: {  	[tilespmem:$0x1FC20] =	vst v0;
	v0 =	vor.u32 s2, v60  }
0xa: {  	[tilespmem:$0x1FC30] =	vst v0;
	v0 =	vor.u32 s2, v61  }
0xb: {  	[tilespmem:$0x1FC40] =	vst v0;
	v0 =	vor.u32 s2, v62  }
0xc: {  	s16 =	sor.u32 $0x80, s1;
	[tilespmem:$0x1FC50] =	vst v0;
	v0 =	vor.u32 s2, v63  }
0xd: {  	[tilespmem:$0x1FC60] =	vst v0;
	v0 =	vor.u32 s16, v60  }
0xe: {  	[tilespmem:$0x1FC70] =	vst v0;
	v0 =	vor.u32 s16, v61  }
0xf: {  	[tilespmem:$0x1FC80] =	vst v0;
	v0 =	vor.u32 s16, v62  }
0x10: {  	s3 =	sor.u32 $0xC0, s1;
	[tilespmem:$0x1FC90] =	vst v0;
	v0 =	vor.u32 s16, v63  }
0x11: {  	[tilespmem:$0x1FCA0] =	vst v0;
	v0 =	vor.u32 s3, v60  }
0x12: {  	[tilespmem:$0x1FCB0] =	vst v0;
	v0 =	vor.u32 s3, v61  }
0x13: {  	[tilespmem:$0x1FCC0] =	vst v0;
	v0 =	vor.u32 s3, v62  }
0x14: {  	s17 =	sor.u32 $0x100, s1;
	[tilespmem:$0x1FCD0] =	vst v0;
	v0 =	vor.u32 s3, v63  }
0x15: {  	[tilespmem:$0x1FCE0] =	vst v0;
	v0 =	vor.u32 s17, v60  }
0x16: {  	[tilespmem:$0x1FCF0] =	vst v0;
	v0 =	vor.u32 s17, v61  }
0x17: {  	[tilespmem:$0x1FD00] =	vst v0;
	v0 =	vor.u32 s17, v62  }
0x18: {  	s18 =	sor.u32 $0x140, s1;
	[tilespmem:$0x1FD10] =	vst v0;
	v0 =	vor.u32 s17, v63  }
0x19: {  	[tilespmem:$0x1FD20] =	vst v0;
	v0 =	vor.u32 s18, v60  }
0x1a: {  	[tilespmem:$0x1FD30] =	vst v0;
	v0 =	vor.u32 s18, v61  }
0x1b: {  	[tilespmem:$0x1FD40] =	vst v0;
	v0 =	vor.u32 s18, v62  }
0x1c: {  	s19 =	sor.u32 $0x180, s1;
	[tilespmem:$0x1FD50] =	vst v0;
	v0 =	vor.u32 s18, v63  }
0x1d: {  	[tilespmem:$0x1FD60] =	vst v0;
	v0 =	vor.u32 s19, v60  }
0x1e: {  	[tilespmem:$0x1FD70] =	vst v0;
	v0 =	vor.u32 s19, v61  }
0x1f: {  	[tilespmem:$0x1FD80] =	vst v0;
	v0 =	vor.u32 s19, v62  }
0x20: {  	s20 =	sor.u32 $0x1C0, s1;
	[tilespmem:$0x1FD90] =	vst v0;
	v0 =	vor.u32 s19, v63  }
0x21: {  	[tilespmem:$0x1FDA0] =	vst v0;
	v0 =	vor.u32 s20, v60  }
0x22: {  	[tilespmem:$0x1FDB0] =	vst v0;
	v0 =	vor.u32 s20, v61  }
0x23: {  	s26 =	sor.u32 $0x440, s1;
	[tilespmem:$0x1FDC0] =	vst v0;
	v0 =	vor.u32 s20, v62  }
0x24: {  	s4 =	sor.u32 $0x200, s1;
	v4 =	vor.u32 s26, v60;
	v5 =	vor.u32 s26, v61;
	[tilespmem:$0x1FDD0] =	vst v0;
	v0 =	vor.u32 s20, v63  }
0x25: {  	s31 =	sor.u32 $0x480, s1;
	v6 =	vor.u32 s26, v62;
	v7 =	vor.u32 s26, v63;
	[tilespmem:$0x1FDE0] =	vst v0;
	v0 =	vor.u32 s4, v60  }
0x26: {  	v8 =	vor.u32 s31, v60;
	v9 =	vor.u32 s31, v61;
	[tilespmem:$0x1FDF0] =	vst v0;
	v0 =	vor.u32 s4, v61  }
0x27: {  	s13 =	sor.u32 $0x4C0, s1;
	v10 =	vor.u32 s31, v62;
	v11 =	vor.u32 s31, v63;
	[tilespmem:$0x1FE00] =	vst v0;
	v0 =	vor.u32 s4, v62  }
0x28: {  	s5 =	sor.u32 $0x240, s1;
	v12 =	vor.u32 s13, v60;
	v13 =	vor.u32 s13, v61;
	[tilespmem:$0x1FE10] =	vst v0;
	v0 =	vor.u32 s4, v63  }
0x29: {  	s14 =	sor.u32 $0x500, s1;
	v14 =	vor.u32 s13, v62;
	v15 =	vor.u32 s13, v63;
	[tilespmem:$0x1FE20] =	vst v0;
	v0 =	vor.u32 s5, v60  }
0x2a: {  	v16 =	vor.u32 s14, v60;
	v17 =	vor.u32 s14, v61;
	[tilespmem:$0x1FE30] =	vst v0;
	v0 =	vor.u32 s5, v61  }
0x2b: {  	s10 =	rddreg [dreg:$0x0];
	s9 =	ssub.s32 $0x2, s9;
	s15 =	sor.u32 $0x540, s1;
	v18 =	vor.u32 s14, v62;
	v19 =	vor.u32 s14, v63;
	[tilespmem:$0x1FE40] =	vst v0;
	v0 =	vor.u32 s5, v62  }
0x2c: {  	s7 =	rddreg [dreg:$0x1];
	s22 =	sshrl.u32 s9, $0x1;
	s21 =	sor.u32 $0x280, s1;
	v20 =	vor.u32 s15, v60;
	v21 =	vor.u32 s15, v61;
	[tilespmem:$0x1FE50] =	vst v0;
	v0 =	vor.u32 s5, v63  }
0x2d: {  	s9 =	ssub.s32 s9, s22;
	s22 =	sor.u32 $0x5C0, s1;
	v22 =	vor.u32 s15, v62;
	v23 =	vor.u32 s15, v63;
	s3 =	simm.s32 $0x0;
	[tilespmem:$0x1FE60] =	vst v0;
	v0 =	vor.u32 s21, v60  }
0x2e: {  	v28 =	vor.u32 s22, v60;
	v29 =	vor.u32 s22, v61;
	[smem:$0x7FF] =	sst s3;
	[tilespmem:$0x1FE70] =	vst v0;
	v0 =	vor.u32 s21, v61  }
0x2f: {  	s26 =	sor.u32 $0x780, s1;
	v30 =	vor.u32 s22, v62;
	v31 =	vor.u32 s22, v63;
	s2 =	rddreg [dreg:$0x2];
	_ =	strace $0x80000047;
	[tilespmem:$0x1FE80] =	vst v0;
	v0 =	vor.u32 s21, v62  }
0x30: {  	s6 =	sor.u32 $0x2C0, s1;
	v56 =	vor.u32 s26, v60;
	v57 =	vor.u32 s26, v61;
	[tilespmem:$0x1FE90] =	vst v0;
	v0 =	vor.u32 s21, v63  }
0x31: {  	s28 =	simm.s32 $0xEA00;
	v58 =	vor.u32 s26, v62;
	v59 =	vor.u32 s26, v63;
	s16 =	sor.u32 $0x600, s1;
	[tilespmem:$0x1FEA0] =	vst v0;
	v0 =	vor.u32 s6, v60  }
0x32: {  	s29 =	simm.s32 $0xFA00;
	s30 =	simm.s32 $0x1;
	s0 =	simm.s32 $0x200;
	v32 =	vor.u32 s16, v60;
	v33 =	vor.u32 s16, v61;
	[tilespmem:$0x1FEB0] =	vst v0;
	v0 =	vor.u32 s6, v61  }
0x33: {  	s8 =	sshll.u32 s8, $0x6;
	s11 =	sor.u32 $0x300, s1;
	v34 =	vor.u32 s16, v62;
	v35 =	vor.u32 s16, v63;
	s17 =	sor.u32 $0x640, s1;
	[tilespmem:$0x1FEC0] =	vst v0;
	v0 =	vor.u32 s6, v62  }
0x34: {  	s12 =	sor.u32 $0x340, s1;
	s23 =	sor.u32 $0x380, s1;
	s8 =	sadd.s32 s10, s8;
	v36 =	vor.u32 s17, v60;
	v37 =	vor.u32 s17, v61;
	[tilespmem:$0x1FED0] =	vst v0;
	v0 =	vor.u32 s6, v63  }
0x35: {  	s24 =	sor.u32 $0x3C0, s1;
	s25 =	sor.u32 $0x400, s1;
	v38 =	vor.u32 s17, v62;
	v39 =	vor.u32 s17, v63;
	s18 =	sor.u32 $0x580, s1;
	[tilespmem:$0x1FEE0] =	vst v0;
	v0 =	vor.u32 s11, v60  }
0x36: {  	s10 =	simm.s32 $0x80;
	s13 =	simm.s32 $0x380;
	s14 =	simm.s32 $0x400;
	v24 =	vor.u32 s18, v60;
	v25 =	vor.u32 s18, v61;
	[tilespmem:$0x1FEF0] =	vst v0;
	v0 =	vor.u32 s11, v61  }
0x37: {  	s15 =	simm.s32 $0x480;
	s31 =	simm.s32 $0x680;
	v26 =	vor.u32 s18, v62;
	v27 =	vor.u32 s18, v63;
	s19 =	sor.u32 $0x680, s1;
	[tilespmem:$0x1FF00] =	vst v0;
	v0 =	vor.u32 s11, v62  }
0x38: {  	s22 =	simm.s32 $0x9A00;
	s26 =	simm.s32 $0xDA00;
	s16 =	simm.s32 $0x3A00;
	v40 =	vor.u32 s19, v60;
	v41 =	vor.u32 s19, v61;
	[tilespmem:$0x1FF10] =	vst v0;
	v0 =	vor.u32 s11, v63  }
0x39: {  	s17 =	simm.s32 $0x4A00;
	v42 =	vor.u32 s19, v62;
	v43 =	vor.u32 s19, v63;
	s20 =	sor.u32 $0x6C0, s1;
	[dreg:$0x4] =	wrdreg s8;
	[tilespmem:$0x1FF20] =	vst v0;
	v0 =	vor.u32 s12, v60  }
0x3a: {  	s18 =	simm.s32 $0x500;
	s19 =	simm.s32 $0x6A00;
	v44 =	vor.u32 s20, v60;
	v45 =	vor.u32 s20, v61;
	[dreg:$0x5] =	wrdreg s0;
	[tilespmem:$0x1FF30] =	vst v0;
	v0 =	vor.u32 s12, v61  }
0x3b: {  	v46 =	vor.u32 s20, v62;
	v47 =	vor.u32 s20, v63;
	s20 =	simm.s32 $0x7A00;
	s4 =	sadd.s32 $0x189E00, s7;
	[dreg:$0x8] =	wrdreg s13;
	[tilespmem:$0x1FF40] =	vst v0;
	v0 =	vor.u32 s12, v62  }
0x3c: {  	s5 =	sadd.s32 $0x1EBA00, s7;
	s8 =	smax.u32 s9, $0x1;
	[dreg:$0x9] =	wrdreg s14;
	[tilespmem:$0x1FF50] =	vst v0;
	v0 =	vor.u32 s12, v63  }
0x3d: {  	s9 =	simm.s32 $0x2;
	s13 =	simm.s32 $0x100;
	[dreg:$0xa] =	wrdreg s15;
	[tilespmem:$0x1FF60] =	vst v0;
	v0 =	vor.u32 s23, v60  }
0x3e: {  	s14 =	simm.s32 $0x2A00;
	[dreg:$0xb] =	wrdreg s18;
	s15 =	simm.s32 $0x180;
	[tilespmem:$0x1FF70] =	vst v0;
	v0 =	vor.u32 s23, v61  }
0x3f: {  	[dreg:$0xe] =	wrdreg s31;
	s0 =	simm.s32 $0x700;
	s21 =	sor.u32 $0x700, s1;
	[tilespmem:$0x1FF80] =	vst v0;
	v0 =	vor.u32 s23, v62  }
0x40: {  	s18 =	simm.s32 $0x5A00;
	s31 =	simm.s32 $0x880;
	[dreg:$0xf] =	wrdreg s0;
	v48 =	vor.u32 s21, v60;
	v49 =	vor.u32 s21, v61;
	[tilespmem:$0x1FF90] =	vst v0;
	v0 =	vor.u32 s23, v63  }
0x41: {  	[dreg:$0x12] =	wrdreg s31;
	v50 =	vor.u32 s21, v62;
	v51 =	vor.u32 s21, v63;
	s21 =	simm.s32 $0x8A00;
	s11 =	simm.s32 $0x280;
	[tilespmem:$0x1FFA0] =	vst v0;
	v0 =	vor.u32 s24, v60  }
0x42: {  	s6 =	sadd.s32 $0x24D600, s7;
	[dreg:$0x6] =	wrdreg s11;
	s12 =	simm.s32 $0x300;
	[tilespmem:$0x1FFB0] =	vst v0;
	v0 =	vor.u32 s24, v61  }
0x43: {  	v1 =	vor.u32 s25, v61;
	s7 =	sadd.s32 $0x2AF200, s7;
	s11 =	simm.s32 $0xA00;
	[dreg:$0x7] =	wrdreg s12;
	[tilespmem:$0x1FFC0] =	vst v0;
	v0 =	vor.u32 s24, v62  }
0x44: {  	v2 =	vor.u32 s25, v62;
	v3 =	vor.u32 s25, v63;
	s12 =	simm.s32 $0x1A00;
	s23 =	sor.u32 $0x740, s1;
	[tilespmem:$0x1FFD0] =	vst v0;
	v0 =	vor.u32 s24, v63;
	s24 =	simm.s32 $0x580  }
0x45: {  	s1 =	sor.u32 $0x7C0, s1;
	v52 =	vor.u32 s23, v60;
	v53 =	vor.u32 s23, v61;
	[tilespmem:$0x1FFE0] =	vst v0;
	v0 =	vor.u32 s25, v60;
	[dreg:$0xc] =	wrdreg s24;
	s25 =	simm.s32 $0x600  }
0x46: {  	v54 =	vor.u32 s23, v62;
	v55 =	vor.u32 s23, v63;
	s23 =	simm.s32 $0xAA00;
	v61 =	vor.u32 s1, v61;
	s24 =	simm.s32 $0x780;
	[dreg:$0xd] =	wrdreg s25  }
0x47: {  	v62 =	vor.u32 s1, v62;
	v63 =	vor.u32 s1, v63;
	v60 =	vor.u32 s1, v60;
	s1 =	simm.s32 $0x980;
	[dreg:$0x10] =	wrdreg s24;
	s25 =	simm.s32 $0x800  }
0x48: {  	[tilespmem:$0x1FFF0] =	vst v0;
	s24 =	simm.s32 $0xBA00;
	[dreg:$0x11] =	wrdreg s25;
	s25 =	simm.s32 $0xCA00  }
.LBB2_1:
0x49: {  	s0 =	rddreg [dreg:$0x4]  }
0x4a: {  	[tilespmem:s3], [sflag:$0x2] =	stream.linear.gather [hbm4b:s0+s3], $0x200, $0x38;
	[tilespmem:$0x10A00] =	vst v63  }
0x4b: {  	_ =	swait.ge [sflag:s9], $0x200  }
0x4c: {  	[sflag:s9] =	ssyncset.done $0x0  }
0x4d: {  	[sflag:s9] =	ssyncadd.s32 $0xFFFFFE00  }
0x4e: {  	[tilespmem:s11], [sflag:$0x1] =	stream.indirect.gather [hbm4b:s4+s10], $0x20, s3, s10, $0xb8;
	[tilespmem:$0x10A00] =	vst v63  }
0x4f: {  	_ = 	snop  }
0x50: {  	[tilespmem:s12], [sflag:$0x1] =	stream.indirect.gather [hbm4b:s4+s10], $0x20, s10, s10, $0xb8;
	[tilespmem:$0x10A00] =	vst v63  }
0x51: {  	_ = 	snop  }
0x52: {  	[tilespmem:s14], [sflag:$0x1] =	stream.indirect.gather [hbm4b:s4+s10], $0x20, s13, s10, $0xb8;
	[tilespmem:$0x10A00] =	vst v63  }
0x53: {  	_ = 	snop  }
0x54: {  	[tilespmem:s16], [sflag:$0x1] =	stream.indirect.gather [hbm4b:s4+s10], $0x20, s15, s10, $0xb8;
	[tilespmem:$0x10A00] =	vst v63  }
0x55: {  	_ = 	snop  }
0x56: {  	[tilespmem:s17], [sflag:$0x1] =	stream.indirect.gather [hbm4b:s5+s10], $0x20, s3, s10, $0xb8;
	[tilespmem:$0x10A00] =	vst v63  }
0x57: {  	_ = 	snop  }
0x58: {  	[tilespmem:s18], [sflag:$0x1] =	stream.indirect.gather [hbm4b:s5+s10], $0x20, s10, s10, $0xb8;
	[tilespmem:$0x10A00] =	vst v63  }
0x59: {  	_ = 	snop  }
0x5a: {  	[tilespmem:s19], [sflag:$0x1] =	stream.indirect.gather [hbm4b:s5+s10], $0x20, s13, s10, $0xb8;
	[tilespmem:$0x10A00] =	vst v63  }
0x5b: {  	_ = 	snop  }
0x5c: {  	[tilespmem:s20], [sflag:$0x1] =	stream.indirect.gather [hbm4b:s5+s10], $0x20, s15, s10, $0xb8;
	[tilespmem:$0x10A00] =	vst v63  }
0x5d: {  	_ = 	snop  }
0x5e: {  	[tilespmem:s21], [sflag:$0x1] =	stream.indirect.gather [hbm4b:s6+s10], $0x20, s3, s10, $0xb8;
	[tilespmem:$0x10A00] =	vst v63  }
0x5f: {  	_ = 	snop  }
0x60: {  	[tilespmem:s22], [sflag:$0x1] =	stream.indirect.gather [hbm4b:s6+s10], $0x20, s10, s10, $0xb8;
	[tilespmem:$0x10A00] =	vst v63  }
0x61: {  	_ = 	snop  }
0x62: {  	[tilespmem:s23], [sflag:$0x1] =	stream.indirect.gather [hbm4b:s6+s10], $0x20, s13, s10, $0xb8;
	[tilespmem:$0x10A00] =	vst v63  }
0x63: {  	_ = 	snop  }
0x64: {  	[tilespmem:s24], [sflag:$0x1] =	stream.indirect.gather [hbm4b:s6+s10], $0x20, s15, s10, $0xb8;
	[tilespmem:$0x10A00] =	vst v63  }
0x65: {  	_ = 	snop  }
0x66: {  	[tilespmem:s25], [sflag:$0x1] =	stream.indirect.gather [hbm4b:s7+s10], $0x20, s3, s10, $0xb8;
	[tilespmem:$0x10A00] =	vst v63  }
0x67: {  	_ = 	snop  }
0x68: {  	v0 =	vld [tilespmem:$0x1FBF0];
	[tilespmem:s26], [sflag:$0x1] =	stream.indirect.gather [hbm4b:s7+s10], $0x20, s10, s10, $0xb8  }
0x69: {  	_ = 	snop  }
0x6a: {  	[tilespmem:s28], [sflag:$0x1] =	stream.indirect.gather [hbm4b:s7+s10], $0x20, s13, s10, $0xb8;
	[tilespmem:$0x10A00] =	vst v63  }
0x6b: {  	_ = 	snop  }
0x6c: {  	[tilespmem:s29], [sflag:$0x1] =	stream.indirect.gather [hbm4b:s7+s10], $0x20, s15, s10, $0xb8;
	[tilespmem:$0x10A00] =	vst v63  }
0x6d: {  	[tilespmem:$0x200] =	vst v0;
	v0 =	vld [tilespmem:$0x1FC00];
	_ =	sdelay $0x4  }
0x6e: {  	[tilespmem:$0x400] =	vst v0;
	v0 =	vld [tilespmem:$0x1FC10];
	_ =	sdelay $0x4  }
0x6f: {  	[tilespmem:$0x600] =	vst v0;
	v0 =	vld [tilespmem:$0x1FC20];
	_ =	sdelay $0x4  }
0x70: {  	[tilespmem:$0x800] =	vst v0;
	v0 =	vld [tilespmem:$0x1FC30];
	_ =	sdelay $0x4  }
0x71: {  	[tilespmem:$0x210] =	vst v0;
	v0 =	vld [tilespmem:$0x1FC40];
	_ =	sdelay $0x4  }
0x72: {  	[tilespmem:$0x410] =	vst v0;
	v0 =	vld [tilespmem:$0x1FC50];
	_ =	sdelay $0x4  }
0x73: {  	[tilespmem:$0x610] =	vst v0;
	v0 =	vld [tilespmem:$0x1FC60];
	_ =	sdelay $0x4  }
0x74: {  	[tilespmem:$0x810] =	vst v0;
	v0 =	vld [tilespmem:$0x1FC70];
	_ =	sdelay $0x4  }
0x75: {  	[tilespmem:$0x220] =	vst v0;
	v0 =	vld [tilespmem:$0x1FC80];
	_ =	sdelay $0x4  }
0x76: {  	[tilespmem:$0x420] =	vst v0;
	v0 =	vld [tilespmem:$0x1FC90];
	_ =	sdelay $0x4  }
0x77: {  	[tilespmem:$0x620] =	vst v0;
	v0 =	vld [tilespmem:$0x1FCA0];
	_ =	sdelay $0x4  }
0x78: {  	[tilespmem:$0x820] =	vst v0;
	v0 =	vld [tilespmem:$0x1FCB0];
	_ =	sdelay $0x4  }
0x79: {  	[tilespmem:$0x230] =	vst v0;
	v0 =	vld [tilespmem:$0x1FCC0];
	_ =	sdelay $0x4  }
0x7a: {  	[tilespmem:$0x430] =	vst v0;
	v0 =	vld [tilespmem:$0x1FCD0];
	_ =	sdelay $0x4  }
0x7b: {  	[tilespmem:$0x630] =	vst v0;
	v0 =	vld [tilespmem:$0x1FCE0];
	_ =	sdelay $0x4  }
0x7c: {  	[tilespmem:$0x830] =	vst v0;
	v0 =	vld [tilespmem:$0x1FCF0];
	_ =	sdelay $0x4  }
0x7d: {  	[tilespmem:$0x240] =	vst v0;
	v0 =	vld [tilespmem:$0x1FD00];
	_ =	sdelay $0x4  }
0x7e: {  	[tilespmem:$0x440] =	vst v0;
	v0 =	vld [tilespmem:$0x1FD10];
	_ =	sdelay $0x4  }
0x7f: {  	[tilespmem:$0x640] =	vst v0;
	v0 =	vld [tilespmem:$0x1FD20];
	_ =	sdelay $0x4  }
0x80: {  	[tilespmem:$0x840] =	vst v0;
	v0 =	vld [tilespmem:$0x1FD30];
	_ =	sdelay $0x4  }
0x81: {  	[tilespmem:$0x250] =	vst v0;
	v0 =	vld [tilespmem:$0x1FD40];
	_ =	sdelay $0x4  }
0x82: {  	[tilespmem:$0x450] =	vst v0;
	v0 =	vld [tilespmem:$0x1FD50];
	_ =	sdelay $0x4  }
0x83: {  	[tilespmem:$0x650] =	vst v0;
	v0 =	vld [tilespmem:$0x1FD60];
	_ =	sdelay $0x4  }
0x84: {  	[tilespmem:$0x850] =	vst v0;
	v0 =	vld [tilespmem:$0x1FD70];
	_ =	sdelay $0x4  }
0x85: {  	[tilespmem:$0x260] =	vst v0;
	v0 =	vld [tilespmem:$0x1FD80];
	_ =	sdelay $0x4  }
0x86: {  	[tilespmem:$0x460] =	vst v0;
	v0 =	vld [tilespmem:$0x1FD90];
	_ =	sdelay $0x4  }
0x87: {  	[tilespmem:$0x660] =	vst v0;
	v0 =	vld [tilespmem:$0x1FDA0];
	_ =	sdelay $0x4  }
0x88: {  	[tilespmem:$0x860] =	vst v0;
	v0 =	vld [tilespmem:$0x1FDB0];
	_ =	sdelay $0x4  }
0x89: {  	[tilespmem:$0x270] =	vst v0;
	v0 =	vld [tilespmem:$0x1FDC0];
	_ =	sdelay $0x4  }
0x8a: {  	[tilespmem:$0x470] =	vst v0;
	v0 =	vld [tilespmem:$0x1FDD0];
	_ =	sdelay $0x4  }
0x8b: {  	[tilespmem:$0x670] =	vst v0;
	v0 =	vld [tilespmem:$0x1FDE0];
	_ =	sdelay $0x4  }
0x8c: {  	[tilespmem:$0x870] =	vst v0;
	v0 =	vld [tilespmem:$0x1FDF0];
	_ =	sdelay $0x4  }
0x8d: {  	[tilespmem:$0x280] =	vst v0;
	v0 =	vld [tilespmem:$0x1FE00];
	_ =	sdelay $0x4  }
0x8e: {  	[tilespmem:$0x480] =	vst v0;
	v0 =	vld [tilespmem:$0x1FE10];
	_ =	sdelay $0x4  }
0x8f: {  	[tilespmem:$0x680] =	vst v0;
	v0 =	vld [tilespmem:$0x1FE20];
	_ =	sdelay $0x4  }
0x90: {  	[tilespmem:$0x880] =	vst v0;
	v0 =	vld [tilespmem:$0x1FE30];
	_ =	sdelay $0x4  }
0x91: {  	[tilespmem:$0x290] =	vst v0;
	v0 =	vld [tilespmem:$0x1FE40];
	_ =	sdelay $0x4  }
0x92: {  	[tilespmem:$0x490] =	vst v0;
	v0 =	vld [tilespmem:$0x1FE50];
	_ =	sdelay $0x4  }
0x93: {  	[tilespmem:$0x690] =	vst v0;
	v0 =	vld [tilespmem:$0x1FE60];
	_ =	sdelay $0x4  }
0x94: {  	[tilespmem:$0x890] =	vst v0;
	v0 =	vld [tilespmem:$0x1FE70];
	_ =	sdelay $0x4  }
0x95: {  	[tilespmem:$0x2A0] =	vst v0;
	v0 =	vld [tilespmem:$0x1FE80];
	_ =	sdelay $0x4  }
0x96: {  	[tilespmem:$0x4A0] =	vst v0;
	v0 =	vld [tilespmem:$0x1FE90];
	_ =	sdelay $0x4  }
0x97: {  	[tilespmem:$0x6A0] =	vst v0;
	v0 =	vld [tilespmem:$0x1FEA0];
	_ =	sdelay $0x4  }
0x98: {  	[tilespmem:$0x8A0] =	vst v0;
	v0 =	vld [tilespmem:$0x1FEB0];
	_ =	sdelay $0x4  }
0x99: {  	[tilespmem:$0x2B0] =	vst v0;
	v0 =	vld [tilespmem:$0x1FEC0];
	_ =	sdelay $0x4  }
0x9a: {  	[tilespmem:$0x4B0] =	vst v0;
	v0 =	vld [tilespmem:$0x1FED0];
	_ =	sdelay $0x4  }
0x9b: {  	[tilespmem:$0x6B0] =	vst v0;
	v0 =	vld [tilespmem:$0x1FEE0];
	_ =	sdelay $0x4  }
0x9c: {  	[tilespmem:$0x8B0] =	vst v0;
	v0 =	vld [tilespmem:$0x1FEF0];
	_ =	sdelay $0x4  }
0x9d: {  	[tilespmem:$0x2C0] =	vst v0;
	v0 =	vld [tilespmem:$0x1FF00];
	_ =	sdelay $0x1  }
0x9e: {  	[tilespmem:$0x500] =	vst v1  }
0x9f: {  	[tilespmem:$0x700] =	vst v2  }
0xa0: {  	[tilespmem:$0x900] =	vst v3  }
0xa1: {  	[tilespmem:$0x4C0] =	vst v0;
	v0 =	vld [tilespmem:$0x1FF10]  }
0xa2: {  	[tilespmem:$0x310] =	vst v4  }
0xa3: {  	[tilespmem:$0x510] =	vst v5  }
0xa4: {  	[tilespmem:$0x710] =	vst v6  }
0xa5: {  	[tilespmem:$0x910] =	vst v7  }
0xa6: {  	[tilespmem:$0x6C0] =	vst v0;
	v0 =	vld [tilespmem:$0x1FF20]  }
0xa7: {  	[tilespmem:$0x320] =	vst v8  }
0xa8: {  	[tilespmem:$0x520] =	vst v9  }
0xa9: {  	[tilespmem:$0x720] =	vst v10  }
0xaa: {  	[tilespmem:$0x920] =	vst v11  }
0xab: {  	[tilespmem:$0x8C0] =	vst v0;
	v0 =	vld [tilespmem:$0x1FF30]  }
0xac: {  	[tilespmem:$0x330] =	vst v12  }
0xad: {  	[tilespmem:$0x530] =	vst v13  }
0xae: {  	[tilespmem:$0x730] =	vst v14  }
0xaf: {  	[tilespmem:$0x930] =	vst v15  }
0xb0: {  	[tilespmem:$0x2D0] =	vst v0;
	v0 =	vld [tilespmem:$0x1FF40]  }
0xb1: {  	[tilespmem:$0x340] =	vst v16  }
0xb2: {  	[tilespmem:$0x540] =	vst v17  }
0xb3: {  	[tilespmem:$0x740] =	vst v18  }
0xb4: {  	[tilespmem:$0x940] =	vst v19  }
0xb5: {  	[tilespmem:$0x4D0] =	vst v0;
	v0 =	vld [tilespmem:$0x1FF50]  }
0xb6: {  	[tilespmem:$0x350] =	vst v20  }
0xb7: {  	[tilespmem:$0x550] =	vst v21  }
0xb8: {  	[tilespmem:$0x750] =	vst v22  }
0xb9: {  	[tilespmem:$0x950] =	vst v23  }
0xba: {  	[tilespmem:$0x6D0] =	vst v0;
	v0 =	vld [tilespmem:$0x1FF60]  }
0xbb: {  	[tilespmem:$0x360] =	vst v24  }
0xbc: {  	[tilespmem:$0x560] =	vst v25  }
0xbd: {  	[tilespmem:$0x760] =	vst v26  }
0xbe: {  	[tilespmem:$0x960] =	vst v27  }
0xbf: {  	[tilespmem:$0x8D0] =	vst v0;
	v0 =	vld [tilespmem:$0x1FF70]  }
0xc0: {  	[tilespmem:$0x370] =	vst v28  }
0xc1: {  	[tilespmem:$0x570] =	vst v29  }
0xc2: {  	[tilespmem:$0x770] =	vst v30  }
0xc3: {  	[tilespmem:$0x970] =	vst v31  }
0xc4: {  	[tilespmem:$0x2E0] =	vst v0;
	v0 =	vld [tilespmem:$0x1FF80]  }
0xc5: {  	[tilespmem:$0x380] =	vst v32  }
0xc6: {  	[tilespmem:$0x580] =	vst v33  }
0xc7: {  	[tilespmem:$0x780] =	vst v34  }
0xc8: {  	[tilespmem:$0x980] =	vst v35  }
0xc9: {  	[tilespmem:$0x4E0] =	vst v0;
	v0 =	vld [tilespmem:$0x1FF90]  }
0xca: {  	[tilespmem:$0x390] =	vst v36  }
0xcb: {  	[tilespmem:$0x590] =	vst v37  }
0xcc: {  	[tilespmem:$0x790] =	vst v38  }
0xcd: {  	[tilespmem:$0x990] =	vst v39  }
0xce: {  	[tilespmem:$0x6E0] =	vst v0;
	v0 =	vld [tilespmem:$0x1FFA0]  }
0xcf: {  	[tilespmem:$0x3A0] =	vst v40  }
0xd0: {  	[tilespmem:$0x5A0] =	vst v41  }
0xd1: {  	[tilespmem:$0x7A0] =	vst v42  }
0xd2: {  	[tilespmem:$0x9A0] =	vst v43  }
0xd3: {  	[tilespmem:$0x8E0] =	vst v0;
	v0 =	vld [tilespmem:$0x1FFB0]  }
0xd4: {  	[tilespmem:$0x3B0] =	vst v44  }
0xd5: {  	[tilespmem:$0x5B0] =	vst v45  }
0xd6: {  	[tilespmem:$0x7B0] =	vst v46  }
0xd7: {  	[tilespmem:$0x9B0] =	vst v47  }
0xd8: {  	[tilespmem:$0x2F0] =	vst v0;
	v0 =	vld [tilespmem:$0x1FFC0]  }
0xd9: {  	[tilespmem:$0x3C0] =	vst v48  }
0xda: {  	[tilespmem:$0x5C0] =	vst v49  }
0xdb: {  	[tilespmem:$0x7C0] =	vst v50  }
0xdc: {  	[tilespmem:$0x9C0] =	vst v51  }
0xdd: {  	[tilespmem:$0x4F0] =	vst v0;
	v0 =	vld [tilespmem:$0x1FFD0]  }
0xde: {  	[tilespmem:$0x3D0] =	vst v52  }
0xdf: {  	[tilespmem:$0x5D0] =	vst v53  }
0xe0: {  	[tilespmem:$0x7D0] =	vst v54  }
0xe1: {  	[tilespmem:$0x9D0] =	vst v55  }
0xe2: {  	[tilespmem:$0x6F0] =	vst v0;
	v0 =	vld [tilespmem:$0x1FFE0]  }
0xe3: {  	[tilespmem:$0x3E0] =	vst v56  }
0xe4: {  	[tilespmem:$0x5E0] =	vst v57  }
0xe5: {  	[tilespmem:$0x7E0] =	vst v58  }
0xe6: {  	[tilespmem:$0x9E0] =	vst v59  }
0xe7: {  	[tilespmem:$0x8F0] =	vst v0;
	v0 =	vld [tilespmem:$0x1FFF0]  }
0xe8: {  	[tilespmem:$0x3F0] =	vst v60  }
0xe9: {  	[tilespmem:$0x5F0] =	vst v61  }
0xea: {  	[tilespmem:$0x7F0] =	vst v62  }
0xeb: {  	[tilespmem:$0x9F0] =	vst v63  }
0xec: {  	[tilespmem:$0x300] =	vst v0  }
0xed: {  	_ =	swait.ge [sflag:s30], $0x1000  }
0xee: {  	[sflag:s30] =	ssyncset.done $0x0  }
0xef: {  	[sflag:s30] =	ssyncadd.s32 $0xFFFFF000  }
0xf0: {  	_ =	swait.ge [sflag:s30], $0x1000  }
0xf1: {  	[sflag:s30] =	ssyncset.done $0x0  }
0xf2: {  	[sflag:s30] =	ssyncadd.s32 $0xFFFFF000  }
0xf3: {  	_ =	swait.ge [sflag:s30], $0x1000  }
0xf4: {  	[sflag:s30] =	ssyncset.done $0x0  }
0xf5: {  	[sflag:s30] =	ssyncadd.s32 $0xFFFFF000  }
0xf6: {  	_ =	swait.ge [sflag:s30], $0x1000  }
0xf7: {  	[sflag:s30] =	ssyncset.done $0x0  }
0xf8: {  	[sflag:s30] =	ssyncadd.s32 $0xFFFFF000  }
0xf9: {  	_ =	swait.ge [sflag:s30], $0x1000  }
0xfa: {  	[sflag:s30] =	ssyncset.done $0x0  }
0xfb: {  	[sflag:s30] =	ssyncadd.s32 $0xFFFFF000  }
0xfc: {  	_ =	swait.ge [sflag:s30], $0x1000  }
0xfd: {  	[sflag:s30] =	ssyncset.done $0x0  }
0xfe: {  	[sflag:s30] =	ssyncadd.s32 $0xFFFFF000  }
0xff: {  	_ =	swait.ge [sflag:s30], $0x1000  }
0x100: {  	[sflag:s30] =	ssyncset.done $0x0  }
0x101: {  	[sflag:s30] =	ssyncadd.s32 $0xFFFFF000  }
0x102: {  	_ =	swait.ge [sflag:s30], $0x1000  }
0x103: {  	[sflag:s30] =	ssyncset.done $0x0  }
0x104: {  	[sflag:s30] =	ssyncadd.s32 $0xFFFFF000  }
0x105: {  	_ =	swait.ge [sflag:s30], $0x1000  }
0x106: {  	[sflag:s30] =	ssyncset.done $0x0  }
0x107: {  	[sflag:s30] =	ssyncadd.s32 $0xFFFFF000  }
0x108: {  	_ =	swait.ge [sflag:s30], $0x1000  }
0x109: {  	[sflag:s30] =	ssyncset.done $0x0  }
0x10a: {  	[sflag:s30] =	ssyncadd.s32 $0xFFFFF000  }
0x10b: {  	_ =	swait.ge [sflag:s30], $0x1000  }
0x10c: {  	[sflag:s30] =	ssyncset.done $0x0  }
0x10d: {  	[sflag:s30] =	ssyncadd.s32 $0xFFFFF000  }
0x10e: {  	_ =	swait.ge [sflag:s30], $0x1000  }
0x10f: {  	[sflag:s30] =	ssyncset.done $0x0  }
0x110: {  	[sflag:s30] =	ssyncadd.s32 $0xFFFFF000  }
0x111: {  	_ =	swait.ge [sflag:s30], $0x1000  }
0x112: {  	[sflag:s30] =	ssyncset.done $0x0  }
0x113: {  	[sflag:s30] =	ssyncadd.s32 $0xFFFFF000  }
0x114: {  	_ =	swait.ge [sflag:s30], $0x1000  }
0x115: {  	[sflag:s30] =	ssyncset.done $0x0  }
0x116: {  	[sflag:s30] =	ssyncadd.s32 $0xFFFFF000  }
0x117: {  	_ =	swait.ge [sflag:s30], $0x1000  }
0x118: {  	[sflag:s30] =	ssyncset.done $0x0  }
0x119: {  	[sflag:s30] =	ssyncadd.s32 $0xFFFFF000  }
0x11a: {  	_ =	swait.ge [sflag:s30], $0x1000  }
0x11b: {  	[sflag:s30] =	ssyncset.done $0x0  }
0x11c: {  	s0 =	rddreg [dreg:$0x5];
	[sflag:s30] =	ssyncadd.s32 $0xFFFFF000  }
0x11d: {  	[hbm4b:s2+s10] =	stream.indirect.scatter [tilespmem:s11], [sflag:$0x1], $0x20, s0, s10, $0xb8;
	[tilespmem:$0x10A00] =	vst v63  }
0x11e: {  	s31 =	rddreg [dreg:$0x6]  }
0x11f: {  	[hbm4b:s2+s10] =	stream.indirect.scatter [tilespmem:s12], [sflag:$0x1], $0x20, s31, s10, $0xb8;
	[tilespmem:$0x10A00] =	vst v63  }
0x120: {  	s0 =	rddreg [dreg:$0x7]  }
0x121: {  	[hbm4b:s2+s10] =	stream.indirect.scatter [tilespmem:s14], [sflag:$0x1], $0x20, s0, s10, $0xb8;
	[tilespmem:$0x10A00] =	vst v63  }
0x122: {  	s31 =	rddreg [dreg:$0x8]  }
0x123: {  	[hbm4b:s2+s10] =	stream.indirect.scatter [tilespmem:s16], [sflag:$0x1], $0x20, s31, s10, $0xb8;
	[tilespmem:$0x10A00] =	vst v63  }
0x124: {  	s0 =	rddreg [dreg:$0x9]  }
0x125: {  	[hbm4b:s2+s10] =	stream.indirect.scatter [tilespmem:s17], [sflag:$0x1], $0x20, s0, s10, $0xb8;
	[tilespmem:$0x10A00] =	vst v63  }
0x126: {  	s31 =	rddreg [dreg:$0xa]  }
0x127: {  	[hbm4b:s2+s10] =	stream.indirect.scatter [tilespmem:s18], [sflag:$0x1], $0x20, s31, s10, $0xb8;
	[tilespmem:$0x10A00] =	vst v63  }
0x128: {  	s0 =	rddreg [dreg:$0xb]  }
0x129: {  	[hbm4b:s2+s10] =	stream.indirect.scatter [tilespmem:s19], [sflag:$0x1], $0x20, s0, s10, $0xb8;
	[tilespmem:$0x10A00] =	vst v63  }
0x12a: {  	s31 =	rddreg [dreg:$0xc]  }
0x12b: {  	[hbm4b:s2+s10] =	stream.indirect.scatter [tilespmem:s20], [sflag:$0x1], $0x20, s31, s10, $0xb8;
	[tilespmem:$0x10A00] =	vst v63  }
0x12c: {  	s0 =	rddreg [dreg:$0xd]  }
0x12d: {  	[hbm4b:s2+s10] =	stream.indirect.scatter [tilespmem:s21], [sflag:$0x1], $0x20, s0, s10, $0xb8;
	[tilespmem:$0x10A00] =	vst v63  }
0x12e: {  	s31 =	rddreg [dreg:$0xe]  }
0x12f: {  	[hbm4b:s2+s10] =	stream.indirect.scatter [tilespmem:s22], [sflag:$0x1], $0x20, s31, s10, $0xb8;
	[tilespmem:$0x10A00] =	vst v63  }
0x130: {  	s0 =	rddreg [dreg:$0xf]  }
0x131: {  	[hbm4b:s2+s10] =	stream.indirect.scatter [tilespmem:s23], [sflag:$0x1], $0x20, s0, s10, $0xb8;
	[tilespmem:$0x10A00] =	vst v63  }
0x132: {  	s31 =	rddreg [dreg:$0x10]  }
0x133: {  	[hbm4b:s2+s10] =	stream.indirect.scatter [tilespmem:s24], [sflag:$0x1], $0x20, s31, s10, $0xb8;
	[tilespmem:$0x10A00] =	vst v63  }
0x134: {  	s0 =	rddreg [dreg:$0x11]  }
0x135: {  	[hbm4b:s2+s10] =	stream.indirect.scatter [tilespmem:s25], [sflag:$0x1], $0x20, s0, s10, $0xb8;
	[tilespmem:$0x10A00] =	vst v63  }
0x136: {  	s31 =	rddreg [dreg:$0x12]  }
0x137: {  	[hbm4b:s2+s10] =	stream.indirect.scatter [tilespmem:s26], [sflag:$0x1], $0x20, s31, s10, $0xb8;
	[tilespmem:$0x10A00] =	vst v63  }
0x138: {  	s31 =	simm.s32 $0x900  }
0x139: {  	[hbm4b:s2+s10] =	stream.indirect.scatter [tilespmem:s28], [sflag:$0x1], $0x20, s31, s10, $0xb8;
	[tilespmem:$0x10A00] =	vst v63  }
0x13a: {  	_ = 	snop  }
0x13b: {  	[hbm4b:s2+s10] =	stream.indirect.scatter [tilespmem:s29], [sflag:$0x1], $0x20, s1, s10, $0xb8;
	[tilespmem:$0x10A00] =	vst v63  }
0x13c: {  	_ =	swait.ge [sflag:s30], $0x1000  }
0x13d: {  	[sflag:s30] =	ssyncset.done $0x0  }
0x13e: {  	[sflag:s30] =	ssyncadd.s32 $0xFFFFF000  }
0x13f: {  	_ =	swait.ge [sflag:s30], $0x1000  }
0x140: {  	[sflag:s30] =	ssyncset.done $0x0  }
0x141: {  	[sflag:s30] =	ssyncadd.s32 $0xFFFFF000  }
0x142: {  	_ =	swait.ge [sflag:s30], $0x1000  }
0x143: {  	[sflag:s30] =	ssyncset.done $0x0  }
0x144: {  	[sflag:s30] =	ssyncadd.s32 $0xFFFFF000  }
0x145: {  	_ =	swait.ge [sflag:s30], $0x1000  }
0x146: {  	[sflag:s30] =	ssyncset.done $0x0  }
0x147: {  	[sflag:s30] =	ssyncadd.s32 $0xFFFFF000  }
0x148: {  	_ =	swait.ge [sflag:s30], $0x1000  }
0x149: {  	[sflag:s30] =	ssyncset.done $0x0  }
0x14a: {  	[sflag:s30] =	ssyncadd.s32 $0xFFFFF000  }
0x14b: {  	_ =	swait.ge [sflag:s30], $0x1000  }
0x14c: {  	[sflag:s30] =	ssyncset.done $0x0  }
0x14d: {  	[sflag:s30] =	ssyncadd.s32 $0xFFFFF000  }
0x14e: {  	_ =	swait.ge [sflag:s30], $0x1000  }
0x14f: {  	[sflag:s30] =	ssyncset.done $0x0  }
0x150: {  	[sflag:s30] =	ssyncadd.s32 $0xFFFFF000  }
0x151: {  	_ =	swait.ge [sflag:s30], $0x1000  }
0x152: {  	[sflag:s30] =	ssyncset.done $0x0  }
0x153: {  	[sflag:s30] =	ssyncadd.s32 $0xFFFFF000  }
0x154: {  	_ =	swait.ge [sflag:s30], $0x1000  }
0x155: {  	[sflag:s30] =	ssyncset.done $0x0  }
0x156: {  	[sflag:s30] =	ssyncadd.s32 $0xFFFFF000  }
0x157: {  	_ =	swait.ge [sflag:s30], $0x1000  }
0x158: {  	[sflag:s30] =	ssyncset.done $0x0  }
0x159: {  	[sflag:s30] =	ssyncadd.s32 $0xFFFFF000  }
0x15a: {  	_ =	swait.ge [sflag:s30], $0x1000  }
0x15b: {  	[sflag:s30] =	ssyncset.done $0x0  }
0x15c: {  	[sflag:s30] =	ssyncadd.s32 $0xFFFFF000  }
0x15d: {  	_ =	swait.ge [sflag:s30], $0x1000  }
0x15e: {  	[sflag:s30] =	ssyncset.done $0x0  }
0x15f: {  	[sflag:s30] =	ssyncadd.s32 $0xFFFFF000  }
0x160: {  	_ =	swait.ge [sflag:s30], $0x1000  }
0x161: {  	[sflag:s30] =	ssyncset.done $0x0  }
0x162: {  	[sflag:s30] =	ssyncadd.s32 $0xFFFFF000  }
0x163: {  	_ =	swait.ge [sflag:s30], $0x1000  }
0x164: {  	[sflag:s30] =	ssyncset.done $0x0  }
0x165: {  	[sflag:s30] =	ssyncadd.s32 $0xFFFFF000  }
0x166: {  	p0 =	sne.s32 s8, $0x1;
	_ =	swait.ge [sflag:s30], $0x1000  }
.Ltmp0:
0x167: {  	[sflag:s30] =	ssyncset.done $0x0;
	(pc) =	sbr.rel @p0 .LBB2_1-.Ltmp0, $4  }
0x168: {  	[sflag:s30] =	ssyncadd.s32 $0xFFFFF000  }
0x169: {  	_ =	swait.ge [sflag:s30], $0x1000  }
0x16a: {  	[sflag:s30] =	ssyncset.done $0x0  }
0x16b: {  	s8 =	sadd.s32 $0xFFFFFFFF, s8;
	[sflag:s30] =	ssyncadd.s32 $0xFFFFF000  }
0x16c: {  	_ =	sfence.sel $0x180000  }
0x16d: {  	[bflag:$0x0] =	sbarrier.arrive $0xFFFF  }
0x16e: {  	_ =	strace $0x90000047  }
0x16f: {  	s0 =	stileid.u32;
	[bflag:$0x2] =	sbarrier.arrive $0xFFFF  }
0x170: {  	p0 =	sne.s32 s0, $0x0;
	s0 =	rddreg [dreg:$0x3]  }
0x171: {  	s0 =	sadd.s32 @!p0 $0x100000, s0  }
0x172: {  	[sflag:s0] =	ssyncadd.tile.s32 @!p0 $0x1;
	_ =	shalt  }
.Lfunc_end2:
_tile_overlayer_lowered:
.L_overlay_start_2:
0x173: {  	(tag) =	ssettag $0x2  }
0x174: {  	s0 =	rddreg [dreg:$0x0];
	s2 =	stileid.u32  }
0x175: {  	s1 =	rddreg [dreg:$0x1];
	p0 =	sne.s32 s2, $0x0  }
0x176: {  	s3 =	rddreg [dreg:$0x2];
	[bflag:$0x3] =	sbarrier.arrive $0xFFFF;
	s2 =	simm.s32 @!p0 $0x1C02  }
0x177: {  	[timem:s3], [sflag:s2] =	dma.local @!p0 [hbm:s0], s1  }
0x178: {  	s0 =	simm.s32 @!p0 $0x2  }
0x179: {  	_ =	swait.ge @!p0 [sflag:s0], s1  }
0x17a: {  	s1 =	ssub.s32 @!p0 $0x0, s1;
	[sflag:s0] =	ssyncset.done @!p0 $0x0  }
0x17b: {  	[sflag:s0] =	ssyncadd.s32 @!p0 s1  }
0x17c: {  	[bflag:$0x3] =	sbarrier.arrive $0xFFFF  }
0x17d: {  	_ =	shalt  }

</sc_bundles>
